<compile_context>
chip_gen: v7x
topology: tpu7x:2x2x1
jax: 0.10.2.dev20260603
libtpu: 0.0.44.dev20260713+nightly
codegen_flags: <defaults>
</compile_context>

<pallas_src>
import functools
import math

import jax
import jax.numpy as jnp
from jax import lax
from jax.experimental import pallas as pl
from jax.experimental.pallas import tpu as pltpu
from jax.experimental.pallas import tpu_sc as plsc

N = 10000
E = 320000
Q = 8192
C = 128
EPS = 1e-5

_NC = 2
_NS = 16
_LL = 16
_EPW = E // (_NC * _NS)
_CH = 80
_NCH = _EPW // _CH
_NP = 10240
_RPT = _NP // _NS


def _sc_mesh():
    return plsc.VectorSubcoreMesh(core_axis_name="c", subcore_axis_name="s",
                                  num_cores=_NC, num_subcores=_NS)


def _sc_agg(y, src, dst, ewb, zmat):
    @functools.partial(
        pl.kernel, mesh=_sc_mesh(),
        out_type=jax.ShapeDtypeStruct((_NC, _NP, C), jnp.float32),
        scratch_types=[
            pltpu.VMEM((_CH,), jnp.int32),
            pltpu.VMEM((_CH,), jnp.int32),
            pltpu.VMEM((_CH, _LL), jnp.float32),
            pltpu.VMEM((_CH, C), jnp.float32),
            pltpu.VMEM_SHARED((_NP, C), jnp.float32),
        ],
    )
    def k(y_hbm, src_hbm, dst_hbm, ew_hbm, z_hbm, out_hbm,
          sidx_v, didx_v, w_v, rows_v, acc_sh):
        c = lax.axis_index("c")
        s = lax.axis_index("s")
        pltpu.sync_copy(z_hbm.at[pl.ds(s * _RPT, _RPT), :],
                        acc_sh.at[pl.ds(s * _RPT, _RPT), :])
        plsc.subcore_barrier()
        base = (c * _NS + s) * _EPW

        def body(i, carry):
            off = base + i * _CH
            pltpu.sync_copy(src_hbm.at[pl.ds(off, _CH)], sidx_v)
            pltpu.sync_copy(dst_hbm.at[pl.ds(off, _CH)], didx_v)
            pltpu.sync_copy(ew_hbm.at[pl.ds(off, _CH), :], w_v)
            pltpu.sync_copy(y_hbm.at[sidx_v], rows_v)

            def scale_row(r, cc):
                wv = w_v[r, :]
                for j in range(C // _LL):
                    sl = pl.ds(j * _LL, _LL)
                    rows_v[r, sl] = rows_v[r, sl] * wv
                return cc

            lax.fori_loop(0, _CH, scale_row, 0)
            pltpu.sync_copy(rows_v, acc_sh.at[didx_v], add=True)
            return carry

        lax.fori_loop(0, _NCH, body, 0)
        plsc.subcore_barrier()
        pltpu.sync_copy(acc_sh.at[pl.ds(s * _RPT, _RPT), :],
                        out_hbm.at[c, pl.ds(s * _RPT, _RPT), :])

    return k(y, src, dst, ewb, zmat)


def _bn(x, g, b):
    m = jnp.mean(x, axis=0, keepdims=True)
    v = jnp.mean((x - m) ** 2, axis=0, keepdims=True)
    return (x - m) * jax.lax.rsqrt(v + EPS) * g + b


def _ka_body(x_ref, pe_g, pe_b, pe_W, pe_bias, gcn_W, h_ref, xw_ref):
    h = _bn(x_ref[...], pe_g[...], pe_b[...])
    h = jnp.dot(h, pe_W[...], preferred_element_type=jnp.float32) + pe_bias[...]
    h_ref[...] = h
    xw_ref[...] = jnp.dot(h, gcn_W[...], preferred_element_type=jnp.float32)


def _kernel_a(x, p):
    return pl.pallas_call(
        _ka_body,
        out_shape=[
            jax.ShapeDtypeStruct((N, C), jnp.float32),
            jax.ShapeDtypeStruct((N, C), jnp.float32),
        ],
    )(x, p['pe_g'], p['pe_b'], p['pe_W'], p['pe_bias'], p['gcn_W'])


def _qkv_body(h_ref, Wq, bq, Wk, bk, Wv, bv, q_ref, k_ref, v_ref):
    h = h_ref[...]
    q_ref[...] = jnp.dot(h, Wq[...], preferred_element_type=jnp.float32) + bq[...]
    k_ref[...] = jnp.dot(h, Wk[...], preferred_element_type=jnp.float32) + bk[...]
    v_ref[...] = jnp.dot(h, Wv[...], preferred_element_type=jnp.float32) + bv[...]


def _kernel_qkv(h, p):
    return pl.pallas_call(
        _qkv_body,
        out_shape=[jax.ShapeDtypeStruct((N, C), jnp.float32)] * 3,
    )(h, p['Wq'], p['bq'], p['Wk'], p['bk'], p['Wv'], p['bv'])


ABLK = 400


def _attn_body(q_ref, k_ref, v_ref, o_ref):
    s = lax.dot_general(q_ref[...], k_ref[...], (((1,), (1,)), ((), ())),
                        preferred_element_type=jnp.float32) * (1.0 / math.sqrt(C))
    m = jnp.max(s, axis=1, keepdims=True)
    e = jnp.exp(s - m)
    l = jnp.sum(e, axis=1, keepdims=True)
    o_ref[...] = jnp.dot(e, v_ref[...], preferred_element_type=jnp.float32) / l


def _kernel_attn(q, k, v):
    return pl.pallas_call(
        _attn_body,
        grid=(N // ABLK,),
        in_specs=[
            pl.BlockSpec((ABLK, C), lambda i: (i, 0)),
            pl.BlockSpec((N, C), lambda i: (0, 0)),
            pl.BlockSpec((N, C), lambda i: (0, 0)),
        ],
        out_specs=pl.BlockSpec((ABLK, C), lambda i: (i, 0)),
        out_shape=jax.ShapeDtypeStruct((N, C), jnp.float32),
    )(q, k, v)


def _kb0_body(h_ref, p0_ref, p1_ref, xw_ref, dinv_ref, dinv2_ref,
              gcn_b, n1_g, n1_b, h1_ref):
    agg = (p0_ref[...] + p1_ref[...]) * dinv_ref[...]
    h1 = agg + dinv2_ref[...] * xw_ref[...] + gcn_b[...]
    h1_ref[...] = _bn(h1 + h_ref[...], n1_g[...], n1_b[...])


def _kernel_b0(h, p0, p1, xw, dinv_col, dinv2, p):
    return pl.pallas_call(
        _kb0_body,
        out_shape=jax.ShapeDtypeStruct((N, C), jnp.float32),
    )(h, p0, p1, xw, dinv_col, dinv2, p['gcn_b'], p['n1_g'], p['n1_b'])


def _kb2a_body(attn_ref, h_ref, h1_ref, Wo, bo, n2_g, n2_b,
               m1_W, m1_b, m2_W, m2_b, out_ref):
    h2 = jnp.dot(attn_ref[...], Wo[...], preferred_element_type=jnp.float32) + bo[...]
    h2 = _bn(h2 + h_ref[...], n2_g[...], n2_b[...])
    out = h1_ref[...] + h2
    mlp = jnp.dot(jax.nn.relu(
        jnp.dot(out, m1_W[...], preferred_element_type=jnp.float32) + m1_b[...]),
        m2_W[...], preferred_element_type=jnp.float32) + m2_b[...]
    out_ref[...] = out + mlp


def _kernel_b2a(attn, h, h1, p):
    return pl.pallas_call(
        _kb2a_body,
        out_shape=jax.ShapeDtypeStruct((N, C), jnp.float32),
    )(attn, h, h1, p['Wo'], p['bo'], p['n2_g'], p['n2_b'],
      p['m1_W'], p['m1_b'], p['m2_W'], p['m2_b'])


def _kb2b_body(out_ref, n3_g, n3_b, t_ref, content_ref, wcw_ref):
    content = _bn(out_ref[...], n3_g[...], n3_b[...])
    content_ref[...] = content
    tz = t_ref[0] * content
    w = jnp.exp(tz - jnp.max(tz, axis=0, keepdims=True))
    wcw_ref[:, :C] = w * content
    wcw_ref[:, C:] = w


def _kernel_b2b(out, p):
    return pl.pallas_call(
        _kb2b_body,
        out_shape=[
            jax.ShapeDtypeStruct((N, C), jnp.float32),
            jax.ShapeDtypeStruct((N, 2 * C), jnp.float32),
        ],
    )(out, p['n3_g'], p['n3_b'], jnp.reshape(p['t'], (1,)))


QBLK = 256


def _kc1_body(m_ref, wcw_ref, ca_ref, cb_ref,
              c_W, c_b, s_W, s_b, o1_W, o1_b, pre_ref):
    g = jnp.dot(m_ref[...], wcw_ref[...], preferred_element_type=jnp.float32)
    num, den = g[:, :C], g[:, C:]
    structure = jnp.where(den > 0, num / jnp.where(den > 0, den, 1.0), 0.0)
    c = ca_ref[...] * cb_ref[...]
    c = jnp.dot(c, c_W[...], preferred_element_type=jnp.float32) + c_b[...]
    s = jnp.dot(structure, s_W[...], preferred_element_type=jnp.float32) + s_b[...]
    hcat = jnp.concatenate([c, s], axis=-1)
    pre_ref[...] = jnp.dot(hcat, o1_W[...], preferred_element_type=jnp.float32) + o1_b[...]


def _kernel_c1(M, wcw, ca, cb, p):
    nq = Q // QBLK
    return pl.pallas_call(
        _kc1_body,
        grid=(nq,),
        in_specs=[
            pl.BlockSpec((QBLK, N), lambda i: (i, 0)),
            pl.BlockSpec((N, 2 * C), lambda i: (0, 0)),
            pl.BlockSpec((QBLK, C), lambda i: (i, 0)),
            pl.BlockSpec((QBLK, C), lambda i: (i, 0)),
            pl.BlockSpec((C, C), lambda i: (0, 0)),
            pl.BlockSpec((C,), lambda i: (0,)),
            pl.BlockSpec((C, C), lambda i: (0, 0)),
            pl.BlockSpec((C,), lambda i: (0,)),
            pl.BlockSpec((2 * C, C), lambda i: (0, 0)),
            pl.BlockSpec((C,), lambda i: (0,)),
        ],
        out_specs=pl.BlockSpec((QBLK, C), lambda i: (i, 0)),
        out_shape=jax.ShapeDtypeStruct((Q, C), jnp.float32),
    )(M, wcw, ca, cb, p['c_W'], p['c_b'], p['s_W'], p['s_b'],
      p['o1_W'], p['o1_b'])


def _kc2_body(pre_ref, on_g, on_b, o2_W, o2_b, out_ref):
    hcat = jax.nn.relu(_bn(pre_ref[...], on_g[...], on_b[...]))
    out_ref[...] = jnp.dot(hcat, o2_W[...], preferred_element_type=jnp.float32) + o2_b[...]


def _kernel_c2(pre, p):
    return pl.pallas_call(
        _kc2_body,
        out_shape=jax.ShapeDtypeStruct((Q, 1), jnp.float32),
    )(pre, p['on_g'], p['on_b'], p['o2_W'], p['o2_b'])


def kernel(x, edge_index, edge_weight, edge_label_index, params):
    src, dst = edge_index[0], edge_index[1]
    p = params

    h, xw = _kernel_a(x, p)

    ewb = jnp.broadcast_to(edge_weight[:, None], (E, _LL))
    deg = jax.ops.segment_sum(edge_weight, dst, num_segments=N)[:, None] + 1.0
    dinv_col = lax.rsqrt(deg)
    dinv2 = dinv_col * dinv_col

    y = xw * dinv_col
    zmat = jnp.zeros((_NP, C), jnp.float32)
    agg_p = _sc_agg(y, src, dst, ewb, zmat)

    q, k, v = _kernel_qkv(h, p)
    attn = _kernel_attn(q, k, v)
    h1 = _kernel_b0(h, agg_p[0, :N], agg_p[1, :N], xw, dinv_col, dinv2, p)
    out = _kernel_b2a(attn, h, h1, p)
    content, wcw = _kernel_b2b(out, p)

    adj = jnp.zeros((N, N), jnp.float32).at[src, dst].set(1.0)
    M = adj[edge_label_index[1]] * adj[edge_label_index[0]]

    ca = content[edge_label_index[0]]
    cb = content[edge_label_index[1]]

    pre = _kernel_c1(M, wcw, ca, cb, p)
    return _kernel_c2(pre, p)

# --- scband reference (transcript-rebuilt; emitter-appended) ---
"""Pipeline reference for scband-co-ne-82995948028056 (READ-ONLY COPY).

The authoritative reference and input builder live on the scoring server;
editing this copy changes nothing except your own understanding.
"""

import jax, jax.numpy as jnp
import numpy as np

N_NODES = 10000
N_EDGES = 320000
N_QUERY = 8192
C = 128
EPS = 1e-5


def _bn(x, g, b):
    m = jnp.mean(x, axis=0)
    v = jnp.var(x, axis=0)
    return (x - m) / jnp.sqrt(v + EPS) * g + b


def _gcn(x, src, dst, ew, W, b, n):
    xw = x @ W
    loop = jnp.arange(n)
    s = jnp.concatenate([src, loop])
    d = jnp.concatenate([dst, loop])
    w = jnp.concatenate([ew, jnp.ones((n,), x.dtype)])
    deg = jax.ops.segment_sum(w, d, num_segments=n)
    dinv = jnp.where(deg > 0, 1.0 / jnp.sqrt(deg), 0.0)
    coef = dinv[s] * w * dinv[d]
    out = jax.ops.segment_sum(xw[s] * coef[:, None], d, num_segments=n)
    return out + b


def _mha(x, p):
    q = x @ p['Wq'] + p['bq']
    k = x @ p['Wk'] + p['bk']
    v = x @ p['Wv'] + p['bv']
    a = jax.nn.softmax(q @ k.T / jnp.sqrt(jnp.float32(q.shape[-1])), axis=-1)
    return (a @ v) @ p['Wo'] + p['bo']


def _forward(x, edge_weight, params, edge_index, edge_label_index):
    n = x.shape[0]
    src, dst = edge_index[0], edge_index[1]
    h = _bn(x, params['pe_g'], params['pe_b'])
    h = h @ params['pe_W'] + params['pe_bias']
    # GPSConv layer: local GCN branch + global attention branch
    h1 = _gcn(h, src, dst, edge_weight, params['gcn_W'], params['gcn_b'], n)
    h1 = _bn(h1 + h, params['n1_g'], params['n1_b'])
    h2 = _mha(h, params)
    h2 = _bn(h2 + h, params['n2_g'], params['n2_b'])
    out = h1 + h2
    out = out + (jax.nn.relu(out @ params['m1_W'] + params['m1_b']) @ params['m2_W'] + params['m2_b'])
    content = _bn(out, params['n3_g'], params['n3_b'])
    # structure feature: common-neighbor intersection + softmax aggregation of z over
    # common neighbors per query edge (dense-mask formulation, math-equivalent to the
    # sorted 64-bit-key intersection in the original code)
    adj = jnp.zeros((n, n), x.dtype).at[src, dst].set(1.0)
    M = adj[edge_label_index[1]] * adj[edge_label_index[0]]
    tz = params['t'] * content
    w = jnp.exp(tz - jnp.max(tz, axis=0, keepdims=True))
    num = M @ (w * content)
    den = M @ w
    den_safe = jnp.where(den > 0, den, 1.0)
    structure = jnp.where(den > 0, num / den_safe, 0.0)
    # predictor
    c = content[edge_label_index[0]] * content[edge_label_index[1]]
    c = c @ params['c_W'] + params['c_b']
    s = structure @ params['s_W'] + params['s_b']
    hcat = jnp.concatenate([c, s], axis=-1)
    hcat = jax.nn.relu(_bn(hcat @ params['o1_W'] + params['o1_b'], params['on_g'], params['on_b']))
    return hcat @ params['o2_W'] + params['o2_b']


def setup_inputs(seed: int = 0):
    key = jax.random.key(seed)
    ks = jax.random.split(key, 20)

    def rn(k, shape, scale=0.05):
        return jax.random.normal(k, shape, dtype=jnp.float32) * scale

    x = jax.random.normal(ks[0], (N_NODES, C), dtype=jnp.float32)
    edge_index = jax.random.randint(ks[1], (2, N_EDGES), 0, N_NODES, dtype=jnp.int32)
    edge_weight = jax.random.uniform(ks[2], (N_EDGES,), dtype=jnp.float32)
    edge_label_index = jax.random.randint(ks[3], (2, N_QUERY), 0, N_NODES, dtype=jnp.int32)
    params = {
        'pe_g': jnp.ones((C,), jnp.float32), 'pe_b': jnp.zeros((C,), jnp.float32),
        'pe_W': rn(ks[4], (C, C)), 'pe_bias': jnp.zeros((C,), jnp.float32),
        'gcn_W': rn(ks[5], (C, C)), 'gcn_b': jnp.zeros((C,), jnp.float32),
        'n1_g': jnp.ones((C,), jnp.float32), 'n1_b': jnp.zeros((C,), jnp.float32),
        'Wq': rn(ks[6], (C, C)), 'bq': jnp.zeros((C,), jnp.float32),
        'Wk': rn(ks[7], (C, C)), 'bk': jnp.zeros((C,), jnp.float32),
        'Wv': rn(ks[8], (C, C)), 'bv': jnp.zeros((C,), jnp.float32),
        'Wo': rn(ks[9], (C, C)), 'bo': jnp.zeros((C,), jnp.float32),
        'n2_g': jnp.ones((C,), jnp.float32), 'n2_b': jnp.zeros((C,), jnp.float32),
        'm1_W': rn(ks[10], (C, 2 * C)), 'm1_b': jnp.zeros((2 * C,), jnp.float32),
        'm2_W': rn(ks[11], (2 * C, C)), 'm2_b': jnp.zeros((C,), jnp.float32),
        'n3_g': jnp.ones((C,), jnp.float32), 'n3_b': jnp.zeros((C,), jnp.float32),
        't': jnp.float32(1.0),
        'c_W': rn(ks[12], (C, C)), 'c_b': jnp.zeros((C,), jnp.float32),
        's_W': rn(ks[13], (C, C)), 's_b': jnp.zeros((C,), jnp.float32),
        'o1_W': rn(ks[14], (2 * C, C)), 'o1_b': jnp.zeros((C,), jnp.float32),
        'on_g': jnp.ones((C,), jnp.float32), 'on_b': jnp.zeros((C,), jnp.float32),
        'o2_W': rn(ks[15], (C, 1)), 'o2_b': jnp.zeros((1,), jnp.float32),
    }
    return {'x': x, 'edge_index': edge_index, 'edge_weight': edge_weight,
            'edge_label_index': edge_label_index, 'params': params}


def reference(x, edge_index, edge_weight, edge_label_index, params):
    return _forward(x, edge_weight, params, edge_index, edge_label_index)

if __name__ == "__main__":
    import jax
    _d = setup_inputs()
    print(jax.jit(kernel)(*tuple(_d.values())))

</pallas_src>

<mosaic_0001>
#map = affine_map<(d0, d1) -> (0, 0)>
#map1 = affine_map<(d0, d1) -> (0)>
#map2 = affine_map<(d0, d1) -> (0, 0, 0)>
module attributes {stable_mosaic.version = 14 : i64} {
  func.func @k(%arg0: i32, %arg1: i32, %arg2: memref<10000x128xf32, #tpu.memory_space<hbm>>, %arg3: memref<320000xi32, #tpu.memory_space<hbm>>, %arg4: memref<320000xi32, #tpu.memory_space<hbm>>, %arg5: memref<320000x16xf32, #tpu.memory_space<hbm>>, %arg6: memref<10240x128xf32, #tpu.memory_space<hbm>>, %arg7: memref<2x10240x128xf32, #tpu.memory_space<hbm>>, %arg8: memref<80xi32, #tpu.memory_space<vmem>>, %arg9: memref<80xi32, #tpu.memory_space<vmem>>, %arg10: memref<80x16xf32, #tpu.memory_space<vmem>>, %arg11: memref<80x128xf32, #tpu.memory_space<vmem>>, %arg12: memref<10240x128xf32, #tpu.memory_space<vmem_shared>>) attributes {dimension_semantics = [#tpu.dimension_semantics<core_parallel>, #tpu.dimension_semantics<subcore_parallel>], iteration_bounds = array<i64: 2, 16>, scalar_prefetch = 0 : i64, scratch_operands = 5 : i64, tpu.core_type = #tpu.core_type<sc_vector_subcore>, window_params = [{transform_indices = #map}, {transform_indices = #map1}, {transform_indices = #map1}, {transform_indices = #map}, {transform_indices = #map}, {transform_indices = #map2}]} {
    %mul3A = arith.constant 640 : i32
    %mul3A_0 = arith.muli %arg1, %mul3A : i32
    %mul3A_1 = arith.constant 640 : i32
    %mul3A_2 = arith.muli %arg1, %mul3A_1 : i32
    "tpu.region"() ({
      %run_scoped3A = tpu.sem_alloc : memref<!tpu.dma_semaphore, #tpu.memory_space<semaphore_mem>>
      %dma_start3A = arith.constant 0 : i32
      %dma_start3A_17 = tpu.memref_slice %arg12[%mul3A_2, %dma_start3A] : memref<10240x128xf32, #tpu.memory_space<vmem_shared>> -> memref<640x128xf32, #tpu.memory_space<vmem_shared>>
      %dma_start3A_18 = arith.constant 0 : i32
      %dma_start3A_19 = tpu.memref_slice %arg6[%mul3A_0, %dma_start3A_18] : memref<10240x128xf32, #tpu.memory_space<hbm>> -> memref<640x128xf32, #tpu.memory_space<hbm>>
      tpu.enqueue_dma source(%dma_start3A_19 : memref<640x128xf32, #tpu.memory_space<hbm>>) target(%dma_start3A_17 : memref<640x128xf32, #tpu.memory_space<vmem_shared>>) target_semaphore(%run_scoped3A : memref<!tpu.dma_semaphore, #tpu.memory_space<semaphore_mem>>)
      %dma_wait3A = arith.constant 0 : i32
      %dma_wait3A_20 = tpu.memref_slice %arg12[%mul3A_2, %dma_wait3A] : memref<10240x128xf32, #tpu.memory_space<vmem_shared>> -> memref<640x128xf32, #tpu.memory_space<vmem_shared>>
      %dma_wait3A_21 = arith.constant 0 : i32
      %dma_wait3A_22 = tpu.memref_slice %arg6[%mul3A_0, %dma_wait3A_21] : memref<10240x128xf32, #tpu.memory_space<hbm>> -> memref<640x128xf32, #tpu.memory_space<hbm>>
      tpu.wait_dma2 semaphore(%run_scoped3A : memref<!tpu.dma_semaphore, #tpu.memory_space<semaphore_mem>>) src(%dma_wait3A_22 : memref<640x128xf32, #tpu.memory_space<hbm>>) dst(%dma_wait3A_20 : memref<640x128xf32, #tpu.memory_space<vmem_shared>>)
      tpu.yield
    }) : () -> ()
    %barrier3A = arith.constant 0 : index
    tpu.barrier barrier_id(%barrier3A)
    %mul3A_3 = arith.constant 16 : i32
    %mul3A_4 = arith.muli %arg0, %mul3A_3 : i32
    %add3A = arith.addi %mul3A_4, %arg1 : i32
    %mul3A_5 = arith.constant 10000 : i32
    %mul3A_6 = arith.muli %add3A, %mul3A_5 : i32
    %scan3A = arith.constant 0 : i32
    %scan3A_7 = arith.constant 0 : i32
    %scan3A_8 = arith.constant 125 : i32
    %scan3A_9 = arith.addi %scan3A_7, %scan3A_8 : i32
    %scan3A_10 = arith.constant 1 : i32
    scf.for %scan3A_17 = %scan3A_7 to %scan3A_9 step %scan3A_10  : i32 {
      %mul3A_18 = arith.constant 80 : i32
      %mul3A_19 = arith.muli %scan3A_17, %mul3A_18 : i32
      %add3A_20 = arith.addi %mul3A_6, %mul3A_19 : i32
      "tpu.region"() ({
        %run_scoped3A = tpu.sem_alloc : memref<!tpu.dma_semaphore, #tpu.memory_space<semaphore_mem>>
        %dma_start3A = tpu.memref_slice %arg3[%add3A_20] : memref<320000xi32, #tpu.memory_space<hbm>> -> memref<80xi32, #tpu.memory_space<hbm>>
        %dma_start3A_27 = tpu.memref_slice %arg3[%add3A_20] : memref<320000xi32, #tpu.memory_space<hbm>> -> memref<80xi32, #tpu.memory_space<hbm>>
        tpu.enqueue_dma source(%dma_start3A_27 : memref<80xi32, #tpu.memory_space<hbm>>) target(%arg8 : memref<80xi32, #tpu.memory_space<vmem>>) target_semaphore(%run_scoped3A : memref<!tpu.dma_semaphore, #tpu.memory_space<semaphore_mem>>)
        %dma_wait3A = tpu.memref_slice %arg3[%add3A_20] : memref<320000xi32, #tpu.memory_space<hbm>> -> memref<80xi32, #tpu.memory_space<hbm>>
        %dma_wait3A_28 = tpu.memref_slice %arg3[%add3A_20] : memref<320000xi32, #tpu.memory_space<hbm>> -> memref<80xi32, #tpu.memory_space<hbm>>
        tpu.wait_dma2 semaphore(%run_scoped3A : memref<!tpu.dma_semaphore, #tpu.memory_space<semaphore_mem>>) src(%dma_wait3A_28 : memref<80xi32, #tpu.memory_space<hbm>>) dst(%arg8 : memref<80xi32, #tpu.memory_space<vmem>>)
        tpu.yield
      }) : () -> ()
      "tpu.region"() ({
        %run_scoped3A = tpu.sem_alloc : memref<!tpu.dma_semaphore, #tpu.memory_space<semaphore_mem>>
        %dma_start3A = tpu.memref_slice %arg4[%add3A_20] : memref<320000xi32, #tpu.memory_space<hbm>> -> memref<80xi32, #tpu.memory_space<hbm>>
        %dma_start3A_27 = tpu.memref_slice %arg4[%add3A_20] : memref<320000xi32, #tpu.memory_space<hbm>> -> memref<80xi32, #tpu.memory_space<hbm>>
        tpu.enqueue_dma source(%dma_start3A_27 : memref<80xi32, #tpu.memory_space<hbm>>) target(%arg9 : memref<80xi32, #tpu.memory_space<vmem>>) target_semaphore(%run_scoped3A : memref<!tpu.dma_semaphore, #tpu.memory_space<semaphore_mem>>)
        %dma_wait3A = tpu.memref_slice %arg4[%add3A_20] : memref<320000xi32, #tpu.memory_space<hbm>> -> memref<80xi32, #tpu.memory_space<hbm>>
        %dma_wait3A_28 = tpu.memref_slice %arg4[%add3A_20] : memref<320000xi32, #tpu.memory_space<hbm>> -> memref<80xi32, #tpu.memory_space<hbm>>
        tpu.wait_dma2 semaphore(%run_scoped3A : memref<!tpu.dma_semaphore, #tpu.memory_space<semaphore_mem>>) src(%dma_wait3A_28 : memref<80xi32, #tpu.memory_space<hbm>>) dst(%arg9 : memref<80xi32, #tpu.memory_space<vmem>>)
        tpu.yield
      }) : () -> ()
      "tpu.region"() ({
        %run_scoped3A = tpu.sem_alloc : memref<!tpu.dma_semaphore, #tpu.memory_space<semaphore_mem>>
        %dma_start3A = arith.constant 0 : i32
        %dma_start3A_27 = tpu.memref_slice %arg5[%add3A_20, %dma_start3A] : memref<320000x16xf32, #tpu.memory_space<hbm>> -> memref<80x16xf32, #tpu.memory_space<hbm>>
        %dma_start3A_28 = arith.constant 0 : i32
        %dma_start3A_29 = tpu.memref_slice %arg5[%add3A_20, %dma_start3A_28] : memref<320000x16xf32, #tpu.memory_space<hbm>> -> memref<80x16xf32, #tpu.memory_space<hbm>>
        tpu.enqueue_dma source(%dma_start3A_29 : memref<80x16xf32, #tpu.memory_space<hbm>>) target(%arg10 : memref<80x16xf32, #tpu.memory_space<vmem>>) target_semaphore(%run_scoped3A : memref<!tpu.dma_semaphore, #tpu.memory_space<semaphore_mem>>)
        %dma_wait3A = arith.constant 0 : i32
        %dma_wait3A_30 = tpu.memref_slice %arg5[%add3A_20, %dma_wait3A] : memref<320000x16xf32, #tpu.memory_space<hbm>> -> memref<80x16xf32, #tpu.memory_space<hbm>>
        %dma_wait3A_31 = arith.constant 0 : i32
        %dma_wait3A_32 = tpu.memref_slice %arg5[%add3A_20, %dma_wait3A_31] : memref<320000x16xf32, #tpu.memory_space<hbm>> -> memref<80x16xf32, #tpu.memory_space<hbm>>
        tpu.wait_dma2 semaphore(%run_scoped3A : memref<!tpu.dma_semaphore, #tpu.memory_space<semaphore_mem>>) src(%dma_wait3A_32 : memref<80x16xf32, #tpu.memory_space<hbm>>) dst(%arg10 : memref<80x16xf32, #tpu.memory_space<vmem>>)
        tpu.yield
      }) : () -> ()
      "tpu.region"() ({
        %run_scoped3A = tpu.sem_alloc : memref<!tpu.dma_semaphore, #tpu.memory_space<semaphore_mem>>
        %dma_start3A = arith.constant 0 : i32
        %dma_start3A_27 = arith.constant 0 : i32
        %dma_start3A_28 = tpu.memref_slice %arg2[%dma_start3A, %dma_start3A_27] : memref<10000x128xf32, #tpu.memory_space<hbm>> -> memref<10000x128xf32, #tpu.memory_space<hbm>>
        tpu.enqueue_indirect_dma source(%dma_start3A_28 : memref<10000x128xf32, #tpu.memory_space<hbm>>) target(%arg11 : memref<80x128xf32, #tpu.memory_space<vmem>>) offsets(%arg8 : memref<80xi32, #tpu.memory_space<vmem>>) semaphore(%run_scoped3A : memref<!tpu.dma_semaphore, #tpu.memory_space<semaphore_mem>>)
        %dma_wait3A = arith.constant 0 : i32
        %dma_wait3A_29 = arith.constant 0 : i32
        %dma_wait3A_30 = tpu.memref_slice %arg2[%dma_wait3A, %dma_wait3A_29] : memref<10000x128xf32, #tpu.memory_space<hbm>> -> memref<10000x128xf32, #tpu.memory_space<hbm>>
        tpu.wait_indirect_dma semaphore(%run_scoped3A : memref<!tpu.dma_semaphore, #tpu.memory_space<semaphore_mem>>) src(%dma_wait3A_30 : memref<10000x128xf32, #tpu.memory_space<hbm>>) dst(%arg11 : memref<80x128xf32, #tpu.memory_space<vmem>>)
        tpu.yield
      }) : () -> ()
      %scan3A_21 = arith.constant 0 : i32
      %scan3A_22 = arith.constant 0 : i32
      %scan3A_23 = arith.constant 80 : i32
      %scan3A_24 = arith.addi %scan3A_22, %scan3A_23 : i32
      %scan3A_25 = arith.constant 1 : i32
      scf.for %scan3A_27 = %scan3A_22 to %scan3A_24 step %scan3A_25  : i32 {
        %get3A = arith.index_cast %scan3A_27 : i32 to index
        %get3A_28 = arith.constant 0 : index
        %get3A_29 = tpu.vector_load %arg10[%get3A, %get3A_28] {strides = array<i32>} : memref<80x16xf32, #tpu.memory_space<vmem>>, vector<1x16xf32>,
        %get3A_30 = vector.shape_cast %get3A_29 : vector<1x16xf32> to vector<16xf32>
        %get3A_31 = arith.index_cast %scan3A_27 : i32 to index
        %get3A_32 = arith.constant 0 : index
        %get3A_33 = tpu.vector_load %arg11[%get3A_31, %get3A_32] {strides = array<i32>} : memref<80x128xf32, #tpu.memory_space<vmem>>, vector<1x16xf32>,
        %get3A_34 = vector.shape_cast %get3A_33 : vector<1x16xf32> to vector<16xf32>
        %mul3A_35 = arith.mulf %get3A_34, %get3A_30 : vector<16xf32>
        %swap3A = arith.index_cast %scan3A_27 : i32 to index
        %swap3A_36 = arith.constant 0 : index
        %swap3A_37 = tpu.vector_load %arg11[%swap3A, %swap3A_36] {strides = array<i32>} : memref<80x128xf32, #tpu.memory_space<vmem>>, vector<1x16xf32>,
        %swap3A_38 = vector.shape_cast %swap3A_37 : vector<1x16xf32> to vector<16xf32>
        %swap3A_39 = vector.shape_cast %mul3A_35 : vector<16xf32> to vector<1x16xf32>
        tpu.vector_store %arg11[%swap3A, %swap3A_36], %swap3A_39 {strides = array<i32>} : memref<80x128xf32, #tpu.memory_space<vmem>>, vector<1x16xf32>,
        %get3A_40 = arith.index_cast %scan3A_27 : i32 to index
        %get3A_41 = arith.constant 16 : index
        %get3A_42 = tpu.vector_load %arg11[%get3A_40, %get3A_41] {strides = array<i32>} : memref<80x128xf32, #tpu.memory_space<vmem>>, vector<1x16xf32>,
        %get3A_43 = vector.shape_cast %get3A_42 : vector<1x16xf32> to vector<16xf32>
        %mul3A_44 = arith.mulf %get3A_43, %get3A_30 : vector<16xf32>
        %swap3A_45 = arith.index_cast %scan3A_27 : i32 to index
        %swap3A_46 = arith.constant 16 : index
        %swap3A_47 = tpu.vector_load %arg11[%swap3A_45, %swap3A_46] {strides = array<i32>} : memref<80x128xf32, #tpu.memory_space<vmem>>, vector<1x16xf32>,
        %swap3A_48 = vector.shape_cast %swap3A_47 : vector<1x16xf32> to vector<16xf32>
        %swap3A_49 = vector.shape_cast %mul3A_44 : vector<16xf32> to vector<1x16xf32>
        tpu.vector_store %arg11[%swap3A_45, %swap3A_46], %swap3A_49 {strides = array<i32>} : memref<80x128xf32, #tpu.memory_space<vmem>>, vector<1x16xf32>,
        %get3A_50 = arith.index_cast %scan3A_27 : i32 to index
        %get3A_51 = arith.constant 32 : index
        %get3A_52 = tpu.vector_load %arg11[%get3A_50, %get3A_51] {strides = array<i32>} : memref<80x128xf32, #tpu.memory_space<vmem>>, vector<1x16xf32>,
        %get3A_53 = vector.shape_cast %get3A_52 : vector<1x16xf32> to vector<16xf32>
        %mul3A_54 = arith.mulf %get3A_53, %get3A_30 : vector<16xf32>
        %swap3A_55 = arith.index_cast %scan3A_27 : i32 to index
        %swap3A_56 = arith.constant 32 : index
        %swap3A_57 = tpu.vector_load %arg11[%swap3A_55, %swap3A_56] {strides = array<i32>} : memref<80x128xf32, #tpu.memory_space<vmem>>, vector<1x16xf32>,
        %swap3A_58 = vector.shape_cast %swap3A_57 : vector<1x16xf32> to vector<16xf32>
        %swap3A_59 = vector.shape_cast %mul3A_54 : vector<16xf32> to vector<1x16xf32>
        tpu.vector_store %arg11[%swap3A_55, %swap3A_56], %swap3A_59 {strides = array<i32>} : memref<80x128xf32, #tpu.memory_space<vmem>>, vector<1x16xf32>,
        %get3A_60 = arith.index_cast %scan3A_27 : i32 to index
        %get3A_61 = arith.constant 48 : index
        %get3A_62 = tpu.vector_load %arg11[%get3A_60, %get3A_61] {strides = array<i32>} : memref<80x128xf32, #tpu.memory_space<vmem>>, vector<1x16xf32>,
        %get3A_63 = vector.shape_cast %get3A_62 : vector<1x16xf32> to vector<16xf32>
        %mul3A_64 = arith.mulf %get3A_63, %get3A_30 : vector<16xf32>
        %swap3A_65 = arith.index_cast %scan3A_27 : i32 to index
        %swap3A_66 = arith.constant 48 : index
        %swap3A_67 = tpu.vector_load %arg11[%swap3A_65, %swap3A_66] {strides = array<i32>} : memref<80x128xf32, #tpu.memory_space<vmem>>, vector<1x16xf32>,
        %swap3A_68 = vector.shape_cast %swap3A_67 : vector<1x16xf32> to vector<16xf32>
        %swap3A_69 = vector.shape_cast %mul3A_64 : vector<16xf32> to vector<1x16xf32>
        tpu.vector_store %arg11[%swap3A_65, %swap3A_66], %swap3A_69 {strides = array<i32>} : memref<80x128xf32, #tpu.memory_space<vmem>>, vector<1x16xf32>,
        %get3A_70 = arith.index_cast %scan3A_27 : i32 to index
        %get3A_71 = arith.constant 64 : index
        %get3A_72 = tpu.vector_load %arg11[%get3A_70, %get3A_71] {strides = array<i32>} : memref<80x128xf32, #tpu.memory_space<vmem>>, vector<1x16xf32>,
        %get3A_73 = vector.shape_cast %get3A_72 : vector<1x16xf32> to vector<16xf32>
        %mul3A_74 = arith.mulf %get3A_73, %get3A_30 : vector<16xf32>
        %swap3A_75 = arith.index_cast %scan3A_27 : i32 to index
        %swap3A_76 = arith.constant 64 : index
        %swap3A_77 = tpu.vector_load %arg11[%swap3A_75, %swap3A_76] {strides = array<i32>} : memref<80x128xf32, #tpu.memory_space<vmem>>, vector<1x16xf32>,
        %swap3A_78 = vector.shape_cast %swap3A_77 : vector<1x16xf32> to vector<16xf32>
        %swap3A_79 = vector.shape_cast %mul3A_74 : vector<16xf32> to vector<1x16xf32>
        tpu.vector_store %arg11[%swap3A_75, %swap3A_76], %swap3A_79 {strides = array<i32>} : memref<80x128xf32, #tpu.memory_space<vmem>>, vector<1x16xf32>,
        %get3A_80 = arith.index_cast %scan3A_27 : i32 to index
        %get3A_81 = arith.constant 80 : index
        %get3A_82 = tpu.vector_load %arg11[%get3A_80, %get3A_81] {strides = array<i32>} : memref<80x128xf32, #tpu.memory_space<vmem>>, vector<1x16xf32>,
        %get3A_83 = vector.shape_cast %get3A_82 : vector<1x16xf32> to vector<16xf32>
        %mul3A_84 = arith.mulf %get3A_83, %get3A_30 : vector<16xf32>
        %swap3A_85 = arith.index_cast %scan3A_27 : i32 to index
        %swap3A_86 = arith.constant 80 : index
        %swap3A_87 = tpu.vector_load %arg11[%swap3A_85, %swap3A_86] {strides = array<i32>} : memref<80x128xf32, #tpu.memory_space<vmem>>, vector<1x16xf32>,
        %swap3A_88 = vector.shape_cast %swap3A_87 : vector<1x16xf32> to vector<16xf32>
        %swap3A_89 = vector.shape_cast %mul3A_84 : vector<16xf32> to vector<1x16xf32>
        tpu.vector_store %arg11[%swap3A_85, %swap3A_86], %swap3A_89 {strides = array<i32>} : memref<80x128xf32, #tpu.memory_space<vmem>>, vector<1x16xf32>,
        %get3A_90 = arith.index_cast %scan3A_27 : i32 to index
        %get3A_91 = arith.constant 96 : index
        %get3A_92 = tpu.vector_load %arg11[%get3A_90, %get3A_91] {strides = array<i32>} : memref<80x128xf32, #tpu.memory_space<vmem>>, vector<1x16xf32>,
        %get3A_93 = vector.shape_cast %get3A_92 : vector<1x16xf32> to vector<16xf32>
        %mul3A_94 = arith.mulf %get3A_93, %get3A_30 : vector<16xf32>
        %swap3A_95 = arith.index_cast %scan3A_27 : i32 to index
        %swap3A_96 = arith.constant 96 : index
        %swap3A_97 = tpu.vector_load %arg11[%swap3A_95, %swap3A_96] {strides = array<i32>} : memref<80x128xf32, #tpu.memory_space<vmem>>, vector<1x16xf32>,
        %swap3A_98 = vector.shape_cast %swap3A_97 : vector<1x16xf32> to vector<16xf32>
        %swap3A_99 = vector.shape_cast %mul3A_94 : vector<16xf32> to vector<1x16xf32>
        tpu.vector_store %arg11[%swap3A_95, %swap3A_96], %swap3A_99 {strides = array<i32>} : memref<80x128xf32, #tpu.memory_space<vmem>>, vector<1x16xf32>,
        %get3A_100 = arith.index_cast %scan3A_27 : i32 to index
        %get3A_101 = arith.constant 112 : index
        %get3A_102 = tpu.vector_load %arg11[%get3A_100, %get3A_101] {strides = array<i32>} : memref<80x128xf32, #tpu.memory_space<vmem>>, vector<1x16xf32>,
        %get3A_103 = vector.shape_cast %get3A_102 : vector<1x16xf32> to vector<16xf32>
        %mul3A_104 = arith.mulf %get3A_103, %get3A_30 : vector<16xf32>
        %swap3A_105 = arith.index_cast %scan3A_27 : i32 to index
        %swap3A_106 = arith.constant 112 : index
        %swap3A_107 = tpu.vector_load %arg11[%swap3A_105, %swap3A_106] {strides = array<i32>} : memref<80x128xf32, #tpu.memory_space<vmem>>, vector<1x16xf32>,
        %swap3A_108 = vector.shape_cast %swap3A_107 : vector<1x16xf32> to vector<16xf32>
        %swap3A_109 = vector.shape_cast %mul3A_104 : vector<16xf32> to vector<1x16xf32>
        tpu.vector_store %arg11[%swap3A_105, %swap3A_106], %swap3A_109 {strides = array<i32>} : memref<80x128xf32, #tpu.memory_space<vmem>>, vector<1x16xf32>,
      }
      %scan3A_26 = arith.constant 80 : i32
      "tpu.region"() ({
        %run_scoped3A = tpu.sem_alloc : memref<!tpu.dma_semaphore, #tpu.memory_space<semaphore_mem>>
        %dma_start3A = arith.constant 0 : i32
        %dma_start3A_27 = arith.constant 0 : i32
        %dma_start3A_28 = tpu.memref_slice %arg12[%dma_start3A, %dma_start3A_27] : memref<10240x128xf32, #tpu.memory_space<vmem_shared>> -> memref<10240x128xf32, #tpu.memory_space<vmem_shared>>
        tpu.enqueue_indirect_dma source(%arg11 : memref<80x128xf32, #tpu.memory_space<vmem>>) target(%dma_start3A_28 : memref<10240x128xf32, #tpu.memory_space<vmem_shared>>) offsets(%arg9 : memref<80xi32, #tpu.memory_space<vmem>>) semaphore(%run_scoped3A : memref<!tpu.dma_semaphore, #tpu.memory_space<semaphore_mem>>) {add = true}
        %dma_wait3A = arith.constant 0 : i32
        %dma_wait3A_29 = arith.constant 0 : i32
        %dma_wait3A_30 = tpu.memref_slice %arg12[%dma_wait3A, %dma_wait3A_29] : memref<10240x128xf32, #tpu.memory_space<vmem_shared>> -> memref<10240x128xf32, #tpu.memory_space<vmem_shared>>
        tpu.wait_indirect_dma semaphore(%run_scoped3A : memref<!tpu.dma_semaphore, #tpu.memory_space<semaphore_mem>>) src(%arg11 : memref<80x128xf32, #tpu.memory_space<vmem>>) dst(%dma_wait3A_30 : memref<10240x128xf32, #tpu.memory_space<vmem_shared>>)
        tpu.yield
      }) : () -> ()
    }
    %scan3A_11 = arith.constant 125 : i32
    %barrier3A_12 = arith.constant 0 : index
    tpu.barrier barrier_id(%barrier3A_12)
    %mul3A_13 = arith.constant 640 : i32
    %mul3A_14 = arith.muli %arg1, %mul3A_13 : i32
    %mul3A_15 = arith.constant 640 : i32
    %mul3A_16 = arith.muli %arg1, %mul3A_15 : i32
    "tpu.region"() ({
      %run_scoped3A = tpu.sem_alloc : memref<!tpu.dma_semaphore, #tpu.memory_space<semaphore_mem>>
      %dma_start3A = arith.constant 0 : i32
      %dma_start3A_17 = tpu.memref_slice %arg7[%arg0, %mul3A_16, %dma_start3A] : memref<2x10240x128xf32, #tpu.memory_space<hbm>> -> memref<1x640x128xf32, #tpu.memory_space<hbm>>
      %dma_start3A_18 = tpu.memref_squeeze %dma_start3A_17 : memref<1x640x128xf32, #tpu.memory_space<hbm>> -> memref<640x128xf32, #tpu.memory_space<hbm>>
      %dma_start3A_19 = arith.constant 0 : i32
      %dma_start3A_20 = tpu.memref_slice %arg12[%mul3A_14, %dma_start3A_19] : memref<10240x128xf32, #tpu.memory_space<vmem_shared>> -> memref<640x128xf32, #tpu.memory_space<vmem_shared>>
      tpu.enqueue_dma source(%dma_start3A_20 : memref<640x128xf32, #tpu.memory_space<vmem_shared>>) target(%dma_start3A_18 : memref<640x128xf32, #tpu.memory_space<hbm>>) target_semaphore(%run_scoped3A : memref<!tpu.dma_semaphore, #tpu.memory_space<semaphore_mem>>)
      %dma_wait3A = arith.constant 0 : i32
      %dma_wait3A_21 = tpu.memref_slice %arg7[%arg0, %mul3A_16, %dma_wait3A] : memref<2x10240x128xf32, #tpu.memory_space<hbm>> -> memref<1x640x128xf32, #tpu.memory_space<hbm>>
      %dma_wait3A_22 = tpu.memref_squeeze %dma_wait3A_21 : memref<1x640x128xf32, #tpu.memory_space<hbm>> -> memref<640x128xf32, #tpu.memory_space<hbm>>
      %dma_wait3A_23 = arith.constant 0 : i32
      %dma_wait3A_24 = tpu.memref_slice %arg12[%mul3A_14, %dma_wait3A_23] : memref<10240x128xf32, #tpu.memory_space<vmem_shared>> -> memref<640x128xf32, #tpu.memory_space<vmem_shared>>
      tpu.wait_dma2 semaphore(%run_scoped3A : memref<!tpu.dma_semaphore, #tpu.memory_space<semaphore_mem>>) src(%dma_wait3A_24 : memref<640x128xf32, #tpu.memory_space<vmem_shared>>) dst(%dma_wait3A_22 : memref<640x128xf32, #tpu.memory_space<hbm>>)
      tpu.yield
    }) : () -> ()
    return
  }
}

module attributes {stable_mosaic.version = 14 : i64} {
  func.func @_ka_body(%arg0: memref<10000x128xf32, #tpu.memory_space<vmem>>, %arg1: memref<128xf32, #tpu.memory_space<vmem>>, %arg2: memref<128xf32, #tpu.memory_space<vmem>>, %arg3: memref<128x128xf32, #tpu.memory_space<vmem>>, %arg4: memref<128xf32, #tpu.memory_space<vmem>>, %arg5: memref<128x128xf32, #tpu.memory_space<vmem>>, %arg6: memref<10000x128xf32, #tpu.memory_space<vmem>>, %arg7: memref<10000x128xf32, #tpu.memory_space<vmem>>) attributes {dimension_semantics = [], scalar_prefetch = 0 : i64, scratch_operands = 0 : i64, tpu.core_type = #tpu.core_type<tc>} {
    %get3A = arith.constant 0 : index
    %get3A_0 = arith.constant 0 : index
    %get3A_1 = vector.load %arg0[%get3A, %get3A_0] : memref<10000x128xf32, #tpu.memory_space<vmem>>, vector<10000x128xf32>
    %get3A_2 = arith.constant 0 : index
    %get3A_3 = vector.load %arg1[%get3A_2] : memref<128xf32, #tpu.memory_space<vmem>>, vector<128xf32>
    %get3A_4 = arith.constant 0 : index
    %get3A_5 = vector.load %arg2[%get3A_4] : memref<128xf32, #tpu.memory_space<vmem>>, vector<128xf32>
    %reduce_sum3A = arith.constant dense<0.000000e+00> : vector<128xf32>
    %reduce_sum3A_6 = vector.multi_reduction <add>, %get3A_1, %reduce_sum3A [0] : vector<10000x128xf32> to vector<128xf32>
    %div3A = arith.constant 1.000000e+04 : f32
    %div3A_7 = vector.broadcast %div3A : f32 to vector<128xf32>
    %div3A_8 = arith.divf %reduce_sum3A_6, %div3A_7 : vector<128xf32>
    %jit3A = arith.constant 0 : i32
    %reduce_sum3A_9 = arith.constant dense<0.000000e+00> : vector<128xf32>
    %reduce_sum3A_10 = vector.multi_reduction <add>, %get3A_1, %reduce_sum3A_9 [0] : vector<10000x128xf32> to vector<128xf32>
    %broadcast_in_dim3A = vector.shape_cast %reduce_sum3A_10 : vector<128xf32> to vector<1x128xf32>
    %div3A_11 = arith.constant 1.000000e+04 : f32
    %div3A_12 = vector.broadcast %div3A_11 : f32 to vector<1x128xf32>
    %div3A_13 = arith.divf %broadcast_in_dim3A, %div3A_12 : vector<1x128xf32>
    %sub3A = vector.broadcast %div3A_13 : vector<1x128xf32> to vector<10000x128xf32>
    %sub3A_14 = arith.subf %get3A_1, %sub3A : vector<10000x128xf32>
    %square3A = arith.mulf %sub3A_14, %sub3A_14 : vector<10000x128xf32>
    %convert_element_type3A = arith.sitofp %jit3A : i32 to f32
    %sub3A_15 = arith.constant 1.000000e+04 : f32
    %sub3A_16 = arith.subf %sub3A_15, %convert_element_type3A : f32
    %reduce_sum3A_17 = arith.constant dense<0.000000e+00> : vector<128xf32>
    %reduce_sum3A_18 = vector.multi_reduction <add>, %square3A, %reduce_sum3A_17 [0] : vector<10000x128xf32> to vector<128xf32>
    %div3A_19 = vector.broadcast %sub3A_16 : f32 to vector<128xf32>
    %div3A_20 = arith.divf %reduce_sum3A_18, %div3A_19 : vector<128xf32>
    %gt3A = arith.constant 0.000000e+00 : f32
    %gt3A_21 = arith.cmpf ogt, %sub3A_16, %gt3A : f32
    %jit3A_22 = arith.constant 0x7FC00000 : f32
    %broadcast_in_dim3A_23 = vector.broadcast %jit3A_22 : f32 to vector<128xf32>
    %select_n3A = arith.select %gt3A_21, %div3A_20, %broadcast_in_dim3A_23 : vector<128xf32>
    %broadcast_in_dim3A_24 = vector.shape_cast %div3A_8 : vector<128xf32> to vector<1x128xf32>
    %sub3A_25 = vector.broadcast %broadcast_in_dim3A_24 : vector<1x128xf32> to vector<10000x128xf32>
    %sub3A_26 = arith.subf %get3A_1, %sub3A_25 : vector<10000x128xf32>
    %add3A = arith.constant 9.99999974E-6 : f32
    %add3A_27 = vector.broadcast %add3A : f32 to vector<128xf32>
    %add3A_28 = arith.addf %select_n3A, %add3A_27 : vector<128xf32>
    %sqrt3A = math.sqrt %add3A_28 : vector<128xf32>
    %broadcast_in_dim3A_29 = vector.shape_cast %sqrt3A : vector<128xf32> to vector<1x128xf32>
    %div3A_30 = vector.broadcast %broadcast_in_dim3A_29 : vector<1x128xf32> to vector<10000x128xf32>
    %div3A_31 = arith.divf %sub3A_26, %div3A_30 : vector<10000x128xf32>
    %broadcast_in_dim3A_32 = vector.shape_cast %get3A_3 : vector<128xf32> to vector<1x128xf32>
    %mul3A = vector.broadcast %broadcast_in_dim3A_32 : vector<1x128xf32> to vector<10000x128xf32>
    %mul3A_33 = arith.mulf %div3A_31, %mul3A : vector<10000x128xf32>
    %broadcast_in_dim3A_34 = vector.shape_cast %get3A_5 : vector<128xf32> to vector<1x128xf32>
    %add3A_35 = vector.broadcast %broadcast_in_dim3A_34 : vector<1x128xf32> to vector<10000x128xf32>
    %add3A_36 = arith.addf %mul3A_33, %add3A_35 : vector<10000x128xf32>
    %get3A_37 = arith.constant 0 : index
    %get3A_38 = arith.constant 0 : index
    %get3A_39 = vector.load %arg3[%get3A_37, %get3A_38] : memref<128x128xf32, #tpu.memory_space<vmem>>, vector<128x128xf32>
    %dot_general3A = arith.constant dense<0.000000e+00> : vector<10000x128xf32>
    %dot_general3A_40 = tpu.matmul %add3A_36, %get3A_39, %dot_general3A {dimension_numbers = #tpu.dot_dimension_numbers<[1], [0], [0], [1], [0, 0, 1, 1], [], []>, transpose_lhs_hint = false} : vector<10000x128xf32>, vector<128x128xf32>, vector<10000x128xf32> -> vector<10000x128xf32>
    %get3A_41 = arith.constant 0 : index
    %get3A_42 = vector.load %arg4[%get3A_41] : memref<128xf32, #tpu.memory_space<vmem>>, vector<128xf32>
    %broadcast_in_dim3A_43 = vector.shape_cast %get3A_42 : vector<128xf32> to vector<1x128xf32>
    %add3A_44 = vector.broadcast %broadcast_in_dim3A_43 : vector<1x128xf32> to vector<10000x128xf32>
    %add3A_45 = arith.addf %dot_general3A_40, %add3A_44 : vector<10000x128xf32>
    %swap3A = arith.constant 0 : index
    %swap3A_46 = arith.constant 0 : index
    %swap3A_47 = vector.load %arg6[%swap3A, %swap3A_46] : memref<10000x128xf32, #tpu.memory_space<vmem>>, vector<10000x128xf32>
    tpu.vector_store %arg6[%swap3A, %swap3A_46], %add3A_45 {strides = array<i32>} : memref<10000x128xf32, #tpu.memory_space<vmem>>, vector<10000x128xf32>,
    %get3A_48 = arith.constant 0 : index
    %get3A_49 = arith.constant 0 : index
    %get3A_50 = vector.load %arg5[%get3A_48, %get3A_49] : memref<128x128xf32, #tpu.memory_space<vmem>>, vector<128x128xf32>
    %dot_general3A_51 = arith.constant dense<0.000000e+00> : vector<10000x128xf32>
    %dot_general3A_52 = tpu.matmul %add3A_45, %get3A_50, %dot_general3A_51 {dimension_numbers = #tpu.dot_dimension_numbers<[1], [0], [0], [1], [0, 0, 1, 1], [], []>, transpose_lhs_hint = false} : vector<10000x128xf32>, vector<128x128xf32>, vector<10000x128xf32> -> vector<10000x128xf32>
    %swap3A_53 = arith.constant 0 : index
    %swap3A_54 = arith.constant 0 : index
    %swap3A_55 = vector.load %arg7[%swap3A_53, %swap3A_54] : memref<10000x128xf32, #tpu.memory_space<vmem>>, vector<10000x128xf32>
    tpu.vector_store %arg7[%swap3A_53, %swap3A_54], %dot_general3A_52 {strides = array<i32>} : memref<10000x128xf32, #tpu.memory_space<vmem>>, vector<10000x128xf32>,
    return
  }
}

module attributes {stable_mosaic.version = 14 : i64} {
  func.func @_qkv_body(%arg0: memref<10000x128xf32, #tpu.memory_space<vmem>>, %arg1: memref<128x128xf32, #tpu.memory_space<vmem>>, %arg2: memref<128xf32, #tpu.memory_space<vmem>>, %arg3: memref<128x128xf32, #tpu.memory_space<vmem>>, %arg4: memref<128xf32, #tpu.memory_space<vmem>>, %arg5: memref<128x128xf32, #tpu.memory_space<vmem>>, %arg6: memref<128xf32, #tpu.memory_space<vmem>>, %arg7: memref<10000x128xf32, #tpu.memory_space<vmem>>, %arg8: memref<10000x128xf32, #tpu.memory_space<vmem>>, %arg9: memref<10000x128xf32, #tpu.memory_space<vmem>>) attributes {dimension_semantics = [], scalar_prefetch = 0 : i64, scratch_operands = 0 : i64, tpu.core_type = #tpu.core_type<tc>} {
    %get3A = arith.constant 0 : index
    %get3A_0 = arith.constant 0 : index
    %get3A_1 = vector.load %arg0[%get3A, %get3A_0] : memref<10000x128xf32, #tpu.memory_space<vmem>>, vector<10000x128xf32>
    %get3A_2 = arith.constant 0 : index
    %get3A_3 = arith.constant 0 : index
    %get3A_4 = vector.load %arg1[%get3A_2, %get3A_3] : memref<128x128xf32, #tpu.memory_space<vmem>>, vector<128x128xf32>
    %dot_general3A = arith.constant dense<0.000000e+00> : vector<10000x128xf32>
    %dot_general3A_5 = tpu.matmul %get3A_1, %get3A_4, %dot_general3A {dimension_numbers = #tpu.dot_dimension_numbers<[1], [0], [0], [1], [0, 0, 1, 1], [], []>, transpose_lhs_hint = false} : vector<10000x128xf32>, vector<128x128xf32>, vector<10000x128xf32> -> vector<10000x128xf32>
    %get3A_6 = arith.constant 0 : index
    %get3A_7 = vector.load %arg2[%get3A_6] : memref<128xf32, #tpu.memory_space<vmem>>, vector<128xf32>
    %broadcast_in_dim3A = vector.shape_cast %get3A_7 : vector<128xf32> to vector<1x128xf32>
    %add3A = vector.broadcast %broadcast_in_dim3A : vector<1x128xf32> to vector<10000x128xf32>
    %add3A_8 = arith.addf %dot_general3A_5, %add3A : vector<10000x128xf32>
    %swap3A = arith.constant 0 : index
    %swap3A_9 = arith.constant 0 : index
    %swap3A_10 = vector.load %arg7[%swap3A, %swap3A_9] : memref<10000x128xf32, #tpu.memory_space<vmem>>, vector<10000x128xf32>
    tpu.vector_store %arg7[%swap3A, %swap3A_9], %add3A_8 {strides = array<i32>} : memref<10000x128xf32, #tpu.memory_space<vmem>>, vector<10000x128xf32>,
    %get3A_11 = arith.constant 0 : index
    %get3A_12 = arith.constant 0 : index
    %get3A_13 = vector.load %arg3[%get3A_11, %get3A_12] : memref<128x128xf32, #tpu.memory_space<vmem>>, vector<128x128xf32>
    %dot_general3A_14 = arith.constant dense<0.000000e+00> : vector<10000x128xf32>
    %dot_general3A_15 = tpu.matmul %get3A_1, %get3A_13, %dot_general3A_14 {dimension_numbers = #tpu.dot_dimension_numbers<[1], [0], [0], [1], [0, 0, 1, 1], [], []>, transpose_lhs_hint = false} : vector<10000x128xf32>, vector<128x128xf32>, vector<10000x128xf32> -> vector<10000x128xf32>
    %get3A_16 = arith.constant 0 : index
    %get3A_17 = vector.load %arg4[%get3A_16] : memref<128xf32, #tpu.memory_space<vmem>>, vector<128xf32>
    %broadcast_in_dim3A_18 = vector.shape_cast %get3A_17 : vector<128xf32> to vector<1x128xf32>
    %add3A_19 = vector.broadcast %broadcast_in_dim3A_18 : vector<1x128xf32> to vector<10000x128xf32>
    %add3A_20 = arith.addf %dot_general3A_15, %add3A_19 : vector<10000x128xf32>
    %swap3A_21 = arith.constant 0 : index
    %swap3A_22 = arith.constant 0 : index
    %swap3A_23 = vector.load %arg8[%swap3A_21, %swap3A_22] : memref<10000x128xf32, #tpu.memory_space<vmem>>, vector<10000x128xf32>
    tpu.vector_store %arg8[%swap3A_21, %swap3A_22], %add3A_20 {strides = array<i32>} : memref<10000x128xf32, #tpu.memory_space<vmem>>, vector<10000x128xf32>,
    %get3A_24 = arith.constant 0 : index
    %get3A_25 = arith.constant 0 : index
    %get3A_26 = vector.load %arg5[%get3A_24, %get3A_25] : memref<128x128xf32, #tpu.memory_space<vmem>>, vector<128x128xf32>
    %dot_general3A_27 = arith.constant dense<0.000000e+00> : vector<10000x128xf32>
    %dot_general3A_28 = tpu.matmul %get3A_1, %get3A_26, %dot_general3A_27 {dimension_numbers = #tpu.dot_dimension_numbers<[1], [0], [0], [1], [0, 0, 1, 1], [], []>, transpose_lhs_hint = false} : vector<10000x128xf32>, vector<128x128xf32>, vector<10000x128xf32> -> vector<10000x128xf32>
    %get3A_29 = arith.constant 0 : index
    %get3A_30 = vector.load %arg6[%get3A_29] : memref<128xf32, #tpu.memory_space<vmem>>, vector<128xf32>
    %broadcast_in_dim3A_31 = vector.shape_cast %get3A_30 : vector<128xf32> to vector<1x128xf32>
    %add3A_32 = vector.broadcast %broadcast_in_dim3A_31 : vector<1x128xf32> to vector<10000x128xf32>
    %add3A_33 = arith.addf %dot_general3A_28, %add3A_32 : vector<10000x128xf32>
    %swap3A_34 = arith.constant 0 : index
    %swap3A_35 = arith.constant 0 : index
    %swap3A_36 = vector.load %arg9[%swap3A_34, %swap3A_35] : memref<10000x128xf32, #tpu.memory_space<vmem>>, vector<10000x128xf32>
    tpu.vector_store %arg9[%swap3A_34, %swap3A_35], %add3A_33 {strides = array<i32>} : memref<10000x128xf32, #tpu.memory_space<vmem>>, vector<10000x128xf32>,
    return
  }
}

module attributes {stable_mosaic.version = 14 : i64} {
  func.func @_attn_body(%arg0: i32, %arg1: memref<400x128xf32, #tpu.memory_space<vmem>>, %arg2: memref<10000x128xf32, #tpu.memory_space<vmem>>, %arg3: memref<10000x128xf32, #tpu.memory_space<vmem>>, %arg4: memref<400x128xf32, #tpu.memory_space<vmem>>) attributes {dimension_semantics = [#tpu.dimension_semantics<arbitrary>], iteration_bounds = array<i64: 25>, scalar_prefetch = 0 : i64, scratch_operands = 0 : i64, tpu.core_type = #tpu.core_type<tc>, window_params = [{transform_indices = @transform_0, window_bounds = array<i64: 400, 128>}, {pipeline_mode = #tpu.pipeline_mode<synchronous>, transform_indices = @transform_1, window_bounds = array<i64: 10000, 128>}, {pipeline_mode = #tpu.pipeline_mode<synchronous>, transform_indices = @transform_2, window_bounds = array<i64: 10000, 128>}, {transform_indices = @transform_3, window_bounds = array<i64: 400, 128>}]} {
    %get3A = arith.constant 0 : index
    %get3A_0 = arith.constant 0 : index
    %get3A_1 = vector.load %arg1[%get3A, %get3A_0] : memref<400x128xf32, #tpu.memory_space<vmem>>, vector<400x128xf32>
    %get3A_2 = arith.constant 0 : index
    %get3A_3 = arith.constant 0 : index
    %get3A_4 = vector.load %arg2[%get3A_2, %get3A_3] : memref<10000x128xf32, #tpu.memory_space<vmem>>, vector<10000x128xf32>
    %dot_general3A = arith.constant dense<0.000000e+00> : vector<400x10000xf32>
    %dot_general3A_5 = tpu.matmul %get3A_1, %get3A_4, %dot_general3A {dimension_numbers = #tpu.dot_dimension_numbers<[1], [1], [0], [0], [0, 0, 1, 0], [], []>, transpose_lhs_hint = false} : vector<400x128xf32>, vector<10000x128xf32>, vector<400x10000xf32> -> vector<400x10000xf32>
    %mul3A = arith.constant 0.0883883461 : f32
    %mul3A_6 = vector.broadcast %mul3A : f32 to vector<400x10000xf32>
    %mul3A_7 = arith.mulf %dot_general3A_5, %mul3A_6 : vector<400x10000xf32>
    %reduce_max3A = arith.constant dense<0xFF800000> : vector<400xf32>
    %reduce_max3A_8 = vector.multi_reduction <maximumf>, %mul3A_7, %reduce_max3A [1] : vector<400x10000xf32> to vector<400xf32>
    %broadcast_in_dim3A = vector.shape_cast %reduce_max3A_8 : vector<400xf32> to vector<400x1xf32>
    %sub3A = vector.broadcast %broadcast_in_dim3A : vector<400x1xf32> to vector<400x10000xf32>
    %sub3A_9 = arith.subf %mul3A_7, %sub3A : vector<400x10000xf32>
    %exp3A = math.exp %sub3A_9 : vector<400x10000xf32>
    %reduce_sum3A = arith.constant dense<0.000000e+00> : vector<400xf32>
    %reduce_sum3A_10 = vector.multi_reduction <add>, %exp3A, %reduce_sum3A [1] : vector<400x10000xf32> to vector<400xf32>
    %broadcast_in_dim3A_11 = vector.shape_cast %reduce_sum3A_10 : vector<400xf32> to vector<400x1xf32>
    %get3A_12 = arith.constant 0 : index
    %get3A_13 = arith.constant 0 : index
    %get3A_14 = vector.load %arg3[%get3A_12, %get3A_13] : memref<10000x128xf32, #tpu.memory_space<vmem>>, vector<10000x128xf32>
    %dot_general3A_15 = arith.constant dense<0.000000e+00> : vector<400x128xf32>
    %dot_general3A_16 = tpu.matmul %exp3A, %get3A_14, %dot_general3A_15 {dimension_numbers = #tpu.dot_dimension_numbers<[1], [0], [0], [1], [0, 0, 1, 1], [], []>, transpose_lhs_hint = false} : vector<400x10000xf32>, vector<10000x128xf32>, vector<400x128xf32> -> vector<400x128xf32>
    %div3A = vector.broadcast %broadcast_in_dim3A_11 : vector<400x1xf32> to vector<400x128xf32>
    %div3A_17 = arith.divf %dot_general3A_16, %div3A : vector<400x128xf32>
    %swap3A = arith.constant 0 : index
    %swap3A_18 = arith.constant 0 : index
    %swap3A_19 = vector.load %arg4[%swap3A, %swap3A_18] : memref<400x128xf32, #tpu.memory_space<vmem>>, vector<400x128xf32>
    tpu.vector_store %arg4[%swap3A, %swap3A_18], %div3A_17 {strides = array<i32>} : memref<400x128xf32, #tpu.memory_space<vmem>>, vector<400x128xf32>,
    return
  }
  func.func @transform_0(%arg0: i32) -> (i32, i32) {
    %c0_i32 = arith.constant 0 : i32
    %c0_i32_0 = arith.constant 0 : i32
    return %arg0, %c0_i32 : i32, i32
  }
  func.func @transform_1(%arg0: i32) -> (i32, i32) {
    %c0_i32 = arith.constant 0 : i32
    %c0_i32_0 = arith.constant 0 : i32
    %c0_i32_1 = arith.constant 0 : i32
    return %c0_i32, %c0_i32_0 : i32, i32
  }
  func.func @transform_2(%arg0: i32) -> (i32, i32) {
    %c0_i32 = arith.constant 0 : i32
    %c0_i32_0 = arith.constant 0 : i32
    %c0_i32_1 = arith.constant 0 : i32
    return %c0_i32, %c0_i32_0 : i32, i32
  }
  func.func @transform_3(%arg0: i32) -> (i32, i32) {
    %c0_i32 = arith.constant 0 : i32
    %c0_i32_0 = arith.constant 0 : i32
    return %arg0, %c0_i32 : i32, i32
  }
}

module attributes {stable_mosaic.version = 14 : i64} {
  func.func @_kb0_body(%arg0: memref<10000x128xf32, #tpu.memory_space<vmem>>, %arg1: memref<10000x128xf32, #tpu.memory_space<vmem>>, %arg2: memref<10000x128xf32, #tpu.memory_space<vmem>>, %arg3: memref<10000x128xf32, #tpu.memory_space<vmem>>, %arg4: memref<10000x1xf32, #tpu.memory_space<vmem>>, %arg5: memref<10000x1xf32, #tpu.memory_space<vmem>>, %arg6: memref<128xf32, #tpu.memory_space<vmem>>, %arg7: memref<128xf32, #tpu.memory_space<vmem>>, %arg8: memref<128xf32, #tpu.memory_space<vmem>>, %arg9: memref<10000x128xf32, #tpu.memory_space<vmem>>) attributes {dimension_semantics = [], scalar_prefetch = 0 : i64, scratch_operands = 0 : i64, tpu.core_type = #tpu.core_type<tc>} {
    %get3A = arith.constant 0 : index
    %get3A_0 = arith.constant 0 : index
    %get3A_1 = vector.load %arg1[%get3A, %get3A_0] : memref<10000x128xf32, #tpu.memory_space<vmem>>, vector<10000x128xf32>
    %get3A_2 = arith.constant 0 : index
    %get3A_3 = arith.constant 0 : index
    %get3A_4 = vector.load %arg2[%get3A_2, %get3A_3] : memref<10000x128xf32, #tpu.memory_space<vmem>>, vector<10000x128xf32>
    %add3A = arith.addf %get3A_1, %get3A_4 : vector<10000x128xf32>
    %get3A_5 = arith.constant 0 : index
    %get3A_6 = arith.constant 0 : index
    %get3A_7 = vector.load %arg4[%get3A_5, %get3A_6] : memref<10000x1xf32, #tpu.memory_space<vmem>>, vector<10000x1xf32>
    %mul3A = vector.broadcast %get3A_7 : vector<10000x1xf32> to vector<10000x128xf32>
    %mul3A_8 = arith.mulf %add3A, %mul3A : vector<10000x128xf32>
    %get3A_9 = arith.constant 0 : index
    %get3A_10 = arith.constant 0 : index
    %get3A_11 = vector.load %arg5[%get3A_9, %get3A_10] : memref<10000x1xf32, #tpu.memory_space<vmem>>, vector<10000x1xf32>
    %get3A_12 = arith.constant 0 : index
    %get3A_13 = arith.constant 0 : index
    %get3A_14 = vector.load %arg3[%get3A_12, %get3A_13] : memref<10000x128xf32, #tpu.memory_space<vmem>>, vector<10000x128xf32>
    %mul3A_15 = vector.broadcast %get3A_11 : vector<10000x1xf32> to vector<10000x128xf32>
    %mul3A_16 = arith.mulf %mul3A_15, %get3A_14 : vector<10000x128xf32>
    %add3A_17 = arith.addf %mul3A_8, %mul3A_16 : vector<10000x128xf32>
    %get3A_18 = arith.constant 0 : index
    %get3A_19 = vector.load %arg6[%get3A_18] : memref<128xf32, #tpu.memory_space<vmem>>, vector<128xf32>
    %broadcast_in_dim3A = vector.shape_cast %get3A_19 : vector<128xf32> to vector<1x128xf32>
    %add3A_20 = vector.broadcast %broadcast_in_dim3A : vector<1x128xf32> to vector<10000x128xf32>
    %add3A_21 = arith.addf %add3A_17, %add3A_20 : vector<10000x128xf32>
    %get3A_22 = arith.constant 0 : index
    %get3A_23 = arith.constant 0 : index
    %get3A_24 = vector.load %arg0[%get3A_22, %get3A_23] : memref<10000x128xf32, #tpu.memory_space<vmem>>, vector<10000x128xf32>
    %add3A_25 = arith.addf %add3A_21, %get3A_24 : vector<10000x128xf32>
    %get3A_26 = arith.constant 0 : index
    %get3A_27 = vector.load %arg7[%get3A_26] : memref<128xf32, #tpu.memory_space<vmem>>, vector<128xf32>
    %get3A_28 = arith.constant 0 : index
    %get3A_29 = vector.load %arg8[%get3A_28] : memref<128xf32, #tpu.memory_space<vmem>>, vector<128xf32>
    %reduce_sum3A = arith.constant dense<0.000000e+00> : vector<128xf32>
    %reduce_sum3A_30 = vector.multi_reduction <add>, %add3A_25, %reduce_sum3A [0] : vector<10000x128xf32> to vector<128xf32>
    %div3A = arith.constant 1.000000e+04 : f32
    %div3A_31 = vector.broadcast %div3A : f32 to vector<128xf32>
    %div3A_32 = arith.divf %reduce_sum3A_30, %div3A_31 : vector<128xf32>
    %jit3A = arith.constant 0 : i32
    %reduce_sum3A_33 = arith.constant dense<0.000000e+00> : vector<128xf32>
    %reduce_sum3A_34 = vector.multi_reduction <add>, %add3A_25, %reduce_sum3A_33 [0] : vector<10000x128xf32> to vector<128xf32>
    %broadcast_in_dim3A_35 = vector.shape_cast %reduce_sum3A_34 : vector<128xf32> to vector<1x128xf32>
    %div3A_36 = arith.constant 1.000000e+04 : f32
    %div3A_37 = vector.broadcast %div3A_36 : f32 to vector<1x128xf32>
    %div3A_38 = arith.divf %broadcast_in_dim3A_35, %div3A_37 : vector<1x128xf32>
    %sub3A = vector.broadcast %div3A_38 : vector<1x128xf32> to vector<10000x128xf32>
    %sub3A_39 = arith.subf %add3A_25, %sub3A : vector<10000x128xf32>
    %square3A = arith.mulf %sub3A_39, %sub3A_39 : vector<10000x128xf32>
    %convert_element_type3A = arith.sitofp %jit3A : i32 to f32
    %sub3A_40 = arith.constant 1.000000e+04 : f32
    %sub3A_41 = arith.subf %sub3A_40, %convert_element_type3A : f32
    %reduce_sum3A_42 = arith.constant dense<0.000000e+00> : vector<128xf32>
    %reduce_sum3A_43 = vector.multi_reduction <add>, %square3A, %reduce_sum3A_42 [0] : vector<10000x128xf32> to vector<128xf32>
    %div3A_44 = vector.broadcast %sub3A_41 : f32 to vector<128xf32>
    %div3A_45 = arith.divf %reduce_sum3A_43, %div3A_44 : vector<128xf32>
    %gt3A = arith.constant 0.000000e+00 : f32
    %gt3A_46 = arith.cmpf ogt, %sub3A_41, %gt3A : f32
    %jit3A_47 = arith.constant 0x7FC00000 : f32
    %broadcast_in_dim3A_48 = vector.broadcast %jit3A_47 : f32 to vector<128xf32>
    %select_n3A = arith.select %gt3A_46, %div3A_45, %broadcast_in_dim3A_48 : vector<128xf32>
    %broadcast_in_dim3A_49 = vector.shape_cast %div3A_32 : vector<128xf32> to vector<1x128xf32>
    %sub3A_50 = vector.broadcast %broadcast_in_dim3A_49 : vector<1x128xf32> to vector<10000x128xf32>
    %sub3A_51 = arith.subf %add3A_25, %sub3A_50 : vector<10000x128xf32>
    %add3A_52 = arith.constant 9.99999974E-6 : f32
    %add3A_53 = vector.broadcast %add3A_52 : f32 to vector<128xf32>
    %add3A_54 = arith.addf %select_n3A, %add3A_53 : vector<128xf32>
    %sqrt3A = math.sqrt %add3A_54 : vector<128xf32>
    %broadcast_in_dim3A_55 = vector.shape_cast %sqrt3A : vector<128xf32> to vector<1x128xf32>
    %div3A_56 = vector.broadcast %broadcast_in_dim3A_55 : vector<1x128xf32> to vector<10000x128xf32>
    %div3A_57 = arith.divf %sub3A_51, %div3A_56 : vector<10000x128xf32>
    %broadcast_in_dim3A_58 = vector.shape_cast %get3A_27 : vector<128xf32> to vector<1x128xf32>
    %mul3A_59 = vector.broadcast %broadcast_in_dim3A_58 : vector<1x128xf32> to vector<10000x128xf32>
    %mul3A_60 = arith.mulf %div3A_57, %mul3A_59 : vector<10000x128xf32>
    %broadcast_in_dim3A_61 = vector.shape_cast %get3A_29 : vector<128xf32> to vector<1x128xf32>
    %add3A_62 = vector.broadcast %broadcast_in_dim3A_61 : vector<1x128xf32> to vector<10000x128xf32>
    %add3A_63 = arith.addf %mul3A_60, %add3A_62 : vector<10000x128xf32>
    %swap3A = arith.constant 0 : index
    %swap3A_64 = arith.constant 0 : index
    %swap3A_65 = vector.load %arg9[%swap3A, %swap3A_64] : memref<10000x128xf32, #tpu.memory_space<vmem>>, vector<10000x128xf32>
    tpu.vector_store %arg9[%swap3A, %swap3A_64], %add3A_63 {strides = array<i32>} : memref<10000x128xf32, #tpu.memory_space<vmem>>, vector<10000x128xf32>,
    return
  }
}

module attributes {stable_mosaic.version = 14 : i64} {
  func.func @_kb2a_body(%arg0: memref<10000x128xf32, #tpu.memory_space<vmem>>, %arg1: memref<10000x128xf32, #tpu.memory_space<vmem>>, %arg2: memref<10000x128xf32, #tpu.memory_space<vmem>>, %arg3: memref<128x128xf32, #tpu.memory_space<vmem>>, %arg4: memref<128xf32, #tpu.memory_space<vmem>>, %arg5: memref<128xf32, #tpu.memory_space<vmem>>, %arg6: memref<128xf32, #tpu.memory_space<vmem>>, %arg7: memref<128x256xf32, #tpu.memory_space<vmem>>, %arg8: memref<256xf32, #tpu.memory_space<vmem>>, %arg9: memref<256x128xf32, #tpu.memory_space<vmem>>, %arg10: memref<128xf32, #tpu.memory_space<vmem>>, %arg11: memref<10000x128xf32, #tpu.memory_space<vmem>>) attributes {dimension_semantics = [], scalar_prefetch = 0 : i64, scratch_operands = 0 : i64, tpu.core_type = #tpu.core_type<tc>} {
    %get3A = arith.constant 0 : index
    %get3A_0 = arith.constant 0 : index
    %get3A_1 = vector.load %arg0[%get3A, %get3A_0] : memref<10000x128xf32, #tpu.memory_space<vmem>>, vector<10000x128xf32>
    %get3A_2 = arith.constant 0 : index
    %get3A_3 = arith.constant 0 : index
    %get3A_4 = vector.load %arg3[%get3A_2, %get3A_3] : memref<128x128xf32, #tpu.memory_space<vmem>>, vector<128x128xf32>
    %dot_general3A = arith.constant dense<0.000000e+00> : vector<10000x128xf32>
    %dot_general3A_5 = tpu.matmul %get3A_1, %get3A_4, %dot_general3A {dimension_numbers = #tpu.dot_dimension_numbers<[1], [0], [0], [1], [0, 0, 1, 1], [], []>, transpose_lhs_hint = false} : vector<10000x128xf32>, vector<128x128xf32>, vector<10000x128xf32> -> vector<10000x128xf32>
    %get3A_6 = arith.constant 0 : index
    %get3A_7 = vector.load %arg4[%get3A_6] : memref<128xf32, #tpu.memory_space<vmem>>, vector<128xf32>
    %broadcast_in_dim3A = vector.shape_cast %get3A_7 : vector<128xf32> to vector<1x128xf32>
    %add3A = vector.broadcast %broadcast_in_dim3A : vector<1x128xf32> to vector<10000x128xf32>
    %add3A_8 = arith.addf %dot_general3A_5, %add3A : vector<10000x128xf32>
    %get3A_9 = arith.constant 0 : index
    %get3A_10 = arith.constant 0 : index
    %get3A_11 = vector.load %arg1[%get3A_9, %get3A_10] : memref<10000x128xf32, #tpu.memory_space<vmem>>, vector<10000x128xf32>
    %add3A_12 = arith.addf %add3A_8, %get3A_11 : vector<10000x128xf32>
    %get3A_13 = arith.constant 0 : index
    %get3A_14 = vector.load %arg5[%get3A_13] : memref<128xf32, #tpu.memory_space<vmem>>, vector<128xf32>
    %get3A_15 = arith.constant 0 : index
    %get3A_16 = vector.load %arg6[%get3A_15] : memref<128xf32, #tpu.memory_space<vmem>>, vector<128xf32>
    %reduce_sum3A = arith.constant dense<0.000000e+00> : vector<128xf32>
    %reduce_sum3A_17 = vector.multi_reduction <add>, %add3A_12, %reduce_sum3A [0] : vector<10000x128xf32> to vector<128xf32>
    %div3A = arith.constant 1.000000e+04 : f32
    %div3A_18 = vector.broadcast %div3A : f32 to vector<128xf32>
    %div3A_19 = arith.divf %reduce_sum3A_17, %div3A_18 : vector<128xf32>
    %jit3A = arith.constant 0 : i32
    %reduce_sum3A_20 = arith.constant dense<0.000000e+00> : vector<128xf32>
    %reduce_sum3A_21 = vector.multi_reduction <add>, %add3A_12, %reduce_sum3A_20 [0] : vector<10000x128xf32> to vector<128xf32>
    %broadcast_in_dim3A_22 = vector.shape_cast %reduce_sum3A_21 : vector<128xf32> to vector<1x128xf32>
    %div3A_23 = arith.constant 1.000000e+04 : f32
    %div3A_24 = vector.broadcast %div3A_23 : f32 to vector<1x128xf32>
    %div3A_25 = arith.divf %broadcast_in_dim3A_22, %div3A_24 : vector<1x128xf32>
    %sub3A = vector.broadcast %div3A_25 : vector<1x128xf32> to vector<10000x128xf32>
    %sub3A_26 = arith.subf %add3A_12, %sub3A : vector<10000x128xf32>
    %square3A = arith.mulf %sub3A_26, %sub3A_26 : vector<10000x128xf32>
    %convert_element_type3A = arith.sitofp %jit3A : i32 to f32
    %sub3A_27 = arith.constant 1.000000e+04 : f32
    %sub3A_28 = arith.subf %sub3A_27, %convert_element_type3A : f32
    %reduce_sum3A_29 = arith.constant dense<0.000000e+00> : vector<128xf32>
    %reduce_sum3A_30 = vector.multi_reduction <add>, %square3A, %reduce_sum3A_29 [0] : vector<10000x128xf32> to vector<128xf32>
    %div3A_31 = vector.broadcast %sub3A_28 : f32 to vector<128xf32>
    %div3A_32 = arith.divf %reduce_sum3A_30, %div3A_31 : vector<128xf32>
    %gt3A = arith.constant 0.000000e+00 : f32
    %gt3A_33 = arith.cmpf ogt, %sub3A_28, %gt3A : f32
    %jit3A_34 = arith.constant 0x7FC00000 : f32
    %broadcast_in_dim3A_35 = vector.broadcast %jit3A_34 : f32 to vector<128xf32>
    %select_n3A = arith.select %gt3A_33, %div3A_32, %broadcast_in_dim3A_35 : vector<128xf32>
    %broadcast_in_dim3A_36 = vector.shape_cast %div3A_19 : vector<128xf32> to vector<1x128xf32>
    %sub3A_37 = vector.broadcast %broadcast_in_dim3A_36 : vector<1x128xf32> to vector<10000x128xf32>
    %sub3A_38 = arith.subf %add3A_12, %sub3A_37 : vector<10000x128xf32>
    %add3A_39 = arith.constant 9.99999974E-6 : f32
    %add3A_40 = vector.broadcast %add3A_39 : f32 to vector<128xf32>
    %add3A_41 = arith.addf %select_n3A, %add3A_40 : vector<128xf32>
    %sqrt3A = math.sqrt %add3A_41 : vector<128xf32>
    %broadcast_in_dim3A_42 = vector.shape_cast %sqrt3A : vector<128xf32> to vector<1x128xf32>
    %div3A_43 = vector.broadcast %broadcast_in_dim3A_42 : vector<1x128xf32> to vector<10000x128xf32>
    %div3A_44 = arith.divf %sub3A_38, %div3A_43 : vector<10000x128xf32>
    %broadcast_in_dim3A_45 = vector.shape_cast %get3A_14 : vector<128xf32> to vector<1x128xf32>
    %mul3A = vector.broadcast %broadcast_in_dim3A_45 : vector<1x128xf32> to vector<10000x128xf32>
    %mul3A_46 = arith.mulf %div3A_44, %mul3A : vector<10000x128xf32>
    %broadcast_in_dim3A_47 = vector.shape_cast %get3A_16 : vector<128xf32> to vector<1x128xf32>
    %add3A_48 = vector.broadcast %broadcast_in_dim3A_47 : vector<1x128xf32> to vector<10000x128xf32>
    %add3A_49 = arith.addf %mul3A_46, %add3A_48 : vector<10000x128xf32>
    %get3A_50 = arith.constant 0 : index
    %get3A_51 = arith.constant 0 : index
    %get3A_52 = vector.load %arg2[%get3A_50, %get3A_51] : memref<10000x128xf32, #tpu.memory_space<vmem>>, vector<10000x128xf32>
    %add3A_53 = arith.addf %get3A_52, %add3A_49 : vector<10000x128xf32>
    %get3A_54 = arith.constant 0 : index
    %get3A_55 = arith.constant 0 : index
    %get3A_56 = vector.load %arg7[%get3A_54, %get3A_55] : memref<128x256xf32, #tpu.memory_space<vmem>>, vector<128x256xf32>
    %dot_general3A_57 = arith.constant dense<0.000000e+00> : vector<10000x256xf32>
    %dot_general3A_58 = tpu.matmul %add3A_53, %get3A_56, %dot_general3A_57 {dimension_numbers = #tpu.dot_dimension_numbers<[1], [0], [0], [1], [0, 0, 1, 1], [], []>, transpose_lhs_hint = false} : vector<10000x128xf32>, vector<128x256xf32>, vector<10000x256xf32> -> vector<10000x256xf32>
    %get3A_59 = arith.constant 0 : index
    %get3A_60 = vector.load %arg8[%get3A_59] : memref<256xf32, #tpu.memory_space<vmem>>, vector<256xf32>
    %broadcast_in_dim3A_61 = vector.shape_cast %get3A_60 : vector<256xf32> to vector<1x256xf32>
    %add3A_62 = vector.broadcast %broadcast_in_dim3A_61 : vector<1x256xf32> to vector<10000x256xf32>
    %add3A_63 = arith.addf %dot_general3A_58, %add3A_62 : vector<10000x256xf32>
    %max3A = arith.constant 0.000000e+00 : f32
    %max3A_64 = vector.broadcast %max3A : f32 to vector<10000x256xf32>
    %max3A_65 = arith.maximumf %add3A_63, %max3A_64 : vector<10000x256xf32>
    %get3A_66 = arith.constant 0 : index
    %get3A_67 = arith.constant 0 : index
    %get3A_68 = vector.load %arg9[%get3A_66, %get3A_67] : memref<256x128xf32, #tpu.memory_space<vmem>>, vector<256x128xf32>
    %dot_general3A_69 = arith.constant dense<0.000000e+00> : vector<10000x128xf32>
    %dot_general3A_70 = tpu.matmul %max3A_65, %get3A_68, %dot_general3A_69 {dimension_numbers = #tpu.dot_dimension_numbers<[1], [0], [0], [1], [0, 0, 1, 1], [], []>, transpose_lhs_hint = false} : vector<10000x256xf32>, vector<256x128xf32>, vector<10000x128xf32> -> vector<10000x128xf32>
    %get3A_71 = arith.constant 0 : index
    %get3A_72 = vector.load %arg10[%get3A_71] : memref<128xf32, #tpu.memory_space<vmem>>, vector<128xf32>
    %broadcast_in_dim3A_73 = vector.shape_cast %get3A_72 : vector<128xf32> to vector<1x128xf32>
    %add3A_74 = vector.broadcast %broadcast_in_dim3A_73 : vector<1x128xf32> to vector<10000x128xf32>
    %add3A_75 = arith.addf %dot_general3A_70, %add3A_74 : vector<10000x128xf32>
    %add3A_76 = arith.addf %add3A_53, %add3A_75 : vector<10000x128xf32>
    %swap3A = arith.constant 0 : index
    %swap3A_77 = arith.constant 0 : index
    %swap3A_78 = vector.load %arg11[%swap3A, %swap3A_77] : memref<10000x128xf32, #tpu.memory_space<vmem>>, vector<10000x128xf32>
    tpu.vector_store %arg11[%swap3A, %swap3A_77], %add3A_76 {strides = array<i32>} : memref<10000x128xf32, #tpu.memory_space<vmem>>, vector<10000x128xf32>,
    return
  }
}

module attributes {stable_mosaic.version = 14 : i64} {
  func.func @_kb2b_body(%arg0: memref<10000x128xf32, #tpu.memory_space<vmem>>, %arg1: memref<128xf32, #tpu.memory_space<vmem>>, %arg2: memref<128xf32, #tpu.memory_space<vmem>>, %arg3: memref<1xf32, #tpu.memory_space<vmem>>, %arg4: memref<10000x128xf32, #tpu.memory_space<vmem>>, %arg5: memref<10000x256xf32, #tpu.memory_space<vmem>>) attributes {dimension_semantics = [], scalar_prefetch = 0 : i64, scratch_operands = 0 : i64, tpu.core_type = #tpu.core_type<tc>} {
    %get3A = arith.constant 0 : index
    %get3A_0 = arith.constant 0 : index
    %get3A_1 = vector.load %arg0[%get3A, %get3A_0] : memref<10000x128xf32, #tpu.memory_space<vmem>>, vector<10000x128xf32>
    %get3A_2 = arith.constant 0 : index
    %get3A_3 = vector.load %arg1[%get3A_2] : memref<128xf32, #tpu.memory_space<vmem>>, vector<128xf32>
    %get3A_4 = arith.constant 0 : index
    %get3A_5 = vector.load %arg2[%get3A_4] : memref<128xf32, #tpu.memory_space<vmem>>, vector<128xf32>
    %reduce_sum3A = arith.constant dense<0.000000e+00> : vector<128xf32>
    %reduce_sum3A_6 = vector.multi_reduction <add>, %get3A_1, %reduce_sum3A [0] : vector<10000x128xf32> to vector<128xf32>
    %div3A = arith.constant 1.000000e+04 : f32
    %div3A_7 = vector.broadcast %div3A : f32 to vector<128xf32>
    %div3A_8 = arith.divf %reduce_sum3A_6, %div3A_7 : vector<128xf32>
    %jit3A = arith.constant 0 : i32
    %reduce_sum3A_9 = arith.constant dense<0.000000e+00> : vector<128xf32>
    %reduce_sum3A_10 = vector.multi_reduction <add>, %get3A_1, %reduce_sum3A_9 [0] : vector<10000x128xf32> to vector<128xf32>
    %broadcast_in_dim3A = vector.shape_cast %reduce_sum3A_10 : vector<128xf32> to vector<1x128xf32>
    %div3A_11 = arith.constant 1.000000e+04 : f32
    %div3A_12 = vector.broadcast %div3A_11 : f32 to vector<1x128xf32>
    %div3A_13 = arith.divf %broadcast_in_dim3A, %div3A_12 : vector<1x128xf32>
    %sub3A = vector.broadcast %div3A_13 : vector<1x128xf32> to vector<10000x128xf32>
    %sub3A_14 = arith.subf %get3A_1, %sub3A : vector<10000x128xf32>
    %square3A = arith.mulf %sub3A_14, %sub3A_14 : vector<10000x128xf32>
    %convert_element_type3A = arith.sitofp %jit3A : i32 to f32
    %sub3A_15 = arith.constant 1.000000e+04 : f32
    %sub3A_16 = arith.subf %sub3A_15, %convert_element_type3A : f32
    %reduce_sum3A_17 = arith.constant dense<0.000000e+00> : vector<128xf32>
    %reduce_sum3A_18 = vector.multi_reduction <add>, %square3A, %reduce_sum3A_17 [0] : vector<10000x128xf32> to vector<128xf32>
    %div3A_19 = vector.broadcast %sub3A_16 : f32 to vector<128xf32>
    %div3A_20 = arith.divf %reduce_sum3A_18, %div3A_19 : vector<128xf32>
    %gt3A = arith.constant 0.000000e+00 : f32
    %gt3A_21 = arith.cmpf ogt, %sub3A_16, %gt3A : f32
    %jit3A_22 = arith.constant 0x7FC00000 : f32
    %broadcast_in_dim3A_23 = vector.broadcast %jit3A_22 : f32 to vector<128xf32>
    %select_n3A = arith.select %gt3A_21, %div3A_20, %broadcast_in_dim3A_23 : vector<128xf32>
    %broadcast_in_dim3A_24 = vector.shape_cast %div3A_8 : vector<128xf32> to vector<1x128xf32>
    %sub3A_25 = vector.broadcast %broadcast_in_dim3A_24 : vector<1x128xf32> to vector<10000x128xf32>
    %sub3A_26 = arith.subf %get3A_1, %sub3A_25 : vector<10000x128xf32>
    %add3A = arith.constant 9.99999974E-6 : f32
    %add3A_27 = vector.broadcast %add3A : f32 to vector<128xf32>
    %add3A_28 = arith.addf %select_n3A, %add3A_27 : vector<128xf32>
    %sqrt3A = math.sqrt %add3A_28 : vector<128xf32>
    %broadcast_in_dim3A_29 = vector.shape_cast %sqrt3A : vector<128xf32> to vector<1x128xf32>
    %div3A_30 = vector.broadcast %broadcast_in_dim3A_29 : vector<1x128xf32> to vector<10000x128xf32>
    %div3A_31 = arith.divf %sub3A_26, %div3A_30 : vector<10000x128xf32>
    %broadcast_in_dim3A_32 = vector.shape_cast %get3A_3 : vector<128xf32> to vector<1x128xf32>
    %mul3A = vector.broadcast %broadcast_in_dim3A_32 : vector<1x128xf32> to vector<10000x128xf32>
    %mul3A_33 = arith.mulf %div3A_31, %mul3A : vector<10000x128xf32>
    %broadcast_in_dim3A_34 = vector.shape_cast %get3A_5 : vector<128xf32> to vector<1x128xf32>
    %add3A_35 = vector.broadcast %broadcast_in_dim3A_34 : vector<1x128xf32> to vector<10000x128xf32>
    %add3A_36 = arith.addf %mul3A_33, %add3A_35 : vector<10000x128xf32>
    %swap3A = arith.constant 0 : index
    %swap3A_37 = arith.constant 0 : index
    %swap3A_38 = vector.load %arg4[%swap3A, %swap3A_37] : memref<10000x128xf32, #tpu.memory_space<vmem>>, vector<10000x128xf32>
    tpu.vector_store %arg4[%swap3A, %swap3A_37], %add3A_36 {strides = array<i32>} : memref<10000x128xf32, #tpu.memory_space<vmem>>, vector<10000x128xf32>,
    %get3A_39 = arith.constant 0 : index
    %get3A_40 = vector.load %arg3[%get3A_39] : memref<1xf32, #tpu.memory_space<vmem>>, vector<1xf32>
    %get3A_41 = vector.extract %get3A_40[0] : f32 from vector<1xf32>
    %mul3A_42 = vector.broadcast %get3A_41 : f32 to vector<10000x128xf32>
    %mul3A_43 = arith.mulf %mul3A_42, %add3A_36 : vector<10000x128xf32>
    %reduce_max3A = arith.constant dense<0xFF800000> : vector<128xf32>
    %reduce_max3A_44 = vector.multi_reduction <maximumf>, %mul3A_43, %reduce_max3A [0] : vector<10000x128xf32> to vector<128xf32>
    %broadcast_in_dim3A_45 = vector.shape_cast %reduce_max3A_44 : vector<128xf32> to vector<1x128xf32>
    %sub3A_46 = vector.broadcast %broadcast_in_dim3A_45 : vector<1x128xf32> to vector<10000x128xf32>
    %sub3A_47 = arith.subf %mul3A_43, %sub3A_46 : vector<10000x128xf32>
    %exp3A = math.exp %sub3A_47 : vector<10000x128xf32>
    %mul3A_48 = arith.mulf %exp3A, %add3A_36 : vector<10000x128xf32>
    %swap3A_49 = arith.constant 0 : index
    %swap3A_50 = arith.constant 0 : index
    %swap3A_51 = vector.load %arg5[%swap3A_49, %swap3A_50] : memref<10000x256xf32, #tpu.memory_space<vmem>>, vector<10000x128xf32>
    tpu.vector_store %arg5[%swap3A_49, %swap3A_50], %mul3A_48 {strides = array<i32>} : memref<10000x256xf32, #tpu.memory_space<vmem>>, vector<10000x128xf32>,
    %swap3A_52 = arith.constant 0 : index
    %swap3A_53 = arith.constant 128 : index
    %swap3A_54 = vector.load %arg5[%swap3A_52, %swap3A_53] : memref<10000x256xf32, #tpu.memory_space<vmem>>, vector<10000x128xf32>
    tpu.vector_store %arg5[%swap3A_52, %swap3A_53], %exp3A {strides = array<i32>} : memref<10000x256xf32, #tpu.memory_space<vmem>>, vector<10000x128xf32>,
    return
  }
}

module attributes {stable_mosaic.version = 14 : i64} {
  func.func @_kc1_body(%arg0: i32, %arg1: memref<256x10000xf32, #tpu.memory_space<vmem>>, %arg2: memref<10000x256xf32, #tpu.memory_space<vmem>>, %arg3: memref<256x128xf32, #tpu.memory_space<vmem>>, %arg4: memref<256x128xf32, #tpu.memory_space<vmem>>, %arg5: memref<128x128xf32, #tpu.memory_space<vmem>>, %arg6: memref<128xf32, #tpu.memory_space<vmem>>, %arg7: memref<128x128xf32, #tpu.memory_space<vmem>>, %arg8: memref<128xf32, #tpu.memory_space<vmem>>, %arg9: memref<256x128xf32, #tpu.memory_space<vmem>>, %arg10: memref<128xf32, #tpu.memory_space<vmem>>, %arg11: memref<256x128xf32, #tpu.memory_space<vmem>>) attributes {dimension_semantics = [#tpu.dimension_semantics<arbitrary>], iteration_bounds = array<i64: 32>, scalar_prefetch = 0 : i64, scratch_operands = 0 : i64, tpu.core_type = #tpu.core_type<tc>, window_params = [{transform_indices = @transform_0, window_bounds = array<i64: 256, 10000>}, {pipeline_mode = #tpu.pipeline_mode<synchronous>, transform_indices = @transform_1, window_bounds = array<i64: 10000, 256>}, {transform_indices = @transform_2, window_bounds = array<i64: 256, 128>}, {transform_indices = @transform_3, window_bounds = array<i64: 256, 128>}, {pipeline_mode = #tpu.pipeline_mode<synchronous>, transform_indices = @transform_4, window_bounds = array<i64: 128, 128>}, {pipeline_mode = #tpu.pipeline_mode<synchronous>, transform_indices = @transform_5, window_bounds = array<i64: 128>}, {pipeline_mode = #tpu.pipeline_mode<synchronous>, transform_indices = @transform_6, window_bounds = array<i64: 128, 128>}, {pipeline_mode = #tpu.pipeline_mode<synchronous>, transform_indices = @transform_7, window_bounds = array<i64: 128>}, {pipeline_mode = #tpu.pipeline_mode<synchronous>, transform_indices = @transform_8, window_bounds = array<i64: 256, 128>}, {pipeline_mode = #tpu.pipeline_mode<synchronous>, transform_indices = @transform_9, window_bounds = array<i64: 128>}, {transform_indices = @transform_10, window_bounds = array<i64: 256, 128>}]} {
    %get3A = arith.constant 0 : index
    %get3A_0 = arith.constant 0 : index
    %get3A_1 = vector.load %arg1[%get3A, %get3A_0] : memref<256x10000xf32, #tpu.memory_space<vmem>>, vector<256x10000xf32>
    %get3A_2 = arith.constant 0 : index
    %get3A_3 = arith.constant 0 : index
    %get3A_4 = vector.load %arg2[%get3A_2, %get3A_3] : memref<10000x256xf32, #tpu.memory_space<vmem>>, vector<10000x256xf32>
    %dot_general3A = arith.constant dense<0.000000e+00> : vector<256x256xf32>
    %dot_general3A_5 = tpu.matmul %get3A_1, %get3A_4, %dot_general3A {dimension_numbers = #tpu.dot_dimension_numbers<[1], [0], [0], [1], [0, 0, 1, 1], [], []>, transpose_lhs_hint = false} : vector<256x10000xf32>, vector<10000x256xf32>, vector<256x256xf32> -> vector<256x256xf32>
    %slice3A = vector.extract_strided_slice %dot_general3A_5 {offsets = [0, 0], sizes = [256, 128], strides = [1, 1]} : vector<256x256xf32> to vector<256x128xf32>
    %slice3A_6 = vector.extract_strided_slice %dot_general3A_5 {offsets = [0, 128], sizes = [256, 128], strides = [1, 1]} : vector<256x256xf32> to vector<256x128xf32>
    %gt3A = arith.constant 0.000000e+00 : f32
    %gt3A_7 = vector.broadcast %gt3A : f32 to vector<256x128xf32>
    %gt3A_8 = arith.cmpf ogt, %slice3A_6, %gt3A_7 : vector<256x128xf32>
    %gt3A_9 = arith.constant 0.000000e+00 : f32
    %gt3A_10 = vector.broadcast %gt3A_9 : f32 to vector<256x128xf32>
    %gt3A_11 = arith.cmpf ogt, %slice3A_6, %gt3A_10 : vector<256x128xf32>
    %jit3A = arith.constant 1.000000e+00 : f32
    %broadcast_in_dim3A = vector.broadcast %jit3A : f32 to vector<256x128xf32>
    %select_n3A = arith.select %gt3A_11, %slice3A_6, %broadcast_in_dim3A : vector<256x128xi1>, vector<256x128xf32>
    %div3A = arith.divf %slice3A, %select_n3A : vector<256x128xf32>
    %jit3A_12 = arith.constant 0.000000e+00 : f32
    %broadcast_in_dim3A_13 = vector.broadcast %jit3A_12 : f32 to vector<256x128xf32>
    %select_n3A_14 = arith.select %gt3A_8, %div3A, %broadcast_in_dim3A_13 : vector<256x128xi1>, vector<256x128xf32>
    %get3A_15 = arith.constant 0 : index
    %get3A_16 = arith.constant 0 : index
    %get3A_17 = vector.load %arg3[%get3A_15, %get3A_16] : memref<256x128xf32, #tpu.memory_space<vmem>>, vector<256x128xf32>
    %get3A_18 = arith.constant 0 : index
    %get3A_19 = arith.constant 0 : index
    %get3A_20 = vector.load %arg4[%get3A_18, %get3A_19] : memref<256x128xf32, #tpu.memory_space<vmem>>, vector<256x128xf32>
    %mul3A = arith.mulf %get3A_17, %get3A_20 : vector<256x128xf32>
    %get3A_21 = arith.constant 0 : index
    %get3A_22 = arith.constant 0 : index
    %get3A_23 = vector.load %arg5[%get3A_21, %get3A_22] : memref<128x128xf32, #tpu.memory_space<vmem>>, vector<128x128xf32>
    %dot_general3A_24 = arith.constant dense<0.000000e+00> : vector<256x128xf32>
    %dot_general3A_25 = tpu.matmul %mul3A, %get3A_23, %dot_general3A_24 {dimension_numbers = #tpu.dot_dimension_numbers<[1], [0], [0], [1], [0, 0, 1, 1], [], []>, transpose_lhs_hint = false} : vector<256x128xf32>, vector<128x128xf32>, vector<256x128xf32> -> vector<256x128xf32>
    %get3A_26 = arith.constant 0 : index
    %get3A_27 = vector.load %arg6[%get3A_26] : memref<128xf32, #tpu.memory_space<vmem>>, vector<128xf32>
    %broadcast_in_dim3A_28 = vector.shape_cast %get3A_27 : vector<128xf32> to vector<1x128xf32>
    %add3A = vector.broadcast %broadcast_in_dim3A_28 : vector<1x128xf32> to vector<256x128xf32>
    %add3A_29 = arith.addf %dot_general3A_25, %add3A : vector<256x128xf32>
    %get3A_30 = arith.constant 0 : index
    %get3A_31 = arith.constant 0 : index
    %get3A_32 = vector.load %arg7[%get3A_30, %get3A_31] : memref<128x128xf32, #tpu.memory_space<vmem>>, vector<128x128xf32>
    %dot_general3A_33 = arith.constant dense<0.000000e+00> : vector<256x128xf32>
    %dot_general3A_34 = tpu.matmul %select_n3A_14, %get3A_32, %dot_general3A_33 {dimension_numbers = #tpu.dot_dimension_numbers<[1], [0], [0], [1], [0, 0, 1, 1], [], []>, transpose_lhs_hint = false} : vector<256x128xf32>, vector<128x128xf32>, vector<256x128xf32> -> vector<256x128xf32>
    %get3A_35 = arith.constant 0 : index
    %get3A_36 = vector.load %arg8[%get3A_35] : memref<128xf32, #tpu.memory_space<vmem>>, vector<128xf32>
    %broadcast_in_dim3A_37 = vector.shape_cast %get3A_36 : vector<128xf32> to vector<1x128xf32>
    %add3A_38 = vector.broadcast %broadcast_in_dim3A_37 : vector<1x128xf32> to vector<256x128xf32>
    %add3A_39 = arith.addf %dot_general3A_34, %add3A_38 : vector<256x128xf32>
    %concatenate3A = tpu.concatenate %add3A_29, %add3A_39 in 1 : vector<256x128xf32>, vector<256x128xf32> -> vector<256x256xf32>
    %get3A_40 = arith.constant 0 : index
    %get3A_41 = arith.constant 0 : index
    %get3A_42 = vector.load %arg9[%get3A_40, %get3A_41] : memref<256x128xf32, #tpu.memory_space<vmem>>, vector<256x128xf32>
    %dot_general3A_43 = arith.constant dense<0.000000e+00> : vector<256x128xf32>
    %dot_general3A_44 = tpu.matmul %concatenate3A, %get3A_42, %dot_general3A_43 {dimension_numbers = #tpu.dot_dimension_numbers<[1], [0], [0], [1], [0, 0, 1, 1], [], []>, transpose_lhs_hint = false} : vector<256x256xf32>, vector<256x128xf32>, vector<256x128xf32> -> vector<256x128xf32>
    %get3A_45 = arith.constant 0 : index
    %get3A_46 = vector.load %arg10[%get3A_45] : memref<128xf32, #tpu.memory_space<vmem>>, vector<128xf32>
    %broadcast_in_dim3A_47 = vector.shape_cast %get3A_46 : vector<128xf32> to vector<1x128xf32>
    %add3A_48 = vector.broadcast %broadcast_in_dim3A_47 : vector<1x128xf32> to vector<256x128xf32>
    %add3A_49 = arith.addf %dot_general3A_44, %add3A_48 : vector<256x128xf32>
    %swap3A = arith.constant 0 : index
    %swap3A_50 = arith.constant 0 : index
    %swap3A_51 = vector.load %arg11[%swap3A, %swap3A_50] : memref<256x128xf32, #tpu.memory_space<vmem>>, vector<256x128xf32>
    tpu.vector_store %arg11[%swap3A, %swap3A_50], %add3A_49 {strides = array<i32>} : memref<256x128xf32, #tpu.memory_space<vmem>>, vector<256x128xf32>,
    return
  }
  func.func @transform_0(%arg0: i32) -> (i32, i32) {
    %c0_i32 = arith.constant 0 : i32
    %c0_i32_0 = arith.constant 0 : i32
    return %arg0, %c0_i32 : i32, i32
  }
  func.func @transform_1(%arg0: i32) -> (i32, i32) {
    %c0_i32 = arith.constant 0 : i32
    %c0_i32_0 = arith.constant 0 : i32
    %c0_i32_1 = arith.constant 0 : i32
    return %c0_i32, %c0_i32_0 : i32, i32
  }
  func.func @transform_2(%arg0: i32) -> (i32, i32) {
    %c0_i32 = arith.constant 0 : i32
    %c0_i32_0 = arith.constant 0 : i32
    return %arg0, %c0_i32 : i32, i32
  }
  func.func @transform_3(%arg0: i32) -> (i32, i32) {
    %c0_i32 = arith.constant 0 : i32
    %c0_i32_0 = arith.constant 0 : i32
    return %arg0, %c0_i32 : i32, i32
  }
  func.func @transform_4(%arg0: i32) -> (i32, i32) {
    %c0_i32 = arith.constant 0 : i32
    %c0_i32_0 = arith.constant 0 : i32
    %c0_i32_1 = arith.constant 0 : i32
    return %c0_i32, %c0_i32_0 : i32, i32
  }
  func.func @transform_5(%arg0: i32) -> i32 {
    %c0_i32 = arith.constant 0 : i32
    %c0_i32_0 = arith.constant 0 : i32
    return %c0_i32 : i32
  }
  func.func @transform_6(%arg0: i32) -> (i32, i32) {
    %c0_i32 = arith.constant 0 : i32
    %c0_i32_0 = arith.constant 0 : i32
    %c0_i32_1 = arith.constant 0 : i32
    return %c0_i32, %c0_i32_0 : i32, i32
  }
  func.func @transform_7(%arg0: i32) -> i32 {
    %c0_i32 = arith.constant 0 : i32
    %c0_i32_0 = arith.constant 0 : i32
    return %c0_i32 : i32
  }
  func.func @transform_8(%arg0: i32) -> (i32, i32) {
    %c0_i32 = arith.constant 0 : i32
    %c0_i32_0 = arith.constant 0 : i32
    %c0_i32_1 = arith.constant 0 : i32
    return %c0_i32, %c0_i32_0 : i32, i32
  }
  func.func @transform_9(%arg0: i32) -> i32 {
    %c0_i32 = arith.constant 0 : i32
    %c0_i32_0 = arith.constant 0 : i32
    return %c0_i32 : i32
  }
  func.func @transform_10(%arg0: i32) -> (i32, i32) {
    %c0_i32 = arith.constant 0 : i32
    %c0_i32_0 = arith.constant 0 : i32
    return %arg0, %c0_i32 : i32, i32
  }
}

module attributes {stable_mosaic.version = 14 : i64} {
  func.func @_kc2_body(%arg0: memref<8192x128xf32, #tpu.memory_space<vmem>>, %arg1: memref<128xf32, #tpu.memory_space<vmem>>, %arg2: memref<128xf32, #tpu.memory_space<vmem>>, %arg3: memref<128x1xf32, #tpu.memory_space<vmem>>, %arg4: memref<1xf32, #tpu.memory_space<vmem>>, %arg5: memref<8192x1xf32, #tpu.memory_space<vmem>>) attributes {dimension_semantics = [], scalar_prefetch = 0 : i64, scratch_operands = 0 : i64, tpu.core_type = #tpu.core_type<tc>} {
    %get3A = arith.constant 0 : index
    %get3A_0 = arith.constant 0 : index
    %get3A_1 = vector.load %arg0[%get3A, %get3A_0] : memref<8192x128xf32, #tpu.memory_space<vmem>>, vector<8192x128xf32>
    %get3A_2 = arith.constant 0 : index
    %get3A_3 = vector.load %arg1[%get3A_2] : memref<128xf32, #tpu.memory_space<vmem>>, vector<128xf32>
    %get3A_4 = arith.constant 0 : index
    %get3A_5 = vector.load %arg2[%get3A_4] : memref<128xf32, #tpu.memory_space<vmem>>, vector<128xf32>
    %reduce_sum3A = arith.constant dense<0.000000e+00> : vector<128xf32>
    %reduce_sum3A_6 = vector.multi_reduction <add>, %get3A_1, %reduce_sum3A [0] : vector<8192x128xf32> to vector<128xf32>
    %div3A = arith.constant 8.192000e+03 : f32
    %div3A_7 = vector.broadcast %div3A : f32 to vector<128xf32>
    %div3A_8 = arith.divf %reduce_sum3A_6, %div3A_7 : vector<128xf32>
    %jit3A = arith.constant 0 : i32
    %reduce_sum3A_9 = arith.constant dense<0.000000e+00> : vector<128xf32>
    %reduce_sum3A_10 = vector.multi_reduction <add>, %get3A_1, %reduce_sum3A_9 [0] : vector<8192x128xf32> to vector<128xf32>
    %broadcast_in_dim3A = vector.shape_cast %reduce_sum3A_10 : vector<128xf32> to vector<1x128xf32>
    %div3A_11 = arith.constant 8.192000e+03 : f32
    %div3A_12 = vector.broadcast %div3A_11 : f32 to vector<1x128xf32>
    %div3A_13 = arith.divf %broadcast_in_dim3A, %div3A_12 : vector<1x128xf32>
    %sub3A = vector.broadcast %div3A_13 : vector<1x128xf32> to vector<8192x128xf32>
    %sub3A_14 = arith.subf %get3A_1, %sub3A : vector<8192x128xf32>
    %square3A = arith.mulf %sub3A_14, %sub3A_14 : vector<8192x128xf32>
    %convert_element_type3A = arith.sitofp %jit3A : i32 to f32
    %sub3A_15 = arith.constant 8.192000e+03 : f32
    %sub3A_16 = arith.subf %sub3A_15, %convert_element_type3A : f32
    %reduce_sum3A_17 = arith.constant dense<0.000000e+00> : vector<128xf32>
    %reduce_sum3A_18 = vector.multi_reduction <add>, %square3A, %reduce_sum3A_17 [0] : vector<8192x128xf32> to vector<128xf32>
    %div3A_19 = vector.broadcast %sub3A_16 : f32 to vector<128xf32>
    %div3A_20 = arith.divf %reduce_sum3A_18, %div3A_19 : vector<128xf32>
    %gt3A = arith.constant 0.000000e+00 : f32
    %gt3A_21 = arith.cmpf ogt, %sub3A_16, %gt3A : f32
    %jit3A_22 = arith.constant 0x7FC00000 : f32
    %broadcast_in_dim3A_23 = vector.broadcast %jit3A_22 : f32 to vector<128xf32>
    %select_n3A = arith.select %gt3A_21, %div3A_20, %broadcast_in_dim3A_23 : vector<128xf32>
    %broadcast_in_dim3A_24 = vector.shape_cast %div3A_8 : vector<128xf32> to vector<1x128xf32>
    %sub3A_25 = vector.broadcast %broadcast_in_dim3A_24 : vector<1x128xf32> to vector<8192x128xf32>
    %sub3A_26 = arith.subf %get3A_1, %sub3A_25 : vector<8192x128xf32>
    %add3A = arith.constant 9.99999974E-6 : f32
    %add3A_27 = vector.broadcast %add3A : f32 to vector<128xf32>
    %add3A_28 = arith.addf %select_n3A, %add3A_27 : vector<128xf32>
    %sqrt3A = math.sqrt %add3A_28 : vector<128xf32>
    %broadcast_in_dim3A_29 = vector.shape_cast %sqrt3A : vector<128xf32> to vector<1x128xf32>
    %div3A_30 = vector.broadcast %broadcast_in_dim3A_29 : vector<1x128xf32> to vector<8192x128xf32>
    %div3A_31 = arith.divf %sub3A_26, %div3A_30 : vector<8192x128xf32>
    %broadcast_in_dim3A_32 = vector.shape_cast %get3A_3 : vector<128xf32> to vector<1x128xf32>
    %mul3A = vector.broadcast %broadcast_in_dim3A_32 : vector<1x128xf32> to vector<8192x128xf32>
    %mul3A_33 = arith.mulf %div3A_31, %mul3A : vector<8192x128xf32>
    %broadcast_in_dim3A_34 = vector.shape_cast %get3A_5 : vector<128xf32> to vector<1x128xf32>
    %add3A_35 = vector.broadcast %broadcast_in_dim3A_34 : vector<1x128xf32> to vector<8192x128xf32>
    %add3A_36 = arith.addf %mul3A_33, %add3A_35 : vector<8192x128xf32>
    %max3A = arith.constant 0.000000e+00 : f32
    %max3A_37 = vector.broadcast %max3A : f32 to vector<8192x128xf32>
    %max3A_38 = arith.maximumf %add3A_36, %max3A_37 : vector<8192x128xf32>
    %get3A_39 = arith.constant 0 : index
    %get3A_40 = arith.constant 0 : index
    %get3A_41 = vector.load %arg3[%get3A_39, %get3A_40] : memref<128x1xf32, #tpu.memory_space<vmem>>, vector<128x1xf32>
    %dot_general3A = arith.constant dense<0.000000e+00> : vector<8192x1xf32>
    %dot_general3A_42 = tpu.matmul %max3A_38, %get3A_41, %dot_general3A {dimension_numbers = #tpu.dot_dimension_numbers<[1], [0], [0], [1], [0, 0, 1, 1], [], []>, transpose_lhs_hint = false} : vector<8192x128xf32>, vector<128x1xf32>, vector<8192x1xf32> -> vector<8192x1xf32>
    %get3A_43 = arith.constant 0 : index
    %get3A_44 = vector.load %arg4[%get3A_43] : memref<1xf32, #tpu.memory_space<vmem>>, vector<1xf32>
    %broadcast_in_dim3A_45 = vector.shape_cast %get3A_44 : vector<1xf32> to vector<1x1xf32>
    %add3A_46 = vector.broadcast %broadcast_in_dim3A_45 : vector<1x1xf32> to vector<8192x1xf32>
    %add3A_47 = arith.addf %dot_general3A_42, %add3A_46 : vector<8192x1xf32>
    %swap3A = arith.constant 0 : index
    %swap3A_48 = arith.constant 0 : index
    %swap3A_49 = vector.load %arg5[%swap3A, %swap3A_48] : memref<8192x1xf32, #tpu.memory_space<vmem>>, vector<8192x1xf32>
    tpu.vector_store %arg5[%swap3A, %swap3A_48], %add3A_47 {strides = array<i32>} : memref<8192x1xf32, #tpu.memory_space<vmem>>, vector<8192x1xf32>,
    return
  }
}

</mosaic_0001>

<sc_bundles>
// kernel: gather_offload_async_start.1
scs
__scs_entry_jumppad:
0x0: {  	(pc) =	sbr.rel $0x88, $3  }
0x1: {  	(tag) =	ssettag $0x0;
	lr =	simm.s32 $0x1  }
0x2: {  	[smem:$0x3F7A] =	sst lr;
	_ =	strace $0xD0000000  }
0x3: {  	_ = 	snop  }
0x4: {  	_ = 	snop  }
0x5: {  	_ = 	snop  }
0x6: {  	_ = 	snop  }
0x7: {  	_ = 	snop  }
__scs_overlays_trampoline_lowered:
0x8: {  	[smem:$0x3F89] =	sst s0  }
0x9: {  	[smem:$0x3F8A] =	sst s1  }
0xa: {  	[smem:$0x3F8B] =	sst s2  }
0xb: {  	[smem:$0x3F8C] =	sst s3  }
0xc: {  	[smem:$0x3F8D] =	sst s4  }
0xd: {  	[smem:$0x3F8E] =	sst s5  }
0xe: {  	[smem:$0x3F8F] =	sst s6  }
0xf: {  	[smem:$0x3F90] =	sst s7  }
0x10: {  	[smem:$0x3F91] =	sst s8  }
0x11: {  	[smem:$0x3F92] =	sst s9;
	s0 =	simm.s32 @!p0 $0x0  }
0x12: {  	s1 =	sld [smem:$0x3F78];
	s0 =	simm.s32 @p0 $0x1  }
0x13: {  	[smem:$0x3F93] =	sst s0;
	s0 =	simm.s32 @!p1 $0x0  }
0x14: {  	s2 =	sld [smem:$0x3F77];
	s0 =	simm.s32 @p1 $0x1  }
0x15: {  	[smem:$0x3F94] =	sst s0;
	s0 =	simm.s32 @!p2 $0x0  }
0x16: {  	s3 =	sld [smem:$0x3FDB];
	s0 =	simm.s32 @p2 $0x1  }
0x17: {  	s4 =	simm.s32 $0x1BF5;
	[smem:$0x3F96] =	sst s0  }
0x18: {  	s0 =	sld [smem:$0x3F79];
	_ =	swait.ge [sflag:s4], $0x0  }
0x19: {  	s7 =	sld [smem:$0x3F7A]  }
0x1a: {  	s8 =	sadd.s32 $0xFFFFE003, lr  }
0x1b: {  	s9 =	sadd.s32 $0xFFFFFEF7, lr;
	s5 =	simm.s32 $0xFFFFFFFF;
	p2 =	slt.u32 s8, $0xFFFFF086  }
0x1c: {  	p1 =	slt.u32 s9, $0xF7A;
	s5 =	simm.s32 @!p2 $0x0  }
0x1d: {  	s5 =	simm.s32 @p1 $0x1;
	p0 =	seq.s32 s7, s2  }
0x1e: {  	s7 =	smul.u32 @!p0 $0xF7A, s2;
	p2 =	seq.s32 @!p0 s5, $0x0  }
0x1f: {  	s9 =	smul.u32 $0xF7A, s1;
	s8 =	simm.s32 @!p0 $0x1BF5;
	p2 =	por !p2, p0  }
0x20: {  	[sflag:s8] =	ssyncset.s32 @!p0 $0xFFFFF086;
	s6 =	sadd.s32 @!p0 s3, s7;
	s7 =	simm.s32 @!p0 $0x108  }
0x21: {  	s3 =	sadd.s32 s3, s9;
	s6 =	sadd.s32 @!p0 $0x88, s6;
	s7 =	simm.s32 @p2 $0x1082  }
0x22: {  	[simem:s7], [sflag:s8] =	dma.local @!p0 [hbm:s6], $0xF7A  }
0x23: {  	s9 =	sor.u32 $0xD0000000, s2;
	s6 =	simm.s32 $0x108;
	_ =	swait.ge @!p0 [sflag:s8], $0x0  }
0x24: {  	s3 =	sadd.s32 $0x88, s3;
	s6 =	simm.s32 @!p1 $0x1082;
	[sflag:s4] =	ssyncset.s32 $0xFFFFF086  }
0x25: {  	[simem:s6], [sflag:s4] =	dma.local [hbm:s3], $0xF7A  }
0x26: {  	[smem:$0x3F7A] =	sst s1;
	(tag) =	ssettag s2;
	_ =	strace s9  }
0x27: {  	s1 =	sld [smem:$0x3F8A]  }
0x28: {  	s2 =	sld [smem:$0x3F8B]  }
0x29: {  	s4 =	sld [smem:$0x3F8D]  }
0x2a: {  	p0 =	seq.s32 s5, $0x0;
	s5 =	sld [smem:$0x3F8E]  }
0x2b: {  	s6 =	sld [smem:$0x3F8F]  }
0x2c: {  	s7 =	sld [smem:$0x3F90]  }
0x2d: {  	s3 =	simm.s32 $0x108;
	s8 =	sld [smem:$0x3F91]  }
0x2e: {  	s3 =	simm.s32 @!p0 $0x1082;
	s9 =	sld [smem:$0x3F92]  }
0x2f: {  	lr =	sadd.s32 s0, s3;
	s0 =	sld [smem:$0x3F89]  }
0x30: {  	s3 =	sld [smem:$0x3F8C]  }
0x31: {  	[smem:$0x3F95] =	sst s10  }
0x32: {  	s10 =	sld [smem:$0x3F93];
	_ =	sdelay $0x3  }
0x33: {  	p0 =	seq.s32 s10, $0x1;
	s10 =	sld [smem:$0x3F95];
	_ =	sdelay $0x3  }
0x34: {  	[smem:$0x3F95] =	sst s10  }
0x35: {  	s10 =	sld [smem:$0x3F94];
	_ =	sdelay $0x3  }
0x36: {  	p1 =	seq.s32 s10, $0x1;
	s10 =	sld [smem:$0x3F95];
	_ =	sdelay $0x3  }
0x37: {  	[smem:$0x3F95] =	sst s10  }
0x38: {  	s10 =	sld [smem:$0x3F96]  }
0x39: {  	_ = 	snop;
	(pc) =	sbr.ind lr, $3  }
0x3a: {  	_ = 	snop  }
0x3b: {  	_ = 	snop  }
0x3c: {  	p2 =	seq.s32 s10, $0x1;
	s10 =	sld [smem:$0x3F95]  }
0x3d: {  	_ =	shalt  }
0x3e: {  	_ =	shalt  }
0x3f: {  	_ =	shalt  }
0x40: {  	_ =	shalt  }
0x41: {  	_ =	shalt  }
0x42: {  	_ =	shalt  }
0x43: {  	_ =	shalt  }
0x44: {  	_ =	shalt  }
0x45: {  	_ =	shalt  }
0x46: {  	_ =	shalt  }
0x47: {  	_ =	shalt  }
0x48: {  	_ =	shalt  }
0x49: {  	_ =	shalt  }
0x4a: {  	_ =	shalt  }
0x4b: {  	_ =	shalt  }
0x4c: {  	_ =	shalt  }
0x4d: {  	_ =	shalt  }
0x4e: {  	_ =	shalt  }
0x4f: {  	_ =	shalt  }
0x50: {  	_ =	shalt  }
0x51: {  	_ =	shalt  }
0x52: {  	_ =	shalt  }
0x53: {  	_ =	shalt  }
0x54: {  	_ =	shalt  }
0x55: {  	_ =	shalt  }
0x56: {  	_ =	shalt  }
0x57: {  	_ =	shalt  }
0x58: {  	_ =	shalt  }
0x59: {  	_ =	shalt  }
0x5a: {  	_ =	shalt  }
0x5b: {  	_ =	shalt  }
0x5c: {  	_ =	shalt  }
0x5d: {  	_ =	shalt  }
0x5e: {  	_ =	shalt  }
0x5f: {  	_ =	shalt  }
0x60: {  	_ =	shalt  }
0x61: {  	_ =	shalt  }
0x62: {  	_ =	shalt  }
0x63: {  	_ =	shalt  }
0x64: {  	_ =	shalt  }
0x65: {  	_ =	shalt  }
0x66: {  	_ =	shalt  }
0x67: {  	_ =	shalt  }
0x68: {  	_ =	shalt  }
0x69: {  	_ =	shalt  }
0x6a: {  	_ =	shalt  }
0x6b: {  	_ =	shalt  }
0x6c: {  	_ =	shalt  }
0x6d: {  	_ =	shalt  }
0x6e: {  	_ =	shalt  }
0x6f: {  	_ =	shalt  }
0x70: {  	_ =	shalt  }
0x71: {  	_ =	shalt  }
0x72: {  	_ =	shalt  }
0x73: {  	_ =	shalt  }
0x74: {  	_ =	shalt  }
0x75: {  	_ =	shalt  }
0x76: {  	_ =	shalt  }
0x77: {  	_ =	shalt  }
0x78: {  	_ =	shalt  }
0x79: {  	_ =	shalt  }
0x7a: {  	_ =	shalt  }
0x7b: {  	_ =	shalt  }
0x7c: {  	_ =	shalt  }
0x7d: {  	_ =	shalt  }
0x7e: {  	_ =	shalt  }
0x7f: {  	_ =	shalt  }
0x80: {  	_ =	shalt  }
0x81: {  	_ =	shalt  }
0x82: {  	_ =	shalt  }
0x83: {  	_ =	shalt  }
0x84: {  	_ =	shalt  }
0x85: {  	_ =	shalt  }
0x86: {  	_ =	shalt  }
0x87: {  	_ =	shalt  }
.Lfunc_end0:
.L_simem_size_0:
called_computation.2_lowered:
.L_overlay_start_0:
0x88: {  	s2 =	sld [smem:$0x3FD9]  }
0x89: {  	s3 =	sld [smem:$0x3FFE];
	_ =	sdelay $0x1  }
0x8a: {  	s1 =	srdreg.scid  }
0x8b: {  	s0 =	sand.u32 $0x1, s1  }
0x8c: {  	s17 =	sshll.u32 s0, $0xA;
	s2 =	sadd.s32 s3, s2  }
0x8d: {  	s2 =	sadd.s32 s2, s17  }
0x8e: {  	[smem:$0x3FA1] =	sst s2  }
0x8f: {  	_ = 	snop  }
0x90: {  	s18 =	sld [smem:$0x3FD0];
	(tm) =	ssettm $0x1  }
0x91: {  	s19 =	sld [smem:$0x3FFB];
	_ =	sdelay $0x3  }
0x92: {  	_ =	strace s19  }
0x93: {  	s2 =	sld [smem:$0x3FFC];
	_ =	sdelay $0x3  }
0x94: {  	_ =	strace s2  }
0x95: {  	s2 =	sld [smem:$0x3FFD];
	_ =	sdelay $0x3  }
0x96: {  	_ =	strace s2  }
0x97: {  	_ =	strace $0x8FFFFFFF  }
0x98: {  	s20 =	sld [smem:$0x3FDB];
	_ =	sdelay $0x1  }
0x99: {  	s4 =	simm.s32 $_scs_section_size  }
0x9a: {  	s5 =	simm.s32 $_size__tile_overlayer_lowered;
	s6 =	simm.s32 $_tile_overlayer_lowered  }
0x9b: {  	s7 =	simm.s32 $0x1BFF;
	s21 =	sshll.u32 s6, $0x1;
	s4 =	sadd.s32 s4, s20  }
0x9c: {  	s22 =	simm.s32 $0x0;
	s5 =	sshll.u32 s5, $0x1;
	s6 =	sadd.s32 s21, s4  }
0x9d: {  	[timem:s22], [sflag:s7] =	dma.local [hbm:s6], s5  }
0x9e: {  	_ =	swait.ge [sflag:s7], s5  }
0x9f: {  	s5 =	ssub.s32 $0x0, s5;
	[sflag:s7] =	ssyncset.done $0x0  }
0xa0: {  	[sflag:s7] =	ssyncadd.s32 s5;
	_ =	sdelay $0x1  }
0xa1: {  	s23 =	simm.s32 $0x1B8B  }
0xa2: {  	_ =	swait.ge [sflag:s23], $0x1  }
0xa3: {  	[sflag:s23] =	ssyncset.done $0x0  }
0xa4: {  	[sflag:s23] =	ssyncadd.s32 $0xFFFFFFFF  }
0xa5: {  	s5 =	sld [smem:$0x0]  }
0xa6: {  	s6 =	sand.u32 $0xFFFFFFFE, s1  }
0xa7: {  	p0 =	sne.s32 s1, s6  }
0xa8: {  	s6 =	sshll.u32 @p0 s6, $0xE  }
0xa9: {  	s6 =	sadd.s32 @p0 $0x11B8D, s6;
	s7 =	sshll.u32 @p0 s5, $0x11  }
0xaa: {  	s6 =	sor.u32 @p0 s7, s6  }
0xab: {  	[sflag:s6] =	ssyncadd.remote.s32 @p0 $0x1;
	_ =	sdelay $0x1  }
0xac: {  	s6 =	simm.s32 @p0 $0x1B8D  }
0xad: {  	_ =	swait.eq @p0 [sflag:s6], $0x1  }
0xae: {  	[sflag:s6] =	ssyncadd.s32 @p0 $0xFFFFFFFF  }
0xaf: {  	s7 =	sshll.u32 @!p0 s1, $0xE  }
0xb0: {  	s7 =	sor.u32 @!p0 $0x4000, s7;
	s6 =	simm.s32 @!p0 $0x1B8D  }
0xb1: {  	s5 =	sshll.u32 @!p0 s5, $0x11;
	s7 =	sadd.s32 @!p0 $0x11B8D, s7;
	_ =	swait.eq @!p0 [sflag:s6], $0x1  }
0xb2: {  	s5 =	sor.u32 @!p0 s5, s7;
	[sflag:s6] =	ssyncadd.s32 @!p0 $0xFFFFFFFF  }
0xb3: {  	s25 =	simm.s32 $0x1B8E;
	s24 =	sld [smem:$0x3FFE];
	[sflag:s5] =	ssyncadd.remote.s32 @!p0 $0x1  }
0xb4: {  	s26 =	simm.s32 $execute0_lowered;
	[smem:$0x3FD2] =	sst s25  }
0xb5: {  	s6 =	sshll.u32 s26, $0x1;
	_ =	strace $0x8000004F;
	[dreg:$0x1] =	wrdreg $0xFFFFFFFF  }
0xb6: {  	s28 =	simm.s32 $_size_execute0_lowered;
	s4 =	sadd.s32 s4, s6;
	[dreg:$0x0] =	wrdreg $0x0  }
0xb7: {  	s6 =	sshll.u32 s28, $0x1;
	[dreg:$0x2] =	wrdreg s4  }
0xb8: {  	[dreg:$0x3] =	wrdreg s6  }
0xb9: {  	[dreg:$0x4] =	wrdreg $0xC0  }
0xba: {  	_ =	task [dreg:s22], $0x5FFFF  }
0xbb: {  	[dreg:$0x1] =	wrdreg $0xFFFFFFFF  }
0xbc: {  	[dreg:$0x0] =	wrdreg $0x60  }
0xbd: {  	[dreg:$0x2] =	wrdreg s24  }
0xbe: {  	[dreg:$0x3] =	wrdreg s18  }
0xbf: {  	[dreg:$0x4] =	wrdreg $0xA  }
0xc0: {  	_ =	task.clear_ibuf [dreg:s22], $0x5FFFF;
	_ =	strace $0x9000004F  }
0xc1: {  	s29 =	simm.s32 $0xA;
	_ =	strace $0x80000051  }
0xc2: {  	_ =	swait.ge [sflag:s29], $0x1  }
0xc3: {  	[sflag:s29] =	ssyncadd.s32 $0xFFFFFFFF  }
0xc4: {  	_ =	strace $0x90000051  }
0xc5: {  	_ =	sfence  }
0xc6: {  	s30 =	sld [smem:$0x0];
	_ =	sdelay $0x2  }
0xc7: {  	s31 =	sshll.u32 s1, $0xD;
	s1 =	sshrl.u32 s1, $0x2  }
0xc8: {  	s4 =	sand.u32 $0x4000, s31;
	s1 =	sadd.s32 s1, s30  }
0xc9: {  	s0 =	sor.u32 s4, s0;
	s1 =	sshll.u32 s1, $0x11  }
0xca: {  	s0 =	sor.u32 s1, s0  }
0xcb: {  	s0 =	sadd.s32 $0x8F2B, s0  }
0xcc: {  	[sflag:s0] =	ssyncadd.remote.s32 $0x1  }
0xcd: {  	_ =	sfence.sel $0xFFFF  }
0xce: {  	[dreg:$0x0] =	wrdreg $0xFFFFFFFF;
	(pc) =	sbr.abs _section_cstart, $3  }
0xcf: {  	[dreg:$0x1] =	wrdreg $0xFFFFFFFF  }
0xd0: {  	_ =	task.clear_ibuf [dreg:s22], $0x2FFFF;
	_ =	strace $0x9FFFFFFF  }
0xd1: {  	(tm) =	ssettm $0x7FFFFFFF  }
tec
execute0_lowered:
.L_overlay_start_1:
0x0: {  	(tag) =	ssettag $0x1  }
0x1: {  	s7 =	rddreg [dreg:$0x0]  }
0x2: {  	s2 =	rddreg [dreg:$0x1]  }
0x3: {  	s0 =	rddreg [dreg:$0x2]  }
0x4: {  	s1 =	srdreg.scid;
	_ =	strace $0x80000050;
	s4 =	simm.s32 $0x1  }
0x5: {  	s9 =	simm.s32 $0x3;
	s11 =	simm.s32 $0x0;
	s5 =	sshll.u32 s1, $0x4  }
.Ltmp0:
0x6: {  	s1 =	stileid.u32;
	s5 =	sand.u32 $0x10, s5;
	(pc) =	sbr.rel .LBB2_1-.Ltmp0, $4  }
0x7: {  	p0 =	por $0x0, $0x0;
	s3 =	sadd.s32 $0x11EA200, s7;
	s6 =	sor.u32 s1, s5  }
0x8: {  	[sflag:s4] =	ssyncpa.u1 $0x0;
	s5 =	simm.s32 $0x2;
	s6 =	sshll.u32 s6, $0x8  }
0x9: {  	s7 =	sadd.s32 $0x1DF8200, s7;
	[sflag:s5] =	ssyncpa.u1 $0x0;
	s8 =	sadd.s32 $0x100, s6  }
0xa: {  	vm0 =	vmmov $0xf;
	[sflag:s9] =	ssyncpa.u1 $0x0;
	s10 =	smov.u32 s6;
	s9 =	simm.s32 $0x0  }
.LBB2_7:
0xb: {  	p1 =	slt.u32 s9, $0x2;
	s11 =	sadd.s32 $0x4, s10  }
0xc: {  	s13 =	smov.u32 s6;
	s9 =	sadd.s32 $0x1, s9;
	p2 =	slt.s32 s11, s8  }
0xd: {  	s13 =	smov.u32 @p2 s11;
	p2 =	sne.s32 s9, $0x42  }
.Ltmp1:
0xe: {  	_ = 	snop;
	(pc) =	sbr.rel @!p2 .LBB2_8-.Ltmp1, $4  }
0xf: {  	s12 =	simm.s32 @!p1 $0x3  }
0x10: {  	_ =	swait.ge @!p1 [sflag:s12], $0x9E00  }
0x11: {  	p0 =	por !p0, !p0;
	[sflag:s12] =	ssyncset.done @!p1 $0x0  }
0x12: {  	s11 =	smov.u32 s10;
	s10 =	smov.u32 s13;
	[sflag:s12] =	ssyncadd.s32 @!p1 $0xFFFF6200  }
.LBB2_1:
0x13: {  	p1 =	sgt.u32 s9, $0x3F  }
0x14: {  	s12 =	sxor.u32 @!p1 $0xFFFFFFFF, s9  }
0x15: {  	s13 =	sshrl.u32 @!p1 s10, $0x3;
	s12 =	sshll.u32 @!p1 s12, $0x2  }
0x16: {  	s14 =	sand.u32 @!p1 $0x7, s10;
	s13 =	sadd.s32 @!p1 s2, s13;
	s12 =	sand.u32 @!p1 $0x4, s12  }
0x17: {  	[tilespmem:s12], [sflag:$0x2] =	stream.linear.gather @!p1 [hbm4b:s13+s14], $0x4, $0x38;
	[tilespmem:$0x13C08] =	vst v63  }
0x18: {  	p1 =	seq.s32 s9, $0x0  }
0x19: {  	p2 =	seq.s32 @!p1 s9, $0x41  }
0x1a: {  	p1 =	por p1, p2  }
.Ltmp2:
0x1b: {  	_ = 	snop;
	(pc) =	sbr.rel @p1 .LBB2_7-.Ltmp2, $1  }
0x1c: {  	_ =	sdelay $0x3  }
0x1d: {  	_ =	swait.ge [sflag:s5], $0x4  }
0x1e: {  	s12 =	sand.u32 $0x1, s9;
	[sflag:s5] =	ssyncset.done $0x0  }
0x1f: {  	s12 =	sshll.u32 s12, $0x2;
	[sflag:s5] =	ssyncadd.s32 $0xFFFFFFFC  }
0x20: {  	v0 =	vld.msk [tilespmem:s12+$0x0 ss:$0x1], $0xf;
	_ =	sdelay $0x4  }
0x21: {  	vm1 =	vgt.s32 v0, $0x0  }
0x22: {  	v0 =	vnsel vm1, $0x0, v0  }
0x23: {  	v0 =	vmin.u32 v0, $0x270F  }
0x24: {  	v1 =	vshrl.u32 v0, $0x3  }
0x25: {  	v0 =	vshll.u32 v0, $0x7;
	v1 =	vmul.u32 $0x13C00, v1  }
0x26: {  	s12 =	simm.s32 $0x1;
	v0 =	vand.u32 $0x380, v0  }
0x27: {  	s12 =	simm.s32 @!p0 $0x0;
	v0 =	vor.u32 v0, v1  }
0x28: {  	s12 =	smul.u32 $0x27800, s12;
	v0 =	vshrl.u32 v0, $0x3;
	_ =	sdelay $0x1  }
0x29: {  	s12 =	sshrl.u32 s12, $0x2  }
0x2a: {  	s12 =	sor.u32 $0x8, s12  }
0x2b: {  	s13 =	simm.s32 $0x800;
	s14 =	sadd.s32 $0x0, s12  }
.LBB2_3:
0x2c: {  	[tilespmem:s14], [sflag:$0x1] =	stream.indirect_vreg.gather [hbm:s3], $0x80, v0, vm0, $0x38;
	[tilespmem:$0x13C08] =	vst v63  }
0x2d: {  	v0 =	vadd.s32 $0x80, v0;
	s14 =	smov.u32 s13;
	p1 =	sne.s32 s13, $0x27000  }
.Ltmp3:
0x2e: {  	s13 =	sadd.s32 $0x800, s13;
	(pc) =	sbr.rel @p1 .LBB2_3-.Ltmp3, $3  }
0x2f: {  	_ =	sdelay $0x1  }
0x30: {  	s14 =	sshra.s32 s14, $0x2  }
0x31: {  	s14 =	sadd.s32 s14, s12  }
0x32: {  	_ =	sdelay $0x3  }
0x33: {  	[tilespmem:s14], [sflag:$0x1] =	stream.indirect_vreg.gather [hbm:s3], $0x80, v0, vm0, $0x38;
	[tilespmem:$0x13C08] =	vst v63  }
0x34: {  	s13 =	sshrl.u32 s11, $0x3  }
0x35: {  	s13 =	smul.u32 $0x2780, s13  }
0x36: {  	s31 =	sshll.u32 s11, $0x4  }
0x37: {  	_ =	swait.ge [sflag:s4], $0x9E00;
	s11 =	sand.u32 $0x70, s31;
	s13 =	sadd.s32 s13, s7  }
0x38: {  	s14 =	sadd.s32 $0x200, s12;
	[sflag:s4] =	ssyncset.done $0x0;
	s11 =	sadd.s32 s11, s13  }
0x39: {  	[sflag:s4] =	ssyncadd.s32 $0xFFFF6200;
	s13 =	simm.s32 $0x80;
	s15 =	sadd.s32 $0x0, s11  }
.LBB2_5:
0x3a: {  	[hbm:s15] =	stream.linear.scatter [tilespmem:s12], [sflag:$0x3], $0x200, $0x38;
	[tilespmem:$0x13C08] =	vst v63  }
0x3b: {  	s15 =	smov.u32 s13;
	s12 =	smov.u32 s14;
	p1 =	sne.s32 s13, $0x2700  }
.Ltmp4:
0x3c: {  	s13 =	sadd.s32 $0x80, s13;
	(pc) =	sbr.rel @p1 .LBB2_5-.Ltmp4, $2  }
0x3d: {  	_ =	sdelay $0x2  }
0x3e: {  	s14 =	sadd.s32 $0x200, s14;
	s15 =	sadd.s32 s15, s11  }
.Ltmp5:
0x3f: {  	(pc) =	sbr.rel .LBB2_7-.Ltmp5, $2  }
0x40: {  	_ =	sdelay $0x2  }
0x41: {  	[hbm:s15] =	stream.linear.scatter [tilespmem:s12], [sflag:$0x3], $0x200, $0x38;
	[tilespmem:$0x13C08] =	vst v63  }
.LBB2_8:
0x42: {  	_ =	sfence.sel $0x180000  }
0x43: {  	s2 =	simm.s32 $0x2;
	[bflag:$0x0] =	sbarrier.arrive $0xFFFF  }
0x44: {  	s30 =	simm.s32 $0x3;
	[sflag:s2] =	ssyncpa.u1 $0x1  }
0x45: {  	s31 =	simm.s32 $0x1;
	[sflag:s30] =	ssyncpa.u1 $0x1  }
0x46: {  	[sflag:s31] =	ssyncpa.u1 $0x1  }
0x47: {  	p0 =	sne.s32 s1, $0x0;
	_ =	strace $0x90000050  }
0x48: {  	s0 =	sadd.s32 @!p0 $0x100000, s0;
	[bflag:$0x2] =	sbarrier.arrive $0xFFFF  }
0x49: {  	[sflag:s0] =	ssyncadd.tile.s32 @!p0 $0x1;
	_ =	shalt  }
.Lfunc_end2:
_tile_overlayer_lowered:
.L_overlay_start_2:
0x4a: {  	(tag) =	ssettag $0x2  }
0x4b: {  	s0 =	rddreg [dreg:$0x0];
	s2 =	stileid.u32  }
0x4c: {  	s1 =	rddreg [dreg:$0x1];
	p0 =	sne.s32 s2, $0x0  }
0x4d: {  	s3 =	rddreg [dreg:$0x2];
	[bflag:$0x3] =	sbarrier.arrive $0xFFFF;
	s2 =	simm.s32 @!p0 $0x1C01  }
0x4e: {  	[timem:s3], [sflag:s2] =	dma.local @!p0 [hbm:s0], s1  }
0x4f: {  	s0 =	simm.s32 @!p0 $0x1  }
0x50: {  	_ =	swait.ge @!p0 [sflag:s0], s1  }
0x51: {  	s1 =	ssub.s32 @!p0 $0x0, s1;
	[sflag:s0] =	ssyncset.done @!p0 $0x0  }
0x52: {  	[sflag:s0] =	ssyncadd.s32 @!p0 s1  }
0x53: {  	[bflag:$0x3] =	sbarrier.arrive $0xFFFF  }
0x54: {  	_ =	shalt  }

// kernel: gather_offload_async_start.2
scs
__scs_entry_jumppad:
0x0: {  	(pc) =	sbr.rel $0x88, $3  }
0x1: {  	(tag) =	ssettag $0x0;
	lr =	simm.s32 $0x1  }
0x2: {  	[smem:$0x3F7A] =	sst lr;
	_ =	strace $0xD0000000  }
0x3: {  	_ = 	snop  }
0x4: {  	_ = 	snop  }
0x5: {  	_ = 	snop  }
0x6: {  	_ = 	snop  }
0x7: {  	_ = 	snop  }
__scs_overlays_trampoline_lowered:
0x8: {  	[smem:$0x3F89] =	sst s0  }
0x9: {  	[smem:$0x3F8A] =	sst s1  }
0xa: {  	[smem:$0x3F8B] =	sst s2  }
0xb: {  	[smem:$0x3F8C] =	sst s3  }
0xc: {  	[smem:$0x3F8D] =	sst s4  }
0xd: {  	[smem:$0x3F8E] =	sst s5  }
0xe: {  	[smem:$0x3F8F] =	sst s6  }
0xf: {  	[smem:$0x3F90] =	sst s7  }
0x10: {  	[smem:$0x3F91] =	sst s8  }
0x11: {  	[smem:$0x3F92] =	sst s9;
	s0 =	simm.s32 @!p0 $0x0  }
0x12: {  	s1 =	sld [smem:$0x3F78];
	s0 =	simm.s32 @p0 $0x1  }
0x13: {  	[smem:$0x3F93] =	sst s0;
	s0 =	simm.s32 @!p1 $0x0  }
0x14: {  	s2 =	sld [smem:$0x3F77];
	s0 =	simm.s32 @p1 $0x1  }
0x15: {  	[smem:$0x3F94] =	sst s0;
	s0 =	simm.s32 @!p2 $0x0  }
0x16: {  	s3 =	sld [smem:$0x3FDB];
	s0 =	simm.s32 @p2 $0x1  }
0x17: {  	s4 =	simm.s32 $0x1BF5;
	[smem:$0x3F96] =	sst s0  }
0x18: {  	s0 =	sld [smem:$0x3F79];
	_ =	swait.ge [sflag:s4], $0x0  }
0x19: {  	s7 =	sld [smem:$0x3F7A]  }
0x1a: {  	s8 =	sadd.s32 $0xFFFFE003, lr  }
0x1b: {  	s9 =	sadd.s32 $0xFFFFFEF7, lr;
	s5 =	simm.s32 $0xFFFFFFFF;
	p2 =	slt.u32 s8, $0xFFFFF086  }
0x1c: {  	p1 =	slt.u32 s9, $0xF7A;
	s5 =	simm.s32 @!p2 $0x0  }
0x1d: {  	s5 =	simm.s32 @p1 $0x1;
	p0 =	seq.s32 s7, s2  }
0x1e: {  	s7 =	smul.u32 @!p0 $0xF7A, s2;
	p2 =	seq.s32 @!p0 s5, $0x0  }
0x1f: {  	s9 =	smul.u32 $0xF7A, s1;
	s8 =	simm.s32 @!p0 $0x1BF5;
	p2 =	por !p2, p0  }
0x20: {  	[sflag:s8] =	ssyncset.s32 @!p0 $0xFFFFF086;
	s6 =	sadd.s32 @!p0 s3, s7;
	s7 =	simm.s32 @!p0 $0x108  }
0x21: {  	s3 =	sadd.s32 s3, s9;
	s6 =	sadd.s32 @!p0 $0x88, s6;
	s7 =	simm.s32 @p2 $0x1082  }
0x22: {  	[simem:s7], [sflag:s8] =	dma.local @!p0 [hbm:s6], $0xF7A  }
0x23: {  	s9 =	sor.u32 $0xD0000000, s2;
	s6 =	simm.s32 $0x108;
	_ =	swait.ge @!p0 [sflag:s8], $0x0  }
0x24: {  	s3 =	sadd.s32 $0x88, s3;
	s6 =	simm.s32 @!p1 $0x1082;
	[sflag:s4] =	ssyncset.s32 $0xFFFFF086  }
0x25: {  	[simem:s6], [sflag:s4] =	dma.local [hbm:s3], $0xF7A  }
0x26: {  	[smem:$0x3F7A] =	sst s1;
	(tag) =	ssettag s2;
	_ =	strace s9  }
0x27: {  	s1 =	sld [smem:$0x3F8A]  }
0x28: {  	s2 =	sld [smem:$0x3F8B]  }
0x29: {  	s4 =	sld [smem:$0x3F8D]  }
0x2a: {  	p0 =	seq.s32 s5, $0x0;
	s5 =	sld [smem:$0x3F8E]  }
0x2b: {  	s6 =	sld [smem:$0x3F8F]  }
0x2c: {  	s7 =	sld [smem:$0x3F90]  }
0x2d: {  	s3 =	simm.s32 $0x108;
	s8 =	sld [smem:$0x3F91]  }
0x2e: {  	s3 =	simm.s32 @!p0 $0x1082;
	s9 =	sld [smem:$0x3F92]  }
0x2f: {  	lr =	sadd.s32 s0, s3;
	s0 =	sld [smem:$0x3F89]  }
0x30: {  	s3 =	sld [smem:$0x3F8C]  }
0x31: {  	[smem:$0x3F95] =	sst s10  }
0x32: {  	s10 =	sld [smem:$0x3F93];
	_ =	sdelay $0x3  }
0x33: {  	p0 =	seq.s32 s10, $0x1;
	s10 =	sld [smem:$0x3F95];
	_ =	sdelay $0x3  }
0x34: {  	[smem:$0x3F95] =	sst s10  }
0x35: {  	s10 =	sld [smem:$0x3F94];
	_ =	sdelay $0x3  }
0x36: {  	p1 =	seq.s32 s10, $0x1;
	s10 =	sld [smem:$0x3F95];
	_ =	sdelay $0x3  }
0x37: {  	[smem:$0x3F95] =	sst s10  }
0x38: {  	s10 =	sld [smem:$0x3F96]  }
0x39: {  	_ = 	snop;
	(pc) =	sbr.ind lr, $3  }
0x3a: {  	_ = 	snop  }
0x3b: {  	_ = 	snop  }
0x3c: {  	p2 =	seq.s32 s10, $0x1;
	s10 =	sld [smem:$0x3F95]  }
0x3d: {  	_ =	shalt  }
0x3e: {  	_ =	shalt  }
0x3f: {  	_ =	shalt  }
0x40: {  	_ =	shalt  }
0x41: {  	_ =	shalt  }
0x42: {  	_ =	shalt  }
0x43: {  	_ =	shalt  }
0x44: {  	_ =	shalt  }
0x45: {  	_ =	shalt  }
0x46: {  	_ =	shalt  }
0x47: {  	_ =	shalt  }
0x48: {  	_ =	shalt  }
0x49: {  	_ =	shalt  }
0x4a: {  	_ =	shalt  }
0x4b: {  	_ =	shalt  }
0x4c: {  	_ =	shalt  }
0x4d: {  	_ =	shalt  }
0x4e: {  	_ =	shalt  }
0x4f: {  	_ =	shalt  }
0x50: {  	_ =	shalt  }
0x51: {  	_ =	shalt  }
0x52: {  	_ =	shalt  }
0x53: {  	_ =	shalt  }
0x54: {  	_ =	shalt  }
0x55: {  	_ =	shalt  }
0x56: {  	_ =	shalt  }
0x57: {  	_ =	shalt  }
0x58: {  	_ =	shalt  }
0x59: {  	_ =	shalt  }
0x5a: {  	_ =	shalt  }
0x5b: {  	_ =	shalt  }
0x5c: {  	_ =	shalt  }
0x5d: {  	_ =	shalt  }
0x5e: {  	_ =	shalt  }
0x5f: {  	_ =	shalt  }
0x60: {  	_ =	shalt  }
0x61: {  	_ =	shalt  }
0x62: {  	_ =	shalt  }
0x63: {  	_ =	shalt  }
0x64: {  	_ =	shalt  }
0x65: {  	_ =	shalt  }
0x66: {  	_ =	shalt  }
0x67: {  	_ =	shalt  }
0x68: {  	_ =	shalt  }
0x69: {  	_ =	shalt  }
0x6a: {  	_ =	shalt  }
0x6b: {  	_ =	shalt  }
0x6c: {  	_ =	shalt  }
0x6d: {  	_ =	shalt  }
0x6e: {  	_ =	shalt  }
0x6f: {  	_ =	shalt  }
0x70: {  	_ =	shalt  }
0x71: {  	_ =	shalt  }
0x72: {  	_ =	shalt  }
0x73: {  	_ =	shalt  }
0x74: {  	_ =	shalt  }
0x75: {  	_ =	shalt  }
0x76: {  	_ =	shalt  }
0x77: {  	_ =	shalt  }
0x78: {  	_ =	shalt  }
0x79: {  	_ =	shalt  }
0x7a: {  	_ =	shalt  }
0x7b: {  	_ =	shalt  }
0x7c: {  	_ =	shalt  }
0x7d: {  	_ =	shalt  }
0x7e: {  	_ =	shalt  }
0x7f: {  	_ =	shalt  }
0x80: {  	_ =	shalt  }
0x81: {  	_ =	shalt  }
0x82: {  	_ =	shalt  }
0x83: {  	_ =	shalt  }
0x84: {  	_ =	shalt  }
0x85: {  	_ =	shalt  }
0x86: {  	_ =	shalt  }
0x87: {  	_ =	shalt  }
.Lfunc_end0:
.L_simem_size_0:
called_computation.3_lowered:
.L_overlay_start_0:
0x88: {  	s2 =	sld [smem:$0x3FD9]  }
0x89: {  	s3 =	sld [smem:$0x3FFE];
	_ =	sdelay $0x1  }
0x8a: {  	s1 =	srdreg.scid  }
0x8b: {  	s0 =	sand.u32 $0x1, s1  }
0x8c: {  	s17 =	sshll.u32 s0, $0xA;
	s2 =	sadd.s32 s3, s2  }
0x8d: {  	s2 =	sadd.s32 s2, s17  }
0x8e: {  	[smem:$0x3FA1] =	sst s2  }
0x8f: {  	_ = 	snop  }
0x90: {  	s18 =	sld [smem:$0x3FD0];
	(tm) =	ssettm $0x1  }
0x91: {  	s19 =	sld [smem:$0x3FFB];
	_ =	sdelay $0x3  }
0x92: {  	_ =	strace s19  }
0x93: {  	s2 =	sld [smem:$0x3FFC];
	_ =	sdelay $0x3  }
0x94: {  	_ =	strace s2  }
0x95: {  	s2 =	sld [smem:$0x3FFD];
	_ =	sdelay $0x3  }
0x96: {  	_ =	strace s2  }
0x97: {  	_ =	strace $0x8FFFFFFF  }
0x98: {  	s20 =	sld [smem:$0x3FDB];
	_ =	sdelay $0x1  }
0x99: {  	s4 =	simm.s32 $_scs_section_size  }
0x9a: {  	s5 =	simm.s32 $_size__tile_overlayer_lowered;
	s6 =	simm.s32 $_tile_overlayer_lowered  }
0x9b: {  	s7 =	simm.s32 $0x1BFF;
	s21 =	sshll.u32 s6, $0x1;
	s4 =	sadd.s32 s4, s20  }
0x9c: {  	s22 =	simm.s32 $0x0;
	s5 =	sshll.u32 s5, $0x1;
	s6 =	sadd.s32 s21, s4  }
0x9d: {  	[timem:s22], [sflag:s7] =	dma.local [hbm:s6], s5  }
0x9e: {  	_ =	swait.ge [sflag:s7], s5  }
0x9f: {  	s5 =	ssub.s32 $0x0, s5;
	[sflag:s7] =	ssyncset.done $0x0  }
0xa0: {  	[sflag:s7] =	ssyncadd.s32 s5;
	_ =	sdelay $0x1  }
0xa1: {  	s23 =	simm.s32 $0x1B8B  }
0xa2: {  	_ =	swait.ge [sflag:s23], $0x1  }
0xa3: {  	[sflag:s23] =	ssyncset.done $0x0  }
0xa4: {  	[sflag:s23] =	ssyncadd.s32 $0xFFFFFFFF  }
0xa5: {  	s5 =	sld [smem:$0x0]  }
0xa6: {  	s6 =	sand.u32 $0xFFFFFFFE, s1  }
0xa7: {  	p0 =	sne.s32 s1, s6  }
0xa8: {  	s6 =	sshll.u32 @p0 s6, $0xE  }
0xa9: {  	s6 =	sadd.s32 @p0 $0x11B8D, s6;
	s7 =	sshll.u32 @p0 s5, $0x11  }
0xaa: {  	s6 =	sor.u32 @p0 s7, s6  }
0xab: {  	[sflag:s6] =	ssyncadd.remote.s32 @p0 $0x1;
	_ =	sdelay $0x1  }
0xac: {  	s6 =	simm.s32 @p0 $0x1B8D  }
0xad: {  	_ =	swait.eq @p0 [sflag:s6], $0x1  }
0xae: {  	[sflag:s6] =	ssyncadd.s32 @p0 $0xFFFFFFFF  }
0xaf: {  	s7 =	sshll.u32 @!p0 s1, $0xE  }
0xb0: {  	s7 =	sor.u32 @!p0 $0x4000, s7;
	s6 =	simm.s32 @!p0 $0x1B8D  }
0xb1: {  	s5 =	sshll.u32 @!p0 s5, $0x11;
	s7 =	sadd.s32 @!p0 $0x11B8D, s7;
	_ =	swait.eq @!p0 [sflag:s6], $0x1  }
0xb2: {  	s5 =	sor.u32 @!p0 s5, s7;
	[sflag:s6] =	ssyncadd.s32 @!p0 $0xFFFFFFFF  }
0xb3: {  	s25 =	simm.s32 $0x1B8E;
	s24 =	sld [smem:$0x3FFE];
	[sflag:s5] =	ssyncadd.remote.s32 @!p0 $0x1  }
0xb4: {  	s26 =	simm.s32 $execute0_lowered;
	[smem:$0x3FD2] =	sst s25  }
0xb5: {  	s6 =	sshll.u32 s26, $0x1;
	_ =	strace $0x80000052;
	[dreg:$0x1] =	wrdreg $0xFFFFFFFF  }
0xb6: {  	s28 =	simm.s32 $_size_execute0_lowered;
	s4 =	sadd.s32 s4, s6;
	[dreg:$0x0] =	wrdreg $0x0  }
0xb7: {  	s6 =	sshll.u32 s28, $0x1;
	[dreg:$0x2] =	wrdreg s4  }
0xb8: {  	[dreg:$0x3] =	wrdreg s6  }
0xb9: {  	[dreg:$0x4] =	wrdreg $0xC0  }
0xba: {  	_ =	task [dreg:s22], $0x5FFFF  }
0xbb: {  	[dreg:$0x1] =	wrdreg $0xFFFFFFFF  }
0xbc: {  	[dreg:$0x0] =	wrdreg $0x60  }
0xbd: {  	[dreg:$0x2] =	wrdreg s24  }
0xbe: {  	[dreg:$0x3] =	wrdreg s18  }
0xbf: {  	[dreg:$0x4] =	wrdreg $0xB  }
0xc0: {  	_ =	task.clear_ibuf [dreg:s22], $0x5FFFF;
	_ =	strace $0x90000052  }
0xc1: {  	s29 =	simm.s32 $0xB;
	_ =	strace $0x80000054  }
0xc2: {  	_ =	swait.ge [sflag:s29], $0x1  }
0xc3: {  	[sflag:s29] =	ssyncadd.s32 $0xFFFFFFFF  }
0xc4: {  	_ =	strace $0x90000054  }
0xc5: {  	_ =	sfence  }
0xc6: {  	s30 =	sld [smem:$0x0];
	_ =	sdelay $0x2  }
0xc7: {  	s31 =	sshll.u32 s1, $0xD;
	s1 =	sshrl.u32 s1, $0x2  }
0xc8: {  	s4 =	sand.u32 $0x4000, s31;
	s1 =	sadd.s32 s1, s30  }
0xc9: {  	s0 =	sor.u32 s4, s0;
	s1 =	sshll.u32 s1, $0x11  }
0xca: {  	s0 =	sor.u32 s1, s0  }
0xcb: {  	s0 =	sadd.s32 $0x8F2B, s0  }
0xcc: {  	[sflag:s0] =	ssyncadd.remote.s32 $0x1  }
0xcd: {  	_ =	sfence.sel $0xFFFF  }
0xce: {  	[dreg:$0x0] =	wrdreg $0xFFFFFFFF;
	(pc) =	sbr.abs _section_cstart, $3  }
0xcf: {  	[dreg:$0x1] =	wrdreg $0xFFFFFFFF  }
0xd0: {  	_ =	task.clear_ibuf [dreg:s22], $0x2FFFF;
	_ =	strace $0x9FFFFFFF  }
0xd1: {  	(tm) =	ssettm $0x7FFFFFFF  }
tec
execute0_lowered:
.L_overlay_start_1:
0x0: {  	(tag) =	ssettag $0x1  }
0x1: {  	s7 =	rddreg [dreg:$0x0]  }
0x2: {  	s2 =	rddreg [dreg:$0x1]  }
0x3: {  	s0 =	rddreg [dreg:$0x2]  }
0x4: {  	s1 =	srdreg.scid;
	_ =	strace $0x80000053;
	s4 =	simm.s32 $0x1  }
0x5: {  	s9 =	simm.s32 $0x3;
	s12 =	simm.s32 $0x0;
	s5 =	sshll.u32 s1, $0x4  }
.Ltmp0:
0x6: {  	s1 =	stileid.u32;
	s5 =	sand.u32 $0x10, s5;
	(pc) =	sbr.rel .LBB2_1-.Ltmp0, $4  }
0x7: {  	s10 =	simm.s32 $0x0;
	s3 =	sadd.s32 $0xFDE400, s7;
	s6 =	sor.u32 s1, s5  }
0x8: {  	[sflag:s4] =	ssyncpa.u1 $0x0;
	s5 =	simm.s32 $0x2;
	s6 =	sshll.u32 s6, $0x8  }
0x9: {  	s7 =	sadd.s32 $0x1053800, s7;
	[sflag:s5] =	ssyncpa.u1 $0x0;
	s8 =	sadd.s32 $0x100, s6  }
0xa: {  	vm0 =	vmmov $0xff;
	vm1 =	vcmask $0x3F20;
	[sflag:s9] =	ssyncpa.u1 $0x0;
	s9 =	simm.s32 $0x100;
	s11 =	smov.u32 s6  }
.LBB2_9:
0xb: {  	p0 =	seq.s32 s10, $0x2  }
.Ltmp1:
0xc: {  	_ = 	snop;
	(pc) =	sbr.rel @p0 .LBB2_11-.Ltmp1, $1  }
0xd: {  	_ =	sdelay $0x3  }
.LBB2_10:
0xe: {  	s12 =	sadd.s32 $0x100, s11  }
0xf: {  	s13 =	smov.u32 s6;
	p0 =	slt.s32 s12, s8  }
0x10: {  	s13 =	smov.u32 @p0 s12  }
0x11: {  	s10 =	sadd.s32 $0x1, s10;
	s12 =	smov.u32 s11;
	s11 =	smov.u32 s13  }
.LBB2_1:
0x12: {  	p0 =	sne.s32 s10, $0x0  }
.Ltmp2:
0x13: {  	_ = 	snop;
	(pc) =	sbr.rel @!p0 .LBB2_2-.Ltmp2, $1  }
0x14: {  	_ =	sdelay $0x3  }
0x15: {  	s13 =	sand.u32 $0x1, s10  }
0x16: {  	p0 =	seq.s32 s13, $0x0  }
.Ltmp3:
0x17: {  	_ = 	snop;
	(pc) =	sbr.rel @p0 .LBB2_9-.Ltmp3, $1  }
0x18: {  	_ =	sdelay $0x3  }
0x19: {  	_ =	swait.ge [sflag:s5], $0x100  }
0x1a: {  	[sflag:s5] =	ssyncset.done $0x0  }
0x1b: {  	s13 =	simm.s32 $0x0;
	[sflag:s5] =	ssyncadd.s32 $0xFFFFFF00  }
0x1c: {  	v0 =	vld.msk [tilespmem:s13+$0x100 ss:$0x1], $0xffff;
	_ =	sdelay $0x4  }
0x1d: {  	vm2 =	vgt.s32 v0, $0x0  }
0x1e: {  	v0 =	vnsel vm2, $0x0, v0  }
0x1f: {  	v0 =	vmin.u32 v0, $0x270F  }
0x20: {  	v0 =	vshll.u32 v0, $0x4;
	_ =	sdelay $0x3  }
0x21: {  	s13 =	simm.s32 $0x8200  }
0x22: {  	[tilespmem:s13], [sflag:$0x1] =	stream.indirect_vreg.gather [hbm:s3], $0x80, v0, vm0, $0x38;
	[tilespmem:$0x10200] =	vst v63  }
0x23: {  	s14 =	simm.s32 $0x8600;
	s31 =	simm.s32 $0x10  }
0x24: {  	[tilespmem:s14], [sflag:$0x1] =	stream.indirect_vreg.gather [hbm:s3], $0x80, v0, vm1, $0x38;
	[tilespmem:$0x10200] =	vst v63  }
0x25: {  	s14 =	simm.s32 $0x80;
	v0 =	vld.msk [tilespmem:s31+$0x100 ss:$0x1], $0xffff  }
.LBB2_5:
0x26: {  	p0 =	sne.s32 s14, $0x3C0;
	_ =	sdelay $0x4  }
0x27: {  	vm2 =	vgt.s32 v0, $0x0  }
0x28: {  	v0 =	vnsel vm2, $0x0, v0  }
0x29: {  	v0 =	vmin.u32 v0, $0x270F  }
0x2a: {  	v0 =	vshll.u32 v0, $0x4;
	_ =	sdelay $0x3  }
.Ltmp4:
0x2b: {  	s13 =	sadd.s32 $0x800, s13;
	(pc) =	sbr.rel @p0 .LBB2_5-.Ltmp4, $4  }
0x2c: {  	[tilespmem:s13], [sflag:$0x1] =	stream.indirect_vreg.gather [hbm:s3], $0x80, v0, vm0, $0x38;
	[tilespmem:$0x10200] =	vst v63  }
0x2d: {  	s15 =	sshra.s32 s14, $0x2;
	s16 =	sadd.s32 $0x400, s13  }
0x2e: {  	[tilespmem:s16], [sflag:$0x1] =	stream.indirect_vreg.gather [hbm:s3], $0x80, v0, vm1, $0x38;
	[tilespmem:$0x10200] =	vst v63  }
0x2f: {  	s14 =	sadd.s32 $0x40, s14;
	v0 =	vld.msk [tilespmem:s15+$0x100 ss:$0x1], $0xffff  }
0x30: {  	_ =	sdelay $0x3  }
0x31: {  	vm2 =	vgt.s32 v0, $0x0  }
0x32: {  	v0 =	vnsel vm2, $0x0, v0  }
0x33: {  	v0 =	vmin.u32 v0, $0x270F  }
0x34: {  	v0 =	vshll.u32 v0, $0x4;
	_ =	sdelay $0x3  }
0x35: {  	s13 =	sadd.s32 $0x800, s13  }
0x36: {  	[tilespmem:s13], [sflag:$0x1] =	stream.indirect_vreg.gather [hbm:s3], $0x80, v0, vm0, $0x38;
	[tilespmem:$0x10200] =	vst v63  }
0x37: {  	s13 =	sadd.s32 $0x400, s13  }
0x38: {  	[tilespmem:s13], [sflag:$0x1] =	stream.indirect_vreg.gather [hbm:s3], $0x80, v0, vm1, $0x38;
	[tilespmem:$0x10200] =	vst v63  }
0x39: {  	s12 =	sshll.u32 s12, $0x4;
	s14 =	simm.s32 $0x80;
	_ =	swait.ge [sflag:s4], $0x8000  }
0x3a: {  	s15 =	simm.s32 $0x8600;
	s12 =	sadd.s32 s12, s7;
	[sflag:s4] =	ssyncset.done $0x0  }
0x3b: {  	s16 =	sadd.s32 $0x0, s12;
	s13 =	simm.s32 $0x8200;
	[sflag:s4] =	ssyncadd.s32 $0xFFFF8000  }
.LBB2_7:
0x3c: {  	[hbm:s16] =	stream.linear.scatter [tilespmem:s13], [sflag:$0x3], $0x400, $0x38;
	[tilespmem:$0x10200] =	vst v63  }
0x3d: {  	s16 =	smov.u32 s14;
	s13 =	smov.u32 s15;
	p0 =	sne.s32 s14, $0xF80  }
.Ltmp5:
0x3e: {  	s14 =	sadd.s32 $0x80, s14;
	(pc) =	sbr.rel @p0 .LBB2_7-.Ltmp5, $2  }
0x3f: {  	_ =	sdelay $0x2  }
0x40: {  	s15 =	sadd.s32 $0x400, s15;
	s16 =	sadd.s32 s16, s12  }
.Ltmp6:
0x41: {  	(pc) =	sbr.rel .LBB2_9-.Ltmp6, $2  }
0x42: {  	_ =	sdelay $0x2  }
0x43: {  	[hbm:s16] =	stream.linear.scatter [tilespmem:s13], [sflag:$0x3], $0x400, $0x38;
	[tilespmem:$0x10200] =	vst v63  }
.LBB2_2:
.Ltmp7:
0x44: {  	(pc) =	sbr.rel .LBB2_10-.Ltmp7, $4  }
0x45: {  	_ = 	snop  }
0x46: {  	s12 =	sshrl.u32 s11, $0x3  }
0x47: {  	s13 =	sand.u32 $0x7, s11;
	s12 =	sadd.s32 s2, s12  }
0x48: {  	[tilespmem:s9], [sflag:$0x2] =	stream.linear.gather [hbm4b:s12+s13], $0x100, $0x38;
	[tilespmem:$0x10200] =	vst v63  }
.LBB2_11:
0x49: {  	s2 =	simm.s32 $0x3  }
0x4a: {  	_ =	swait.ge [sflag:s2], $0x8000  }
0x4b: {  	[sflag:s2] =	ssyncset.done $0x0  }
0x4c: {  	[sflag:s2] =	ssyncadd.s32 $0xFFFF8000  }
0x4d: {  	_ =	sfence.sel $0x180000  }
0x4e: {  	s3 =	simm.s32 $0x2;
	[bflag:$0x0] =	sbarrier.arrive $0xFFFF  }
0x4f: {  	[sflag:s3] =	ssyncpa.u1 $0x1  }
0x50: {  	s31 =	simm.s32 $0x1;
	[sflag:s2] =	ssyncpa.u1 $0x1  }
0x51: {  	[sflag:s31] =	ssyncpa.u1 $0x1  }
0x52: {  	p0 =	sne.s32 s1, $0x0;
	_ =	strace $0x90000053  }
0x53: {  	s0 =	sadd.s32 @!p0 $0x100000, s0;
	[bflag:$0x2] =	sbarrier.arrive $0xFFFF  }
0x54: {  	[sflag:s0] =	ssyncadd.tile.s32 @!p0 $0x1;
	_ =	shalt  }
.Lfunc_end2:
_tile_overlayer_lowered:
.L_overlay_start_2:
0x55: {  	(tag) =	ssettag $0x2  }
0x56: {  	s0 =	rddreg [dreg:$0x0];
	s2 =	stileid.u32  }
0x57: {  	s1 =	rddreg [dreg:$0x1];
	p0 =	sne.s32 s2, $0x0  }
0x58: {  	s3 =	rddreg [dreg:$0x2];
	[bflag:$0x3] =	sbarrier.arrive $0xFFFF;
	s2 =	simm.s32 @!p0 $0x1C01  }
0x59: {  	[timem:s3], [sflag:s2] =	dma.local @!p0 [hbm:s0], s1  }
0x5a: {  	s0 =	simm.s32 @!p0 $0x1  }
0x5b: {  	_ =	swait.ge @!p0 [sflag:s0], s1  }
0x5c: {  	s1 =	ssub.s32 @!p0 $0x0, s1;
	[sflag:s0] =	ssyncset.done @!p0 $0x0  }
0x5d: {  	[sflag:s0] =	ssyncadd.s32 @!p0 s1  }
0x5e: {  	[bflag:$0x3] =	sbarrier.arrive $0xFFFF  }
0x5f: {  	_ =	shalt  }

// kernel: gather_offload_async_start.3
scs
__scs_entry_jumppad:
0x0: {  	(pc) =	sbr.rel $0x88, $3  }
0x1: {  	(tag) =	ssettag $0x0;
	lr =	simm.s32 $0x1  }
0x2: {  	[smem:$0x3F7A] =	sst lr;
	_ =	strace $0xD0000000  }
0x3: {  	_ = 	snop  }
0x4: {  	_ = 	snop  }
0x5: {  	_ = 	snop  }
0x6: {  	_ = 	snop  }
0x7: {  	_ = 	snop  }
__scs_overlays_trampoline_lowered:
0x8: {  	[smem:$0x3F89] =	sst s0  }
0x9: {  	[smem:$0x3F8A] =	sst s1  }
0xa: {  	[smem:$0x3F8B] =	sst s2  }
0xb: {  	[smem:$0x3F8C] =	sst s3  }
0xc: {  	[smem:$0x3F8D] =	sst s4  }
0xd: {  	[smem:$0x3F8E] =	sst s5  }
0xe: {  	[smem:$0x3F8F] =	sst s6  }
0xf: {  	[smem:$0x3F90] =	sst s7  }
0x10: {  	[smem:$0x3F91] =	sst s8  }
0x11: {  	[smem:$0x3F92] =	sst s9;
	s0 =	simm.s32 @!p0 $0x0  }
0x12: {  	s1 =	sld [smem:$0x3F78];
	s0 =	simm.s32 @p0 $0x1  }
0x13: {  	[smem:$0x3F93] =	sst s0;
	s0 =	simm.s32 @!p1 $0x0  }
0x14: {  	s2 =	sld [smem:$0x3F77];
	s0 =	simm.s32 @p1 $0x1  }
0x15: {  	[smem:$0x3F94] =	sst s0;
	s0 =	simm.s32 @!p2 $0x0  }
0x16: {  	s3 =	sld [smem:$0x3FDB];
	s0 =	simm.s32 @p2 $0x1  }
0x17: {  	s4 =	simm.s32 $0x1BF5;
	[smem:$0x3F96] =	sst s0  }
0x18: {  	s0 =	sld [smem:$0x3F79];
	_ =	swait.ge [sflag:s4], $0x0  }
0x19: {  	s7 =	sld [smem:$0x3F7A]  }
0x1a: {  	s8 =	sadd.s32 $0xFFFFE003, lr  }
0x1b: {  	s9 =	sadd.s32 $0xFFFFFEF7, lr;
	s5 =	simm.s32 $0xFFFFFFFF;
	p2 =	slt.u32 s8, $0xFFFFF086  }
0x1c: {  	p1 =	slt.u32 s9, $0xF7A;
	s5 =	simm.s32 @!p2 $0x0  }
0x1d: {  	s5 =	simm.s32 @p1 $0x1;
	p0 =	seq.s32 s7, s2  }
0x1e: {  	s7 =	smul.u32 @!p0 $0xF7A, s2;
	p2 =	seq.s32 @!p0 s5, $0x0  }
0x1f: {  	s9 =	smul.u32 $0xF7A, s1;
	s8 =	simm.s32 @!p0 $0x1BF5;
	p2 =	por !p2, p0  }
0x20: {  	[sflag:s8] =	ssyncset.s32 @!p0 $0xFFFFF086;
	s6 =	sadd.s32 @!p0 s3, s7;
	s7 =	simm.s32 @!p0 $0x108  }
0x21: {  	s3 =	sadd.s32 s3, s9;
	s6 =	sadd.s32 @!p0 $0x88, s6;
	s7 =	simm.s32 @p2 $0x1082  }
0x22: {  	[simem:s7], [sflag:s8] =	dma.local @!p0 [hbm:s6], $0xF7A  }
0x23: {  	s9 =	sor.u32 $0xD0000000, s2;
	s6 =	simm.s32 $0x108;
	_ =	swait.ge @!p0 [sflag:s8], $0x0  }
0x24: {  	s3 =	sadd.s32 $0x88, s3;
	s6 =	simm.s32 @!p1 $0x1082;
	[sflag:s4] =	ssyncset.s32 $0xFFFFF086  }
0x25: {  	[simem:s6], [sflag:s4] =	dma.local [hbm:s3], $0xF7A  }
0x26: {  	[smem:$0x3F7A] =	sst s1;
	(tag) =	ssettag s2;
	_ =	strace s9  }
0x27: {  	s1 =	sld [smem:$0x3F8A]  }
0x28: {  	s2 =	sld [smem:$0x3F8B]  }
0x29: {  	s4 =	sld [smem:$0x3F8D]  }
0x2a: {  	p0 =	seq.s32 s5, $0x0;
	s5 =	sld [smem:$0x3F8E]  }
0x2b: {  	s6 =	sld [smem:$0x3F8F]  }
0x2c: {  	s7 =	sld [smem:$0x3F90]  }
0x2d: {  	s3 =	simm.s32 $0x108;
	s8 =	sld [smem:$0x3F91]  }
0x2e: {  	s3 =	simm.s32 @!p0 $0x1082;
	s9 =	sld [smem:$0x3F92]  }
0x2f: {  	lr =	sadd.s32 s0, s3;
	s0 =	sld [smem:$0x3F89]  }
0x30: {  	s3 =	sld [smem:$0x3F8C]  }
0x31: {  	[smem:$0x3F95] =	sst s10  }
0x32: {  	s10 =	sld [smem:$0x3F93];
	_ =	sdelay $0x3  }
0x33: {  	p0 =	seq.s32 s10, $0x1;
	s10 =	sld [smem:$0x3F95];
	_ =	sdelay $0x3  }
0x34: {  	[smem:$0x3F95] =	sst s10  }
0x35: {  	s10 =	sld [smem:$0x3F94];
	_ =	sdelay $0x3  }
0x36: {  	p1 =	seq.s32 s10, $0x1;
	s10 =	sld [smem:$0x3F95];
	_ =	sdelay $0x3  }
0x37: {  	[smem:$0x3F95] =	sst s10  }
0x38: {  	s10 =	sld [smem:$0x3F96]  }
0x39: {  	_ = 	snop;
	(pc) =	sbr.ind lr, $3  }
0x3a: {  	_ = 	snop  }
0x3b: {  	_ = 	snop  }
0x3c: {  	p2 =	seq.s32 s10, $0x1;
	s10 =	sld [smem:$0x3F95]  }
0x3d: {  	_ =	shalt  }
0x3e: {  	_ =	shalt  }
0x3f: {  	_ =	shalt  }
0x40: {  	_ =	shalt  }
0x41: {  	_ =	shalt  }
0x42: {  	_ =	shalt  }
0x43: {  	_ =	shalt  }
0x44: {  	_ =	shalt  }
0x45: {  	_ =	shalt  }
0x46: {  	_ =	shalt  }
0x47: {  	_ =	shalt  }
0x48: {  	_ =	shalt  }
0x49: {  	_ =	shalt  }
0x4a: {  	_ =	shalt  }
0x4b: {  	_ =	shalt  }
0x4c: {  	_ =	shalt  }
0x4d: {  	_ =	shalt  }
0x4e: {  	_ =	shalt  }
0x4f: {  	_ =	shalt  }
0x50: {  	_ =	shalt  }
0x51: {  	_ =	shalt  }
0x52: {  	_ =	shalt  }
0x53: {  	_ =	shalt  }
0x54: {  	_ =	shalt  }
0x55: {  	_ =	shalt  }
0x56: {  	_ =	shalt  }
0x57: {  	_ =	shalt  }
0x58: {  	_ =	shalt  }
0x59: {  	_ =	shalt  }
0x5a: {  	_ =	shalt  }
0x5b: {  	_ =	shalt  }
0x5c: {  	_ =	shalt  }
0x5d: {  	_ =	shalt  }
0x5e: {  	_ =	shalt  }
0x5f: {  	_ =	shalt  }
0x60: {  	_ =	shalt  }
0x61: {  	_ =	shalt  }
0x62: {  	_ =	shalt  }
0x63: {  	_ =	shalt  }
0x64: {  	_ =	shalt  }
0x65: {  	_ =	shalt  }
0x66: {  	_ =	shalt  }
0x67: {  	_ =	shalt  }
0x68: {  	_ =	shalt  }
0x69: {  	_ =	shalt  }
0x6a: {  	_ =	shalt  }
0x6b: {  	_ =	shalt  }
0x6c: {  	_ =	shalt  }
0x6d: {  	_ =	shalt  }
0x6e: {  	_ =	shalt  }
0x6f: {  	_ =	shalt  }
0x70: {  	_ =	shalt  }
0x71: {  	_ =	shalt  }
0x72: {  	_ =	shalt  }
0x73: {  	_ =	shalt  }
0x74: {  	_ =	shalt  }
0x75: {  	_ =	shalt  }
0x76: {  	_ =	shalt  }
0x77: {  	_ =	shalt  }
0x78: {  	_ =	shalt  }
0x79: {  	_ =	shalt  }
0x7a: {  	_ =	shalt  }
0x7b: {  	_ =	shalt  }
0x7c: {  	_ =	shalt  }
0x7d: {  	_ =	shalt  }
0x7e: {  	_ =	shalt  }
0x7f: {  	_ =	shalt  }
0x80: {  	_ =	shalt  }
0x81: {  	_ =	shalt  }
0x82: {  	_ =	shalt  }
0x83: {  	_ =	shalt  }
0x84: {  	_ =	shalt  }
0x85: {  	_ =	shalt  }
0x86: {  	_ =	shalt  }
0x87: {  	_ =	shalt  }
.Lfunc_end0:
.L_simem_size_0:
called_computation.4_lowered:
.L_overlay_start_0:
0x88: {  	s2 =	sld [smem:$0x3FD9]  }
0x89: {  	s3 =	sld [smem:$0x3FFE];
	_ =	sdelay $0x1  }
0x8a: {  	s1 =	srdreg.scid  }
0x8b: {  	s0 =	sand.u32 $0x1, s1  }
0x8c: {  	s17 =	sshll.u32 s0, $0xA;
	s2 =	sadd.s32 s3, s2  }
0x8d: {  	s2 =	sadd.s32 s2, s17  }
0x8e: {  	[smem:$0x3FA1] =	sst s2  }
0x8f: {  	_ = 	snop  }
0x90: {  	(tm) =	ssettm $0x1  }
0x91: {  	s18 =	sld [smem:$0x3FFB];
	_ =	sdelay $0x3  }
0x92: {  	_ =	strace s18  }
0x93: {  	s2 =	sld [smem:$0x3FFC];
	_ =	sdelay $0x3  }
0x94: {  	_ =	strace s2  }
0x95: {  	s2 =	sld [smem:$0x3FFD];
	_ =	sdelay $0x3  }
0x96: {  	_ =	strace s2  }
0x97: {  	_ =	strace $0x8FFFFFFF  }
0x98: {  	s19 =	sld [smem:$0x3FDB];
	_ =	sdelay $0x1  }
0x99: {  	s20 =	simm.s32 $_scs_section_size  }
0x9a: {  	s4 =	simm.s32 $_size__tile_overlayer_lowered;
	s5 =	simm.s32 $_tile_overlayer_lowered  }
0x9b: {  	s6 =	simm.s32 $0x1BFF;
	s21 =	sshll.u32 s5, $0x1;
	s3 =	sadd.s32 s20, s19  }
0x9c: {  	s22 =	simm.s32 $0x0;
	s4 =	sshll.u32 s4, $0x1;
	s5 =	sadd.s32 s21, s3  }
0x9d: {  	[timem:s22], [sflag:s6] =	dma.local [hbm:s5], s4  }
0x9e: {  	_ =	swait.ge [sflag:s6], s4  }
0x9f: {  	s4 =	ssub.s32 $0x0, s4;
	[sflag:s6] =	ssyncset.done $0x0  }
0xa0: {  	[sflag:s6] =	ssyncadd.s32 s4;
	_ =	sdelay $0x1  }
0xa1: {  	s23 =	simm.s32 $0x1B8B  }
0xa2: {  	_ =	swait.ge [sflag:s23], $0x1  }
0xa3: {  	[sflag:s23] =	ssyncset.done $0x0  }
0xa4: {  	[sflag:s23] =	ssyncadd.s32 $0xFFFFFFFF  }
0xa5: {  	s4 =	sld [smem:$0x0]  }
0xa6: {  	s5 =	sand.u32 $0xFFFFFFFE, s1  }
0xa7: {  	p0 =	sne.s32 s1, s5  }
0xa8: {  	s5 =	sshll.u32 @p0 s5, $0xE  }
0xa9: {  	s5 =	sadd.s32 @p0 $0x11B8D, s5;
	s6 =	sshll.u32 @p0 s4, $0x11  }
0xaa: {  	s5 =	sor.u32 @p0 s6, s5  }
0xab: {  	[sflag:s5] =	ssyncadd.remote.s32 @p0 $0x1;
	_ =	sdelay $0x1  }
0xac: {  	s5 =	simm.s32 @p0 $0x1B8D  }
0xad: {  	_ =	swait.eq @p0 [sflag:s5], $0x1  }
0xae: {  	[sflag:s5] =	ssyncadd.s32 @p0 $0xFFFFFFFF  }
0xaf: {  	s6 =	sshll.u32 @!p0 s1, $0xE  }
0xb0: {  	s6 =	sor.u32 @!p0 $0x4000, s6;
	s5 =	simm.s32 @!p0 $0x1B8D  }
0xb1: {  	s4 =	sshll.u32 @!p0 s4, $0x11;
	s6 =	sadd.s32 @!p0 $0x11B8D, s6;
	_ =	swait.eq @!p0 [sflag:s5], $0x1  }
0xb2: {  	s4 =	sor.u32 @!p0 s4, s6;
	[sflag:s5] =	ssyncadd.s32 @!p0 $0xFFFFFFFF  }
0xb3: {  	s25 =	simm.s32 $0x1B8E;
	s24 =	sld [smem:$0x3FFE];
	[sflag:s4] =	ssyncadd.remote.s32 @!p0 $0x1  }
0xb4: {  	s26 =	simm.s32 $execute0_lowered;
	[smem:$0x3FD2] =	sst s25  }
0xb5: {  	s5 =	sshll.u32 s26, $0x1;
	_ =	strace $0x80000055;
	[dreg:$0x1] =	wrdreg $0xFFFFFFFF  }
0xb6: {  	s28 =	simm.s32 $_size_execute0_lowered;
	s3 =	sadd.s32 s3, s5;
	[dreg:$0x0] =	wrdreg $0x0  }
0xb7: {  	s5 =	sshll.u32 s28, $0x1;
	[dreg:$0x2] =	wrdreg s3  }
0xb8: {  	[dreg:$0x3] =	wrdreg s5  }
0xb9: {  	[dreg:$0x4] =	wrdreg $0xC0  }
0xba: {  	_ =	task [dreg:s22], $0x5FFFF  }
0xbb: {  	[dreg:$0x1] =	wrdreg $0xFFFFFFFF  }
0xbc: {  	[dreg:$0x0] =	wrdreg $0x60  }
0xbd: {  	[dreg:$0x2] =	wrdreg s24  }
0xbe: {  	[dreg:$0x3] =	wrdreg $0xC  }
0xbf: {  	_ =	task.clear_ibuf [dreg:s22], $0x4FFFF;
	_ =	strace $0x90000055  }
0xc0: {  	s29 =	simm.s32 $0xC;
	_ =	strace $0x80000057  }
0xc1: {  	_ =	swait.ge [sflag:s29], $0x1  }
0xc2: {  	[sflag:s29] =	ssyncadd.s32 $0xFFFFFFFF  }
0xc3: {  	_ =	strace $0x90000057  }
0xc4: {  	_ =	sfence  }
0xc5: {  	s30 =	sld [smem:$0x0];
	_ =	sdelay $0x2  }
0xc6: {  	s31 =	sshll.u32 s1, $0xD;
	s1 =	sshrl.u32 s1, $0x2  }
0xc7: {  	s4 =	sand.u32 $0x4000, s31;
	s1 =	sadd.s32 s1, s30  }
0xc8: {  	s0 =	sor.u32 s4, s0;
	s1 =	sshll.u32 s1, $0x11  }
0xc9: {  	s0 =	sor.u32 s1, s0  }
0xca: {  	s0 =	sadd.s32 $0x8F2B, s0  }
0xcb: {  	[sflag:s0] =	ssyncadd.remote.s32 $0x1  }
0xcc: {  	_ =	sfence.sel $0xFFFF  }
0xcd: {  	[dreg:$0x0] =	wrdreg $0xFFFFFFFF;
	(pc) =	sbr.abs _section_cstart, $3  }
0xce: {  	[dreg:$0x1] =	wrdreg $0xFFFFFFFF  }
0xcf: {  	_ =	task.clear_ibuf [dreg:s22], $0x2FFFF;
	_ =	strace $0x9FFFFFFF  }
0xd0: {  	(tm) =	ssettm $0x7FFFFFFF  }
0xd1: {  	_ =	shalt  }
tec
execute0_lowered:
.L_overlay_start_1:
0x0: {  	(tag) =	ssettag $0x1  }
0x1: {  	s7 =	rddreg [dreg:$0x0]  }
0x2: {  	s0 =	rddreg [dreg:$0x1];
	_ =	strace $0x80000056  }
0x3: {  	s1 =	srdreg.scid;
	s4 =	simm.s32 $0x1;
	s9 =	simm.s32 $0x3  }
0x4: {  	s12 =	simm.s32 $0x0;
	s10 =	simm.s32 $0x0;
	s5 =	sshll.u32 s1, $0x4  }
.Ltmp0:
0x5: {  	s1 =	stileid.u32;
	s5 =	sand.u32 $0x10, s5;
	(pc) =	sbr.rel .LBB2_1-.Ltmp0, $4  }
0x6: {  	s2 =	sadd.s32 $0xFDE400, s7;
	s3 =	sadd.s32 $0x1B800, s7;
	s6 =	sor.u32 s1, s5  }
0x7: {  	[sflag:s4] =	ssyncpa.u1 $0x0;
	s5 =	simm.s32 $0x2;
	s6 =	sshll.u32 s6, $0x8  }
0x8: {  	s7 =	sadd.s32 $0x1073800, s7;
	[sflag:s5] =	ssyncpa.u1 $0x0;
	s8 =	sadd.s32 $0x100, s6  }
0x9: {  	vm0 =	vmmov $0xff;
	vm1 =	vcmask $0x3F20;
	[sflag:s9] =	ssyncpa.u1 $0x0;
	s9 =	simm.s32 $0x100;
	s11 =	smov.u32 s6  }
.LBB2_9:
0xa: {  	p0 =	seq.s32 s10, $0x2  }
.Ltmp1:
0xb: {  	_ = 	snop;
	(pc) =	sbr.rel @p0 .LBB2_11-.Ltmp1, $1  }
0xc: {  	_ =	sdelay $0x3  }
.LBB2_10:
0xd: {  	s12 =	sadd.s32 $0x100, s11  }
0xe: {  	s13 =	smov.u32 s6;
	p0 =	slt.s32 s12, s8  }
0xf: {  	s13 =	smov.u32 @p0 s12  }
0x10: {  	s10 =	sadd.s32 $0x1, s10;
	s12 =	smov.u32 s11;
	s11 =	smov.u32 s13  }
.LBB2_1:
0x11: {  	p0 =	sne.s32 s10, $0x0  }
.Ltmp2:
0x12: {  	_ = 	snop;
	(pc) =	sbr.rel @!p0 .LBB2_2-.Ltmp2, $1  }
0x13: {  	_ =	sdelay $0x3  }
0x14: {  	s13 =	sand.u32 $0x1, s10  }
0x15: {  	p0 =	seq.s32 s13, $0x0  }
.Ltmp3:
0x16: {  	_ = 	snop;
	(pc) =	sbr.rel @p0 .LBB2_9-.Ltmp3, $1  }
0x17: {  	_ =	sdelay $0x3  }
0x18: {  	_ =	swait.ge [sflag:s5], $0x100  }
0x19: {  	[sflag:s5] =	ssyncset.done $0x0  }
0x1a: {  	s13 =	simm.s32 $0x0;
	[sflag:s5] =	ssyncadd.s32 $0xFFFFFF00  }
0x1b: {  	v0 =	vld.msk [tilespmem:s13+$0x100 ss:$0x1], $0xffff;
	_ =	sdelay $0x4  }
0x1c: {  	vm2 =	vgt.s32 v0, $0x0  }
0x1d: {  	v0 =	vnsel vm2, $0x0, v0  }
0x1e: {  	v0 =	vmin.u32 v0, $0x270F  }
0x1f: {  	v0 =	vshll.u32 v0, $0x4;
	_ =	sdelay $0x3  }
0x20: {  	s13 =	simm.s32 $0x8200  }
0x21: {  	[tilespmem:s13], [sflag:$0x1] =	stream.indirect_vreg.gather [hbm:s2], $0x80, v0, vm0, $0x38;
	[tilespmem:$0x10200] =	vst v63  }
0x22: {  	s14 =	simm.s32 $0x8600;
	s31 =	simm.s32 $0x10  }
0x23: {  	[tilespmem:s14], [sflag:$0x1] =	stream.indirect_vreg.gather [hbm:s2], $0x80, v0, vm1, $0x38;
	[tilespmem:$0x10200] =	vst v63  }
0x24: {  	s14 =	simm.s32 $0x80;
	v0 =	vld.msk [tilespmem:s31+$0x100 ss:$0x1], $0xffff  }
.LBB2_5:
0x25: {  	p0 =	sne.s32 s14, $0x3C0;
	_ =	sdelay $0x4  }
0x26: {  	vm2 =	vgt.s32 v0, $0x0  }
0x27: {  	v0 =	vnsel vm2, $0x0, v0  }
0x28: {  	v0 =	vmin.u32 v0, $0x270F  }
0x29: {  	v0 =	vshll.u32 v0, $0x4;
	_ =	sdelay $0x3  }
.Ltmp4:
0x2a: {  	s13 =	sadd.s32 $0x800, s13;
	(pc) =	sbr.rel @p0 .LBB2_5-.Ltmp4, $4  }
0x2b: {  	[tilespmem:s13], [sflag:$0x1] =	stream.indirect_vreg.gather [hbm:s2], $0x80, v0, vm0, $0x38;
	[tilespmem:$0x10200] =	vst v63  }
0x2c: {  	s15 =	sshra.s32 s14, $0x2;
	s16 =	sadd.s32 $0x400, s13  }
0x2d: {  	[tilespmem:s16], [sflag:$0x1] =	stream.indirect_vreg.gather [hbm:s2], $0x80, v0, vm1, $0x38;
	[tilespmem:$0x10200] =	vst v63  }
0x2e: {  	s14 =	sadd.s32 $0x40, s14;
	v0 =	vld.msk [tilespmem:s15+$0x100 ss:$0x1], $0xffff  }
0x2f: {  	_ =	sdelay $0x3  }
0x30: {  	vm2 =	vgt.s32 v0, $0x0  }
0x31: {  	v0 =	vnsel vm2, $0x0, v0  }
0x32: {  	v0 =	vmin.u32 v0, $0x270F  }
0x33: {  	v0 =	vshll.u32 v0, $0x4;
	_ =	sdelay $0x3  }
0x34: {  	s13 =	sadd.s32 $0x800, s13  }
0x35: {  	[tilespmem:s13], [sflag:$0x1] =	stream.indirect_vreg.gather [hbm:s2], $0x80, v0, vm0, $0x38;
	[tilespmem:$0x10200] =	vst v63  }
0x36: {  	s13 =	sadd.s32 $0x400, s13  }
0x37: {  	[tilespmem:s13], [sflag:$0x1] =	stream.indirect_vreg.gather [hbm:s2], $0x80, v0, vm1, $0x38;
	[tilespmem:$0x10200] =	vst v63  }
0x38: {  	s12 =	sshll.u32 s12, $0x4;
	s14 =	simm.s32 $0x80;
	_ =	swait.ge [sflag:s4], $0x8000  }
0x39: {  	s15 =	simm.s32 $0x8600;
	s12 =	sadd.s32 s12, s7;
	[sflag:s4] =	ssyncset.done $0x0  }
0x3a: {  	s16 =	sadd.s32 $0x0, s12;
	s13 =	simm.s32 $0x8200;
	[sflag:s4] =	ssyncadd.s32 $0xFFFF8000  }
.LBB2_7:
0x3b: {  	[hbm:s16] =	stream.linear.scatter [tilespmem:s13], [sflag:$0x3], $0x400, $0x38;
	[tilespmem:$0x10200] =	vst v63  }
0x3c: {  	s16 =	smov.u32 s14;
	s13 =	smov.u32 s15;
	p0 =	sne.s32 s14, $0xF80  }
.Ltmp5:
0x3d: {  	s14 =	sadd.s32 $0x80, s14;
	(pc) =	sbr.rel @p0 .LBB2_7-.Ltmp5, $2  }
0x3e: {  	_ =	sdelay $0x2  }
0x3f: {  	s15 =	sadd.s32 $0x400, s15;
	s16 =	sadd.s32 s16, s12  }
.Ltmp6:
0x40: {  	(pc) =	sbr.rel .LBB2_9-.Ltmp6, $2  }
0x41: {  	_ =	sdelay $0x2  }
0x42: {  	[hbm:s16] =	stream.linear.scatter [tilespmem:s13], [sflag:$0x3], $0x400, $0x38;
	[tilespmem:$0x10200] =	vst v63  }
.LBB2_2:
.Ltmp7:
0x43: {  	(pc) =	sbr.rel .LBB2_10-.Ltmp7, $4  }
0x44: {  	_ = 	snop  }
0x45: {  	s12 =	sshrl.u32 s11, $0x3  }
0x46: {  	s13 =	sand.u32 $0x7, s11;
	s12 =	sadd.s32 s3, s12  }
0x47: {  	[tilespmem:s9], [sflag:$0x2] =	stream.linear.gather [hbm4b:s12+s13], $0x100, $0x38;
	[tilespmem:$0x10200] =	vst v63  }
.LBB2_11:
0x48: {  	s2 =	simm.s32 $0x3  }
0x49: {  	_ =	swait.ge [sflag:s2], $0x8000  }
0x4a: {  	[sflag:s2] =	ssyncset.done $0x0  }
0x4b: {  	[sflag:s2] =	ssyncadd.s32 $0xFFFF8000  }
0x4c: {  	_ =	sfence.sel $0x180000  }
0x4d: {  	s3 =	simm.s32 $0x2;
	[bflag:$0x0] =	sbarrier.arrive $0xFFFF  }
0x4e: {  	[sflag:s3] =	ssyncpa.u1 $0x1  }
0x4f: {  	s31 =	simm.s32 $0x1;
	[sflag:s2] =	ssyncpa.u1 $0x1  }
0x50: {  	[sflag:s31] =	ssyncpa.u1 $0x1  }
0x51: {  	p0 =	sne.s32 s1, $0x0;
	_ =	strace $0x90000056  }
0x52: {  	s0 =	sadd.s32 @!p0 $0x100000, s0;
	[bflag:$0x2] =	sbarrier.arrive $0xFFFF  }
0x53: {  	[sflag:s0] =	ssyncadd.tile.s32 @!p0 $0x1;
	_ =	shalt  }
.Lfunc_end2:
_tile_overlayer_lowered:
.L_overlay_start_2:
0x54: {  	(tag) =	ssettag $0x2  }
0x55: {  	s0 =	rddreg [dreg:$0x0];
	s2 =	stileid.u32  }
0x56: {  	s1 =	rddreg [dreg:$0x1];
	p0 =	sne.s32 s2, $0x0  }
0x57: {  	s3 =	rddreg [dreg:$0x2];
	[bflag:$0x3] =	sbarrier.arrive $0xFFFF;
	s2 =	simm.s32 @!p0 $0x1C01  }
0x58: {  	[timem:s3], [sflag:s2] =	dma.local @!p0 [hbm:s0], s1  }
0x59: {  	s0 =	simm.s32 @!p0 $0x1  }
0x5a: {  	_ =	swait.ge @!p0 [sflag:s0], s1  }
0x5b: {  	s1 =	ssub.s32 @!p0 $0x0, s1;
	[sflag:s0] =	ssyncset.done @!p0 $0x0  }
0x5c: {  	[sflag:s0] =	ssyncadd.s32 @!p0 s1  }
0x5d: {  	[bflag:$0x3] =	sbarrier.arrive $0xFFFF  }
0x5e: {  	_ =	shalt  }

// kernel: gather_offload_async_start
scs
__scs_entry_jumppad:
0x0: {  	(pc) =	sbr.rel $0x88, $3  }
0x1: {  	(tag) =	ssettag $0x0;
	lr =	simm.s32 $0x1  }
0x2: {  	[smem:$0x3F7A] =	sst lr;
	_ =	strace $0xD0000000  }
0x3: {  	_ = 	snop  }
0x4: {  	_ = 	snop  }
0x5: {  	_ = 	snop  }
0x6: {  	_ = 	snop  }
0x7: {  	_ = 	snop  }
__scs_overlays_trampoline_lowered:
0x8: {  	[smem:$0x3F89] =	sst s0  }
0x9: {  	[smem:$0x3F8A] =	sst s1  }
0xa: {  	[smem:$0x3F8B] =	sst s2  }
0xb: {  	[smem:$0x3F8C] =	sst s3  }
0xc: {  	[smem:$0x3F8D] =	sst s4  }
0xd: {  	[smem:$0x3F8E] =	sst s5  }
0xe: {  	[smem:$0x3F8F] =	sst s6  }
0xf: {  	[smem:$0x3F90] =	sst s7  }
0x10: {  	[smem:$0x3F91] =	sst s8  }
0x11: {  	[smem:$0x3F92] =	sst s9;
	s0 =	simm.s32 @!p0 $0x0  }
0x12: {  	s1 =	sld [smem:$0x3F78];
	s0 =	simm.s32 @p0 $0x1  }
0x13: {  	[smem:$0x3F93] =	sst s0;
	s0 =	simm.s32 @!p1 $0x0  }
0x14: {  	s2 =	sld [smem:$0x3F77];
	s0 =	simm.s32 @p1 $0x1  }
0x15: {  	[smem:$0x3F94] =	sst s0;
	s0 =	simm.s32 @!p2 $0x0  }
0x16: {  	s3 =	sld [smem:$0x3FDB];
	s0 =	simm.s32 @p2 $0x1  }
0x17: {  	s4 =	simm.s32 $0x1BF5;
	[smem:$0x3F96] =	sst s0  }
0x18: {  	s0 =	sld [smem:$0x3F79];
	_ =	swait.ge [sflag:s4], $0x0  }
0x19: {  	s7 =	sld [smem:$0x3F7A]  }
0x1a: {  	s8 =	sadd.s32 $0xFFFFE003, lr  }
0x1b: {  	s9 =	sadd.s32 $0xFFFFFEF7, lr;
	s5 =	simm.s32 $0xFFFFFFFF;
	p2 =	slt.u32 s8, $0xFFFFF086  }
0x1c: {  	p1 =	slt.u32 s9, $0xF7A;
	s5 =	simm.s32 @!p2 $0x0  }
0x1d: {  	s5 =	simm.s32 @p1 $0x1;
	p0 =	seq.s32 s7, s2  }
0x1e: {  	s7 =	smul.u32 @!p0 $0xF7A, s2;
	p2 =	seq.s32 @!p0 s5, $0x0  }
0x1f: {  	s9 =	smul.u32 $0xF7A, s1;
	s8 =	simm.s32 @!p0 $0x1BF5;
	p2 =	por !p2, p0  }
0x20: {  	[sflag:s8] =	ssyncset.s32 @!p0 $0xFFFFF086;
	s6 =	sadd.s32 @!p0 s3, s7;
	s7 =	simm.s32 @!p0 $0x108  }
0x21: {  	s3 =	sadd.s32 s3, s9;
	s6 =	sadd.s32 @!p0 $0x88, s6;
	s7 =	simm.s32 @p2 $0x1082  }
0x22: {  	[simem:s7], [sflag:s8] =	dma.local @!p0 [hbm:s6], $0xF7A  }
0x23: {  	s9 =	sor.u32 $0xD0000000, s2;
	s6 =	simm.s32 $0x108;
	_ =	swait.ge @!p0 [sflag:s8], $0x0  }
0x24: {  	s3 =	sadd.s32 $0x88, s3;
	s6 =	simm.s32 @!p1 $0x1082;
	[sflag:s4] =	ssyncset.s32 $0xFFFFF086  }
0x25: {  	[simem:s6], [sflag:s4] =	dma.local [hbm:s3], $0xF7A  }
0x26: {  	[smem:$0x3F7A] =	sst s1;
	(tag) =	ssettag s2;
	_ =	strace s9  }
0x27: {  	s1 =	sld [smem:$0x3F8A]  }
0x28: {  	s2 =	sld [smem:$0x3F8B]  }
0x29: {  	s4 =	sld [smem:$0x3F8D]  }
0x2a: {  	p0 =	seq.s32 s5, $0x0;
	s5 =	sld [smem:$0x3F8E]  }
0x2b: {  	s6 =	sld [smem:$0x3F8F]  }
0x2c: {  	s7 =	sld [smem:$0x3F90]  }
0x2d: {  	s3 =	simm.s32 $0x108;
	s8 =	sld [smem:$0x3F91]  }
0x2e: {  	s3 =	simm.s32 @!p0 $0x1082;
	s9 =	sld [smem:$0x3F92]  }
0x2f: {  	lr =	sadd.s32 s0, s3;
	s0 =	sld [smem:$0x3F89]  }
0x30: {  	s3 =	sld [smem:$0x3F8C]  }
0x31: {  	[smem:$0x3F95] =	sst s10  }
0x32: {  	s10 =	sld [smem:$0x3F93];
	_ =	sdelay $0x3  }
0x33: {  	p0 =	seq.s32 s10, $0x1;
	s10 =	sld [smem:$0x3F95];
	_ =	sdelay $0x3  }
0x34: {  	[smem:$0x3F95] =	sst s10  }
0x35: {  	s10 =	sld [smem:$0x3F94];
	_ =	sdelay $0x3  }
0x36: {  	p1 =	seq.s32 s10, $0x1;
	s10 =	sld [smem:$0x3F95];
	_ =	sdelay $0x3  }
0x37: {  	[smem:$0x3F95] =	sst s10  }
0x38: {  	s10 =	sld [smem:$0x3F96]  }
0x39: {  	_ = 	snop;
	(pc) =	sbr.ind lr, $3  }
0x3a: {  	_ = 	snop  }
0x3b: {  	_ = 	snop  }
0x3c: {  	p2 =	seq.s32 s10, $0x1;
	s10 =	sld [smem:$0x3F95]  }
0x3d: {  	_ =	shalt  }
0x3e: {  	_ =	shalt  }
0x3f: {  	_ =	shalt  }
0x40: {  	_ =	shalt  }
0x41: {  	_ =	shalt  }
0x42: {  	_ =	shalt  }
0x43: {  	_ =	shalt  }
0x44: {  	_ =	shalt  }
0x45: {  	_ =	shalt  }
0x46: {  	_ =	shalt  }
0x47: {  	_ =	shalt  }
0x48: {  	_ =	shalt  }
0x49: {  	_ =	shalt  }
0x4a: {  	_ =	shalt  }
0x4b: {  	_ =	shalt  }
0x4c: {  	_ =	shalt  }
0x4d: {  	_ =	shalt  }
0x4e: {  	_ =	shalt  }
0x4f: {  	_ =	shalt  }
0x50: {  	_ =	shalt  }
0x51: {  	_ =	shalt  }
0x52: {  	_ =	shalt  }
0x53: {  	_ =	shalt  }
0x54: {  	_ =	shalt  }
0x55: {  	_ =	shalt  }
0x56: {  	_ =	shalt  }
0x57: {  	_ =	shalt  }
0x58: {  	_ =	shalt  }
0x59: {  	_ =	shalt  }
0x5a: {  	_ =	shalt  }
0x5b: {  	_ =	shalt  }
0x5c: {  	_ =	shalt  }
0x5d: {  	_ =	shalt  }
0x5e: {  	_ =	shalt  }
0x5f: {  	_ =	shalt  }
0x60: {  	_ =	shalt  }
0x61: {  	_ =	shalt  }
0x62: {  	_ =	shalt  }
0x63: {  	_ =	shalt  }
0x64: {  	_ =	shalt  }
0x65: {  	_ =	shalt  }
0x66: {  	_ =	shalt  }
0x67: {  	_ =	shalt  }
0x68: {  	_ =	shalt  }
0x69: {  	_ =	shalt  }
0x6a: {  	_ =	shalt  }
0x6b: {  	_ =	shalt  }
0x6c: {  	_ =	shalt  }
0x6d: {  	_ =	shalt  }
0x6e: {  	_ =	shalt  }
0x6f: {  	_ =	shalt  }
0x70: {  	_ =	shalt  }
0x71: {  	_ =	shalt  }
0x72: {  	_ =	shalt  }
0x73: {  	_ =	shalt  }
0x74: {  	_ =	shalt  }
0x75: {  	_ =	shalt  }
0x76: {  	_ =	shalt  }
0x77: {  	_ =	shalt  }
0x78: {  	_ =	shalt  }
0x79: {  	_ =	shalt  }
0x7a: {  	_ =	shalt  }
0x7b: {  	_ =	shalt  }
0x7c: {  	_ =	shalt  }
0x7d: {  	_ =	shalt  }
0x7e: {  	_ =	shalt  }
0x7f: {  	_ =	shalt  }
0x80: {  	_ =	shalt  }
0x81: {  	_ =	shalt  }
0x82: {  	_ =	shalt  }
0x83: {  	_ =	shalt  }
0x84: {  	_ =	shalt  }
0x85: {  	_ =	shalt  }
0x86: {  	_ =	shalt  }
0x87: {  	_ =	shalt  }
.Lfunc_end0:
.L_simem_size_0:
called_computation.1_lowered:
.L_overlay_start_0:
0x88: {  	s2 =	sld [smem:$0x3FD9]  }
0x89: {  	s3 =	sld [smem:$0x3FFE];
	_ =	sdelay $0x1  }
0x8a: {  	s1 =	srdreg.scid  }
0x8b: {  	s0 =	sand.u32 $0x1, s1  }
0x8c: {  	s17 =	sshll.u32 s0, $0xA;
	s2 =	sadd.s32 s3, s2  }
0x8d: {  	s2 =	sadd.s32 s2, s17  }
0x8e: {  	[smem:$0x3FA1] =	sst s2  }
0x8f: {  	_ = 	snop  }
0x90: {  	(tm) =	ssettm $0x1  }
0x91: {  	s18 =	sld [smem:$0x3FFB];
	_ =	sdelay $0x3  }
0x92: {  	_ =	strace s18  }
0x93: {  	s2 =	sld [smem:$0x3FFC];
	_ =	sdelay $0x3  }
0x94: {  	_ =	strace s2  }
0x95: {  	s2 =	sld [smem:$0x3FFD];
	_ =	sdelay $0x3  }
0x96: {  	_ =	strace s2  }
0x97: {  	_ =	strace $0x8FFFFFFF  }
0x98: {  	s19 =	sld [smem:$0x3FDB];
	_ =	sdelay $0x1  }
0x99: {  	s20 =	simm.s32 $_scs_section_size  }
0x9a: {  	s4 =	simm.s32 $_size__tile_overlayer_lowered;
	s5 =	simm.s32 $_tile_overlayer_lowered  }
0x9b: {  	s6 =	simm.s32 $0x1BFF;
	s21 =	sshll.u32 s5, $0x1;
	s3 =	sadd.s32 s20, s19  }
0x9c: {  	s22 =	simm.s32 $0x0;
	s4 =	sshll.u32 s4, $0x1;
	s5 =	sadd.s32 s21, s3  }
0x9d: {  	[timem:s22], [sflag:s6] =	dma.local [hbm:s5], s4  }
0x9e: {  	_ =	swait.ge [sflag:s6], s4  }
0x9f: {  	s4 =	ssub.s32 $0x0, s4;
	[sflag:s6] =	ssyncset.done $0x0  }
0xa0: {  	[sflag:s6] =	ssyncadd.s32 s4;
	_ =	sdelay $0x1  }
0xa1: {  	s23 =	simm.s32 $0x1B8B  }
0xa2: {  	_ =	swait.ge [sflag:s23], $0x1  }
0xa3: {  	[sflag:s23] =	ssyncset.done $0x0  }
0xa4: {  	[sflag:s23] =	ssyncadd.s32 $0xFFFFFFFF  }
0xa5: {  	s4 =	sld [smem:$0x0]  }
0xa6: {  	s5 =	sand.u32 $0xFFFFFFFE, s1  }
0xa7: {  	p0 =	sne.s32 s1, s5  }
0xa8: {  	s5 =	sshll.u32 @p0 s5, $0xE  }
0xa9: {  	s5 =	sadd.s32 @p0 $0x11B8D, s5;
	s6 =	sshll.u32 @p0 s4, $0x11  }
0xaa: {  	s5 =	sor.u32 @p0 s6, s5  }
0xab: {  	[sflag:s5] =	ssyncadd.remote.s32 @p0 $0x1;
	_ =	sdelay $0x1  }
0xac: {  	s5 =	simm.s32 @p0 $0x1B8D  }
0xad: {  	_ =	swait.eq @p0 [sflag:s5], $0x1  }
0xae: {  	[sflag:s5] =	ssyncadd.s32 @p0 $0xFFFFFFFF  }
0xaf: {  	s6 =	sshll.u32 @!p0 s1, $0xE  }
0xb0: {  	s6 =	sor.u32 @!p0 $0x4000, s6;
	s5 =	simm.s32 @!p0 $0x1B8D  }
0xb1: {  	s4 =	sshll.u32 @!p0 s4, $0x11;
	s6 =	sadd.s32 @!p0 $0x11B8D, s6;
	_ =	swait.eq @!p0 [sflag:s5], $0x1  }
0xb2: {  	s4 =	sor.u32 @!p0 s4, s6;
	[sflag:s5] =	ssyncadd.s32 @!p0 $0xFFFFFFFF  }
0xb3: {  	s25 =	simm.s32 $0x1B8E;
	s24 =	sld [smem:$0x3FFE];
	[sflag:s4] =	ssyncadd.remote.s32 @!p0 $0x1  }
0xb4: {  	s26 =	simm.s32 $execute0_lowered;
	[smem:$0x3FD2] =	sst s25  }
0xb5: {  	s5 =	sshll.u32 s26, $0x1;
	_ =	strace $0x8000004C;
	[dreg:$0x1] =	wrdreg $0xFFFFFFFF  }
0xb6: {  	s28 =	simm.s32 $_size_execute0_lowered;
	s3 =	sadd.s32 s3, s5;
	[dreg:$0x0] =	wrdreg $0x0  }
0xb7: {  	s5 =	sshll.u32 s28, $0x1;
	[dreg:$0x2] =	wrdreg s3  }
0xb8: {  	[dreg:$0x3] =	wrdreg s5  }
0xb9: {  	[dreg:$0x4] =	wrdreg $0xC0  }
0xba: {  	_ =	task [dreg:s22], $0x5FFFF  }
0xbb: {  	[dreg:$0x1] =	wrdreg $0xFFFFFFFF  }
0xbc: {  	[dreg:$0x0] =	wrdreg $0x60  }
0xbd: {  	[dreg:$0x2] =	wrdreg s24  }
0xbe: {  	[dreg:$0x3] =	wrdreg $0x9  }
0xbf: {  	_ =	task.clear_ibuf [dreg:s22], $0x4FFFF;
	_ =	strace $0x9000004C  }
0xc0: {  	s29 =	simm.s32 $0x9;
	_ =	strace $0x8000004E  }
0xc1: {  	_ =	swait.ge [sflag:s29], $0x1  }
0xc2: {  	[sflag:s29] =	ssyncadd.s32 $0xFFFFFFFF  }
0xc3: {  	_ =	strace $0x9000004E  }
0xc4: {  	_ =	sfence  }
0xc5: {  	s30 =	sld [smem:$0x0];
	_ =	sdelay $0x2  }
0xc6: {  	s31 =	sshll.u32 s1, $0xD;
	s1 =	sshrl.u32 s1, $0x2  }
0xc7: {  	s4 =	sand.u32 $0x4000, s31;
	s1 =	sadd.s32 s1, s30  }
0xc8: {  	s0 =	sor.u32 s4, s0;
	s1 =	sshll.u32 s1, $0x11  }
0xc9: {  	s0 =	sor.u32 s1, s0  }
0xca: {  	s0 =	sadd.s32 $0x8F2B, s0  }
0xcb: {  	[sflag:s0] =	ssyncadd.remote.s32 $0x1  }
0xcc: {  	_ =	sfence.sel $0xFFFF  }
0xcd: {  	[dreg:$0x0] =	wrdreg $0xFFFFFFFF;
	(pc) =	sbr.abs _section_cstart, $3  }
0xce: {  	[dreg:$0x1] =	wrdreg $0xFFFFFFFF  }
0xcf: {  	_ =	task.clear_ibuf [dreg:s22], $0x2FFFF;
	_ =	strace $0x9FFFFFFF  }
0xd0: {  	(tm) =	ssettm $0x7FFFFFFF  }
0xd1: {  	_ =	shalt  }
tec
execute0_lowered:
.L_overlay_start_1:
0x0: {  	(tag) =	ssettag $0x1  }
0x1: {  	s7 =	rddreg [dreg:$0x0]  }
0x2: {  	s0 =	rddreg [dreg:$0x1];
	_ =	strace $0x8000004D  }
0x3: {  	s1 =	srdreg.scid;
	s4 =	simm.s32 $0x1;
	s9 =	simm.s32 $0x3  }
0x4: {  	s11 =	simm.s32 $0x0;
	p0 =	por $0x0, $0x0;
	s5 =	sshll.u32 s1, $0x4  }
.Ltmp0:
0x5: {  	s1 =	stileid.u32;
	s5 =	sand.u32 $0x10, s5;
	(pc) =	sbr.rel .LBB2_1-.Ltmp0, $4  }
0x6: {  	s2 =	sadd.s32 $0x11EA200, s7;
	s3 =	sadd.s32 $0x1B800, s7;
	s6 =	sor.u32 s1, s5  }
0x7: {  	[sflag:s4] =	ssyncpa.u1 $0x0;
	s5 =	simm.s32 $0x2;
	s6 =	sshll.u32 s6, $0x8  }
0x8: {  	s7 =	sadd.s32 $0x5FE400, s7;
	[sflag:s5] =	ssyncpa.u1 $0x0;
	s8 =	sadd.s32 $0x100, s6  }
0x9: {  	vm0 =	vmmov $0xf;
	[sflag:s9] =	ssyncpa.u1 $0x0;
	s10 =	smov.u32 s6;
	s9 =	simm.s32 $0x0  }
.LBB2_7:
0xa: {  	p1 =	slt.u32 s9, $0x2;
	s11 =	sadd.s32 $0x4, s10  }
0xb: {  	s13 =	smov.u32 s6;
	s9 =	sadd.s32 $0x1, s9;
	p2 =	slt.s32 s11, s8  }
0xc: {  	s13 =	smov.u32 @p2 s11;
	p2 =	sne.s32 s9, $0x42  }
.Ltmp1:
0xd: {  	_ = 	snop;
	(pc) =	sbr.rel @!p2 .LBB2_8-.Ltmp1, $4  }
0xe: {  	s12 =	simm.s32 @!p1 $0x3  }
0xf: {  	_ =	swait.ge @!p1 [sflag:s12], $0x9E00  }
0x10: {  	p0 =	por !p0, !p0;
	[sflag:s12] =	ssyncset.done @!p1 $0x0  }
0x11: {  	s11 =	smov.u32 s10;
	s10 =	smov.u32 s13;
	[sflag:s12] =	ssyncadd.s32 @!p1 $0xFFFF6200  }
.LBB2_1:
0x12: {  	p1 =	sgt.u32 s9, $0x3F  }
0x13: {  	s12 =	sxor.u32 @!p1 $0xFFFFFFFF, s9  }
0x14: {  	s13 =	sshrl.u32 @!p1 s10, $0x3;
	s12 =	sshll.u32 @!p1 s12, $0x2  }
0x15: {  	s14 =	sand.u32 @!p1 $0x7, s10;
	s13 =	sadd.s32 @!p1 s3, s13;
	s12 =	sand.u32 @!p1 $0x4, s12  }
0x16: {  	[tilespmem:s12], [sflag:$0x2] =	stream.linear.gather @!p1 [hbm4b:s13+s14], $0x4, $0x38;
	[tilespmem:$0x13C08] =	vst v63  }
0x17: {  	p1 =	seq.s32 s9, $0x0  }
0x18: {  	p2 =	seq.s32 @!p1 s9, $0x41  }
0x19: {  	p1 =	por p1, p2  }
.Ltmp2:
0x1a: {  	_ = 	snop;
	(pc) =	sbr.rel @p1 .LBB2_7-.Ltmp2, $1  }
0x1b: {  	_ =	sdelay $0x3  }
0x1c: {  	_ =	swait.ge [sflag:s5], $0x4  }
0x1d: {  	s12 =	sand.u32 $0x1, s9;
	[sflag:s5] =	ssyncset.done $0x0  }
0x1e: {  	s12 =	sshll.u32 s12, $0x2;
	[sflag:s5] =	ssyncadd.s32 $0xFFFFFFFC  }
0x1f: {  	v0 =	vld.msk [tilespmem:s12+$0x0 ss:$0x1], $0xf;
	_ =	sdelay $0x4  }
0x20: {  	vm1 =	vgt.s32 v0, $0x0  }
0x21: {  	v0 =	vnsel vm1, $0x0, v0  }
0x22: {  	v0 =	vmin.u32 v0, $0x270F  }
0x23: {  	v1 =	vshrl.u32 v0, $0x3  }
0x24: {  	v0 =	vshll.u32 v0, $0x7;
	v1 =	vmul.u32 $0x13C00, v1  }
0x25: {  	s12 =	simm.s32 $0x1;
	v0 =	vand.u32 $0x380, v0  }
0x26: {  	s12 =	simm.s32 @!p0 $0x0;
	v0 =	vor.u32 v0, v1  }
0x27: {  	s12 =	smul.u32 $0x27800, s12;
	v0 =	vshrl.u32 v0, $0x3;
	_ =	sdelay $0x1  }
0x28: {  	s12 =	sshrl.u32 s12, $0x2  }
0x29: {  	s12 =	sor.u32 $0x8, s12  }
0x2a: {  	s13 =	simm.s32 $0x800;
	s14 =	sadd.s32 $0x0, s12  }
.LBB2_3:
0x2b: {  	[tilespmem:s14], [sflag:$0x1] =	stream.indirect_vreg.gather [hbm:s2], $0x80, v0, vm0, $0x38;
	[tilespmem:$0x13C08] =	vst v63  }
0x2c: {  	v0 =	vadd.s32 $0x80, v0;
	s14 =	smov.u32 s13;
	p1 =	sne.s32 s13, $0x27000  }
.Ltmp3:
0x2d: {  	s13 =	sadd.s32 $0x800, s13;
	(pc) =	sbr.rel @p1 .LBB2_3-.Ltmp3, $3  }
0x2e: {  	_ =	sdelay $0x1  }
0x2f: {  	s14 =	sshra.s32 s14, $0x2  }
0x30: {  	s14 =	sadd.s32 s14, s12  }
0x31: {  	_ =	sdelay $0x3  }
0x32: {  	[tilespmem:s14], [sflag:$0x1] =	stream.indirect_vreg.gather [hbm:s2], $0x80, v0, vm0, $0x38;
	[tilespmem:$0x13C08] =	vst v63  }
0x33: {  	s13 =	sshrl.u32 s11, $0x3  }
0x34: {  	s13 =	smul.u32 $0x2780, s13  }
0x35: {  	s31 =	sshll.u32 s11, $0x4  }
0x36: {  	_ =	swait.ge [sflag:s4], $0x9E00;
	s11 =	sand.u32 $0x70, s31;
	s13 =	sadd.s32 s13, s7  }
0x37: {  	s14 =	sadd.s32 $0x200, s12;
	[sflag:s4] =	ssyncset.done $0x0;
	s11 =	sadd.s32 s11, s13  }
0x38: {  	[sflag:s4] =	ssyncadd.s32 $0xFFFF6200;
	s13 =	simm.s32 $0x80;
	s15 =	sadd.s32 $0x0, s11  }
.LBB2_5:
0x39: {  	[hbm:s15] =	stream.linear.scatter [tilespmem:s12], [sflag:$0x3], $0x200, $0x38;
	[tilespmem:$0x13C08] =	vst v63  }
0x3a: {  	s15 =	smov.u32 s13;
	s12 =	smov.u32 s14;
	p1 =	sne.s32 s13, $0x2700  }
.Ltmp4:
0x3b: {  	s13 =	sadd.s32 $0x80, s13;
	(pc) =	sbr.rel @p1 .LBB2_5-.Ltmp4, $2  }
0x3c: {  	_ =	sdelay $0x2  }
0x3d: {  	s14 =	sadd.s32 $0x200, s14;
	s15 =	sadd.s32 s15, s11  }
.Ltmp5:
0x3e: {  	(pc) =	sbr.rel .LBB2_7-.Ltmp5, $2  }
0x3f: {  	_ =	sdelay $0x2  }
0x40: {  	[hbm:s15] =	stream.linear.scatter [tilespmem:s12], [sflag:$0x3], $0x200, $0x38;
	[tilespmem:$0x13C08] =	vst v63  }
.LBB2_8:
0x41: {  	_ =	sfence.sel $0x180000  }
0x42: {  	s2 =	simm.s32 $0x2;
	[bflag:$0x0] =	sbarrier.arrive $0xFFFF  }
0x43: {  	s30 =	simm.s32 $0x3;
	[sflag:s2] =	ssyncpa.u1 $0x1  }
0x44: {  	s31 =	simm.s32 $0x1;
	[sflag:s30] =	ssyncpa.u1 $0x1  }
0x45: {  	[sflag:s31] =	ssyncpa.u1 $0x1  }
0x46: {  	p0 =	sne.s32 s1, $0x0;
	_ =	strace $0x9000004D  }
0x47: {  	s0 =	sadd.s32 @!p0 $0x100000, s0;
	[bflag:$0x2] =	sbarrier.arrive $0xFFFF  }
0x48: {  	[sflag:s0] =	ssyncadd.tile.s32 @!p0 $0x1;
	_ =	shalt  }
.Lfunc_end2:
_tile_overlayer_lowered:
.L_overlay_start_2:
0x49: {  	(tag) =	ssettag $0x2  }
0x4a: {  	s0 =	rddreg [dreg:$0x0];
	s2 =	stileid.u32  }
0x4b: {  	s1 =	rddreg [dreg:$0x1];
	p0 =	sne.s32 s2, $0x0  }
0x4c: {  	s3 =	rddreg [dreg:$0x2];
	[bflag:$0x3] =	sbarrier.arrive $0xFFFF;
	s2 =	simm.s32 @!p0 $0x1C01  }
0x4d: {  	[timem:s3], [sflag:s2] =	dma.local @!p0 [hbm:s0], s1  }
0x4e: {  	s0 =	simm.s32 @!p0 $0x1  }
0x4f: {  	_ =	swait.ge @!p0 [sflag:s0], s1  }
0x50: {  	s1 =	ssub.s32 @!p0 $0x0, s1;
	[sflag:s0] =	ssyncset.done @!p0 $0x0  }
0x51: {  	[sflag:s0] =	ssyncadd.s32 @!p0 s1  }
0x52: {  	[bflag:$0x3] =	sbarrier.arrive $0xFFFF  }
0x53: {  	_ =	shalt  }

// kernel: kernel.11.cloned.1.call-start
scs
__scs_entry_jumppad:
0x0: {  	(pc) =	sbr.rel $0x88, $3  }
0x1: {  	(tag) =	ssettag $0x0;
	lr =	simm.s32 $0x1  }
0x2: {  	[smem:$0x3F7A] =	sst lr;
	_ =	strace $0xD0000000  }
0x3: {  	_ = 	snop  }
0x4: {  	_ = 	snop  }
0x5: {  	_ = 	snop  }
0x6: {  	_ = 	snop  }
0x7: {  	_ = 	snop  }
__scs_overlays_trampoline_lowered:
0x8: {  	[smem:$0x3F89] =	sst s0  }
0x9: {  	[smem:$0x3F8A] =	sst s1  }
0xa: {  	[smem:$0x3F8B] =	sst s2  }
0xb: {  	[smem:$0x3F8C] =	sst s3  }
0xc: {  	[smem:$0x3F8D] =	sst s4  }
0xd: {  	[smem:$0x3F8E] =	sst s5  }
0xe: {  	[smem:$0x3F8F] =	sst s6  }
0xf: {  	[smem:$0x3F90] =	sst s7  }
0x10: {  	[smem:$0x3F91] =	sst s8  }
0x11: {  	[smem:$0x3F92] =	sst s9;
	s0 =	simm.s32 @!p0 $0x0  }
0x12: {  	s1 =	sld [smem:$0x3F78];
	s0 =	simm.s32 @p0 $0x1  }
0x13: {  	[smem:$0x3F93] =	sst s0;
	s0 =	simm.s32 @!p1 $0x0  }
0x14: {  	s2 =	sld [smem:$0x3F77];
	s0 =	simm.s32 @p1 $0x1  }
0x15: {  	[smem:$0x3F94] =	sst s0;
	s0 =	simm.s32 @!p2 $0x0  }
0x16: {  	s3 =	sld [smem:$0x3FDB];
	s0 =	simm.s32 @p2 $0x1  }
0x17: {  	s4 =	simm.s32 $0x1BF5;
	[smem:$0x3F96] =	sst s0  }
0x18: {  	s0 =	sld [smem:$0x3F79];
	_ =	swait.ge [sflag:s4], $0x0  }
0x19: {  	s7 =	sld [smem:$0x3F7A]  }
0x1a: {  	s8 =	sadd.s32 $0xFFFFE003, lr  }
0x1b: {  	s9 =	sadd.s32 $0xFFFFFEF7, lr;
	s5 =	simm.s32 $0xFFFFFFFF;
	p2 =	slt.u32 s8, $0xFFFFF086  }
0x1c: {  	p1 =	slt.u32 s9, $0xF7A;
	s5 =	simm.s32 @!p2 $0x0  }
0x1d: {  	s5 =	simm.s32 @p1 $0x1;
	p0 =	seq.s32 s7, s2  }
0x1e: {  	s7 =	smul.u32 @!p0 $0xF7A, s2;
	p2 =	seq.s32 @!p0 s5, $0x0  }
0x1f: {  	s9 =	smul.u32 $0xF7A, s1;
	s8 =	simm.s32 @!p0 $0x1BF5;
	p2 =	por !p2, p0  }
0x20: {  	[sflag:s8] =	ssyncset.s32 @!p0 $0xFFFFF086;
	s6 =	sadd.s32 @!p0 s3, s7;
	s7 =	simm.s32 @!p0 $0x108  }
0x21: {  	s3 =	sadd.s32 s3, s9;
	s6 =	sadd.s32 @!p0 $0x88, s6;
	s7 =	simm.s32 @p2 $0x1082  }
0x22: {  	[simem:s7], [sflag:s8] =	dma.local @!p0 [hbm:s6], $0xF7A  }
0x23: {  	s9 =	sor.u32 $0xD0000000, s2;
	s6 =	simm.s32 $0x108;
	_ =	swait.ge @!p0 [sflag:s8], $0x0  }
0x24: {  	s3 =	sadd.s32 $0x88, s3;
	s6 =	simm.s32 @!p1 $0x1082;
	[sflag:s4] =	ssyncset.s32 $0xFFFFF086  }
0x25: {  	[simem:s6], [sflag:s4] =	dma.local [hbm:s3], $0xF7A  }
0x26: {  	[smem:$0x3F7A] =	sst s1;
	(tag) =	ssettag s2;
	_ =	strace s9  }
0x27: {  	s1 =	sld [smem:$0x3F8A]  }
0x28: {  	s2 =	sld [smem:$0x3F8B]  }
0x29: {  	s4 =	sld [smem:$0x3F8D]  }
0x2a: {  	p0 =	seq.s32 s5, $0x0;
	s5 =	sld [smem:$0x3F8E]  }
0x2b: {  	s6 =	sld [smem:$0x3F8F]  }
0x2c: {  	s7 =	sld [smem:$0x3F90]  }
0x2d: {  	s3 =	simm.s32 $0x108;
	s8 =	sld [smem:$0x3F91]  }
0x2e: {  	s3 =	simm.s32 @!p0 $0x1082;
	s9 =	sld [smem:$0x3F92]  }
0x2f: {  	lr =	sadd.s32 s0, s3;
	s0 =	sld [smem:$0x3F89]  }
0x30: {  	s3 =	sld [smem:$0x3F8C]  }
0x31: {  	[smem:$0x3F95] =	sst s10  }
0x32: {  	s10 =	sld [smem:$0x3F93];
	_ =	sdelay $0x3  }
0x33: {  	p0 =	seq.s32 s10, $0x1;
	s10 =	sld [smem:$0x3F95];
	_ =	sdelay $0x3  }
0x34: {  	[smem:$0x3F95] =	sst s10  }
0x35: {  	s10 =	sld [smem:$0x3F94];
	_ =	sdelay $0x3  }
0x36: {  	p1 =	seq.s32 s10, $0x1;
	s10 =	sld [smem:$0x3F95];
	_ =	sdelay $0x3  }
0x37: {  	[smem:$0x3F95] =	sst s10  }
0x38: {  	s10 =	sld [smem:$0x3F96]  }
0x39: {  	_ = 	snop;
	(pc) =	sbr.ind lr, $3  }
0x3a: {  	_ = 	snop  }
0x3b: {  	_ = 	snop  }
0x3c: {  	p2 =	seq.s32 s10, $0x1;
	s10 =	sld [smem:$0x3F95]  }
0x3d: {  	_ =	shalt  }
0x3e: {  	_ =	shalt  }
0x3f: {  	_ =	shalt  }
0x40: {  	_ =	shalt  }
0x41: {  	_ =	shalt  }
0x42: {  	_ =	shalt  }
0x43: {  	_ =	shalt  }
0x44: {  	_ =	shalt  }
0x45: {  	_ =	shalt  }
0x46: {  	_ =	shalt  }
0x47: {  	_ =	shalt  }
0x48: {  	_ =	shalt  }
0x49: {  	_ =	shalt  }
0x4a: {  	_ =	shalt  }
0x4b: {  	_ =	shalt  }
0x4c: {  	_ =	shalt  }
0x4d: {  	_ =	shalt  }
0x4e: {  	_ =	shalt  }
0x4f: {  	_ =	shalt  }
0x50: {  	_ =	shalt  }
0x51: {  	_ =	shalt  }
0x52: {  	_ =	shalt  }
0x53: {  	_ =	shalt  }
0x54: {  	_ =	shalt  }
0x55: {  	_ =	shalt  }
0x56: {  	_ =	shalt  }
0x57: {  	_ =	shalt  }
0x58: {  	_ =	shalt  }
0x59: {  	_ =	shalt  }
0x5a: {  	_ =	shalt  }
0x5b: {  	_ =	shalt  }
0x5c: {  	_ =	shalt  }
0x5d: {  	_ =	shalt  }
0x5e: {  	_ =	shalt  }
0x5f: {  	_ =	shalt  }
0x60: {  	_ =	shalt  }
0x61: {  	_ =	shalt  }
0x62: {  	_ =	shalt  }
0x63: {  	_ =	shalt  }
0x64: {  	_ =	shalt  }
0x65: {  	_ =	shalt  }
0x66: {  	_ =	shalt  }
0x67: {  	_ =	shalt  }
0x68: {  	_ =	shalt  }
0x69: {  	_ =	shalt  }
0x6a: {  	_ =	shalt  }
0x6b: {  	_ =	shalt  }
0x6c: {  	_ =	shalt  }
0x6d: {  	_ =	shalt  }
0x6e: {  	_ =	shalt  }
0x6f: {  	_ =	shalt  }
0x70: {  	_ =	shalt  }
0x71: {  	_ =	shalt  }
0x72: {  	_ =	shalt  }
0x73: {  	_ =	shalt  }
0x74: {  	_ =	shalt  }
0x75: {  	_ =	shalt  }
0x76: {  	_ =	shalt  }
0x77: {  	_ =	shalt  }
0x78: {  	_ =	shalt  }
0x79: {  	_ =	shalt  }
0x7a: {  	_ =	shalt  }
0x7b: {  	_ =	shalt  }
0x7c: {  	_ =	shalt  }
0x7d: {  	_ =	shalt  }
0x7e: {  	_ =	shalt  }
0x7f: {  	_ =	shalt  }
0x80: {  	_ =	shalt  }
0x81: {  	_ =	shalt  }
0x82: {  	_ =	shalt  }
0x83: {  	_ =	shalt  }
0x84: {  	_ =	shalt  }
0x85: {  	_ =	shalt  }
0x86: {  	_ =	shalt  }
0x87: {  	_ =	shalt  }
.Lfunc_end0:
.L_simem_size_0:
called_computation.5_lowered:
.L_overlay_start_0:
0x88: {  	s2 =	sld [smem:$0x3FD9]  }
0x89: {  	s3 =	sld [smem:$0x3FFE];
	_ =	sdelay $0x1  }
0x8a: {  	s1 =	srdreg.scid  }
0x8b: {  	s0 =	sand.u32 $0x1, s1  }
0x8c: {  	s16 =	sshll.u32 s0, $0xA;
	s2 =	sadd.s32 s3, s2  }
0x8d: {  	s2 =	sadd.s32 s2, s16  }
0x8e: {  	[smem:$0x3FA1] =	sst s2  }
0x8f: {  	_ = 	snop  }
0x90: {  	(tm) =	ssettm $0x1  }
0x91: {  	s17 =	sld [smem:$0x3FFB];
	_ =	sdelay $0x3  }
0x92: {  	_ =	strace s17  }
0x93: {  	s2 =	sld [smem:$0x3FFC];
	_ =	sdelay $0x3  }
0x94: {  	_ =	strace s2  }
0x95: {  	s2 =	sld [smem:$0x3FFD];
	_ =	sdelay $0x3  }
0x96: {  	_ =	strace s2  }
0x97: {  	_ =	strace $0x8FFFFFFF  }
0x98: {  	s18 =	sld [smem:$0x3FDB];
	_ =	sdelay $0x1  }
0x99: {  	s19 =	simm.s32 $_scs_section_size  }
0x9a: {  	s4 =	simm.s32 $_size__tile_overlayer_lowered;
	s5 =	simm.s32 $_tile_overlayer_lowered  }
0x9b: {  	s22 =	simm.s32 $0x1BFF;
	s21 =	sshll.u32 s5, $0x1;
	s2 =	sadd.s32 s19, s18  }
0x9c: {  	s6 =	simm.s32 $0x0;
	s20 =	sshll.u32 s4, $0x1;
	s4 =	sadd.s32 s21, s2  }
0x9d: {  	[timem:s6], [sflag:s22] =	dma.local [hbm:s4], s20  }
0x9e: {  	_ =	swait.ge [sflag:s22], s20  }
0x9f: {  	s3 =	ssub.s32 $0x0, s20;
	[sflag:s22] =	ssyncset.done $0x0  }
0xa0: {  	[sflag:s22] =	ssyncadd.s32 s3;
	_ =	sdelay $0x1  }
0xa1: {  	s23 =	simm.s32 $0x1B8B  }
0xa2: {  	_ =	swait.ge [sflag:s23], $0x1  }
0xa3: {  	[sflag:s23] =	ssyncset.done $0x0  }
0xa4: {  	s25 =	simm.s32 $0x1B8E;
	s24 =	sld [smem:$0x3FFE];
	[sflag:s23] =	ssyncadd.s32 $0xFFFFFFFF  }
0xa5: {  	s26 =	simm.s32 $execute0_lowered;
	[smem:$0x3FD2] =	sst s25  }
0xa6: {  	s4 =	sshll.u32 s26, $0x1;
	_ =	strace $0x80000049;
	[dreg:$0x1] =	wrdreg $0xFFFFFFFF  }
0xa7: {  	s28 =	simm.s32 $_size_execute0_lowered;
	s2 =	sadd.s32 s2, s4;
	[dreg:$0x0] =	wrdreg $0x0  }
0xa8: {  	s4 =	sshll.u32 s28, $0x1;
	[dreg:$0x2] =	wrdreg s2  }
0xa9: {  	[dreg:$0x3] =	wrdreg s4  }
0xaa: {  	[dreg:$0x4] =	wrdreg $0xC0  }
0xab: {  	_ =	task [dreg:s6], $0x5FFFF  }
0xac: {  	[dreg:$0x1] =	wrdreg $0xFFFFFFFF  }
0xad: {  	[dreg:$0x0] =	wrdreg $0x60  }
0xae: {  	[dreg:$0x2] =	wrdreg s24  }
0xaf: {  	[dreg:$0x3] =	wrdreg $0x51000  }
0xb0: {  	[dreg:$0x4] =	wrdreg $0xB  }
0xb1: {  	_ =	task.clear_ibuf [dreg:s6], $0x5FFFF;
	_ =	strace $0x90000049  }
0xb2: {  	s29 =	simm.s32 $0xB;
	_ =	strace $0x8000004B  }
0xb3: {  	_ =	swait.ge [sflag:s29], $0x1  }
0xb4: {  	[sflag:s29] =	ssyncadd.s32 $0xFFFFFFFF  }
0xb5: {  	_ =	strace $0x9000004B  }
0xb6: {  	_ =	sfence  }
0xb7: {  	s30 =	sld [smem:$0x0];
	_ =	sdelay $0x2  }
0xb8: {  	s31 =	sshll.u32 s1, $0xD;
	s1 =	sshrl.u32 s1, $0x2  }
0xb9: {  	s3 =	sand.u32 $0x4000, s31;
	s1 =	sadd.s32 s1, s30  }
0xba: {  	s0 =	sor.u32 s3, s0;
	s1 =	sshll.u32 s1, $0x11  }
0xbb: {  	s0 =	sor.u32 s1, s0  }
0xbc: {  	s0 =	sadd.s32 $0x8F2B, s0  }
0xbd: {  	[sflag:s0] =	ssyncadd.remote.s32 $0x1  }
0xbe: {  	_ =	sfence.sel $0xFFFF  }
0xbf: {  	[dreg:$0x0] =	wrdreg $0xFFFFFFFF;
	(pc) =	sbr.abs _section_cstart, $3  }
0xc0: {  	[dreg:$0x1] =	wrdreg $0xFFFFFFFF  }
0xc1: {  	_ =	task.clear_ibuf [dreg:s6], $0x2FFFF;
	_ =	strace $0x9FFFFFFF  }
0xc2: {  	(tm) =	ssettm $0x7FFFFFFF  }
0xc3: {  	_ =	shalt  }
tec
execute0_lowered:
.L_overlay_start_1:
0x0: {  	(tag) =	ssettag $0x1  }
0x1: {  	s8 =	rddreg [dreg:$0x0]  }
0x2: {  	s2 =	rddreg [dreg:$0x1]  }
0x3: {  	s0 =	rddreg [dreg:$0x2];
	s3 =	simm.s32 $0x0;
	s1 =	stileid.u32  }
0x4: {  	s4 =	srdreg.scid;
	s16 =	simm.s32 $0x100;
	s17 =	simm.s32 $0x50  }
0x5: {  	s18 =	simm.s32 $0x2900;
	s23 =	simm.s32 $0x0;
	[smem:$0x7FF] =	sst s3  }
0x6: {  	s9 =	smul.u32 $0x14000, s1;
	s10 =	sand.u32 $0x1, s4;
	s4 =	sadd.s32 $0x7D200, s8  }
0x7: {  	s5 =	sadd.s32 $0x7000, s8;
	s6 =	sadd.s32 $0x10E00, s8;
	s7 =	sadd.s32 $0xA4400, s8  }
0x8: {  	s13 =	smul.u32 $0x50000, s1;
	s31 =	sshll.u32 s1, $0x6;
	_ =	strace $0x8000004A  }
0x9: {  	s11 =	smul.u32 $0x140000, s10;
	s29 =	ssub.s32 $0x2, s10;
	s10 =	sshll.u32 s10, $0x4  }
0xa: {  	s12 =	sshrl.u32 s9, $0x3;
	s14 =	sshrl.u32 s29, $0x1;
	s30 =	sshrl.u32 s13, $0x2  }
0xb: {  	s10 =	sor.u32 s1, s10;
	s9 =	sadd.s32 s9, s11;
	s12 =	sadd.s32 s12, s8  }
0xc: {  	s14 =	ssub.s32 s29, s14;
	s13 =	sadd.s32 s30, s2;
	s9 =	sshrl.u32 s9, $0x3  }
0xd: {  	s10 =	smul.u32 $0x2710, s10;
	s13 =	sshrl.u32 s13, $0x3;
	s15 =	sadd.s32 s9, s8  }
0xe: {  	s8 =	sadd.s32 $0x586400, s12;
	s9 =	sor.u32 $0x1C01, s31;
	s12 =	smax.u32 s14, $0x1  }
0xf: {  	s14 =	simm.s32 $0x1;
	s11 =	sadd.s32 $0x5AE400, s15;
	s15 =	simm.s32 $0x80  }
.LBB2_1:
0x10: {  	[spmem:s13], [sflag:s9] =	dma.local [hbm:s8], $0x2800  }
0x11: {  	_ =	swait.ge [sflag:s14], $0x2800  }
0x12: {  	[sflag:s14] =	ssyncset.done $0x0  }
0x13: {  	[sflag:s14] =	ssyncadd.s32 $0xFFFFD800  }
0x14: {  	s19 =	simm.s32 $0x0;
	[bflag:$0x0] =	sbarrier.arrive $0xFFFF  }
.LBB2_2:
0x15: {  	s20 =	smul.u32 $0x50, s19;
	_ =	sdelay $0x1  }
0x16: {  	s20 =	sadd.s32 s10, s20  }
0x17: {  	s21 =	sshrl.u32 s20, $0x3  }
0x18: {  	s22 =	sadd.s32 s5, s21  }
0x19: {  	[tilespmem:s23], [sflag:$0x1] =	stream.linear.gather [hbm4b:s22+s23], $0x50, $0x38;
	[tilespmem:$0x19100] =	vst v63  }
0x1a: {  	_ =	swait.ge [sflag:s14], $0x50  }
0x1b: {  	[sflag:s14] =	ssyncset.done $0x0  }
0x1c: {  	s21 =	sadd.s32 s6, s21;
	[sflag:s14] =	ssyncadd.s32 $0xFFFFFFB0  }
0x1d: {  	[tilespmem:s15], [sflag:$0x1] =	stream.linear.gather [hbm4b:s21+s23], $0x50, $0x38;
	[tilespmem:$0x19100] =	vst v63  }
0x1e: {  	_ =	swait.ge [sflag:s14], $0x50  }
0x1f: {  	s20 =	sshll.u32 s20, $0x4;
	[sflag:s14] =	ssyncset.done $0x0  }
0x20: {  	s20 =	sadd.s32 s7, s20;
	[sflag:s14] =	ssyncadd.s32 $0xFFFFFFB0  }
0x21: {  	[tilespmem:s16], [sflag:$0x1] =	stream.linear.gather [hbm4b:s20+s23], $0x2800, $0x38;
	[tilespmem:$0x19100] =	vst v63  }
0x22: {  	_ =	swait.ge [sflag:s14], $0x2800  }
0x23: {  	[sflag:s14] =	ssyncset.done $0x0  }
0x24: {  	[sflag:s14] =	ssyncadd.s32 $0xFFFFD800  }
0x25: {  	[tilespmem:s18], [sflag:$0x1] =	stream.indirect.gather [hbm4b:s4+s17], $0x80, s23, s17, $0xb8;
	[tilespmem:$0x19100] =	vst v63  }
0x26: {  	_ =	swait.ge [sflag:s14], $0x2800  }
0x27: {  	[sflag:s14] =	ssyncset.done $0x0  }
0x28: {  	s20 =	simm.s32 $0x0;
	[sflag:s14] =	ssyncadd.s32 $0xFFFFD800  }
0x29: {  	v0 =	vld [tilespmem:s20+$0x100]  }
0x2a: {  	v4 =	vld [tilespmem:s20+$0x2900]  }
0x2b: {  	v6 =	vld [tilespmem:s20+$0x2910]  }
0x2c: {  	v5 =	vld [tilespmem:s20+$0x2920]  }
0x2d: {  	v3 =	vld [tilespmem:s20+$0x2930]  }
0x2e: {  	v1 =	vld [tilespmem:s20+$0x2940]  }
0x2f: {  	v2 =	vld [tilespmem:s20+$0x2950];
	v7 =	vmul.f32 v4, v0  }
0x30: {  	s21 =	simm.s32 $0x200;
	v6 =	vmul.f32 v6, v0;
	v4 =	vld [tilespmem:s20+$0x2960]  }
.LBB2_3:
0x31: {  	s22 =	sshra.s32 s21, $0x2;
	p0 =	sne.s32 s21, $0x9E00;
	[tilespmem:s20+$0x2900] =	vst v7;
	v5 =	vmul.f32 v5, v0;
	v7 =	vld [tilespmem:s20+$0x2970]  }
0x32: {  	v8 =	vld [tilespmem:s22+$0x100];
	[tilespmem:s20+$0x2910] =	vst v6;
	v3 =	vmul.f32 v3, v0  }
0x33: {  	v6 =	vld [tilespmem:s22+$0x2900];
	[tilespmem:s20+$0x2920] =	vst v5;
	v1 =	vmul.f32 v1, v0  }
0x34: {  	v9 =	vld [tilespmem:s22+$0x2910];
	[tilespmem:s20+$0x2930] =	vst v3;
	v2 =	vmul.f32 v2, v0  }
.Ltmp0:
0x35: {  	v5 =	vld [tilespmem:s22+$0x2920];
	[tilespmem:s20+$0x2940] =	vst v1;
	v4 =	vmul.f32 v4, v0;
	(pc) =	sbr.rel @p0 .LBB2_3-.Ltmp0, $4  }
0x36: {  	v3 =	vld [tilespmem:s22+$0x2930];
	[tilespmem:s20+$0x2950] =	vst v2;
	v10 =	vmul.f32 v7, v0  }
0x37: {  	v1 =	vld [tilespmem:s22+$0x2940];
	[tilespmem:s20+$0x2960] =	vst v4;
	v0 =	vmov v8  }
0x38: {  	v7 =	vmul.f32 v6, v0;
	v2 =	vld [tilespmem:s22+$0x2950];
	[tilespmem:s20+$0x2970] =	vst v10;
	s20 =	smov.u32 s22  }
0x39: {  	s21 =	sadd.s32 $0x200, s21;
	v6 =	vmul.f32 v9, v0;
	v4 =	vld [tilespmem:s20+$0x2960]  }
0x3a: {  	[tilespmem:s20+$0x2900] =	vst v7;
	v5 =	vmul.f32 v5, v0;
	v61 =	vld [tilespmem:s20+$0x2970]  }
0x3b: {  	[tilespmem:s20+$0x2910] =	vst v6;
	v3 =	vmul.f32 v3, v0  }
0x3c: {  	[tilespmem:s20+$0x2920] =	vst v5;
	v1 =	vmul.f32 v1, v0  }
0x3d: {  	[tilespmem:s20+$0x2930] =	vst v3;
	v2 =	vmul.f32 v2, v0  }
0x3e: {  	[tilespmem:s20+$0x2940] =	vst v1;
	v62 =	vmul.f32 v4, v0  }
0x3f: {  	s19 =	sadd.s32 $0x1, s19;
	[tilespmem:s20+$0x2950] =	vst v2;
	v63 =	vmul.f32 v61, v0  }
0x40: {  	p0 =	sne.s32 s19, $0x7D;
	[tilespmem:s20+$0x2960] =	vst v62  }
.Ltmp1:
0x41: {  	[tilespmem:s20+$0x2970] =	vst v63;
	(pc) =	sbr.rel @p0 .LBB2_2-.Ltmp1, $4  }
0x42: {  	[spmem:s2] =	stream.indirect.scatter.add.f32 [tilespmem:s18], [sflag:$0x1], $0x80, s15, s17, $0xb8;
	[tilespmem:$0x19100] =	vst v63  }
0x43: {  	_ =	swait.ge [sflag:s14], $0x2800  }
0x44: {  	[sflag:s14] =	ssyncset.done $0x0  }
0x45: {  	[sflag:s14] =	ssyncadd.s32 $0xFFFFD800  }
0x46: {  	s3 =	sadd.s32 $0x1, s3  }
0x47: {  	p0 =	sne.s32 s3, s12  }
.Ltmp2:
0x48: {  	[bflag:$0x0] =	sbarrier.arrive $0xFFFF;
	(pc) =	sbr.rel @p0 .LBB2_1-.Ltmp2, $4  }
0x49: {  	[hbm:s11], [sflag:s9] =	dma.local [spmem:s13], $0x2800  }
0x4a: {  	_ =	swait.ge [sflag:s14], $0x2800  }
0x4b: {  	[sflag:s14] =	ssyncset.done $0x0  }
0x4c: {  	[sflag:s14] =	ssyncadd.s32 $0xFFFFD800  }
0x4d: {  	_ =	sfence.sel $0x180000  }
0x4e: {  	[bflag:$0x0] =	sbarrier.arrive $0xFFFF  }
0x4f: {  	p0 =	sne.s32 s1, $0x0;
	_ =	strace $0x9000004A  }
0x50: {  	s0 =	sadd.s32 @!p0 $0x100000, s0;
	[bflag:$0x2] =	sbarrier.arrive $0xFFFF  }
0x51: {  	[sflag:s0] =	ssyncadd.tile.s32 @!p0 $0x1;
	_ =	shalt  }
.Lfunc_end2:
_tile_overlayer_lowered:
.L_overlay_start_2:
0x52: {  	(tag) =	ssettag $0x2  }
0x53: {  	s0 =	rddreg [dreg:$0x0];
	s2 =	stileid.u32  }
0x54: {  	s1 =	rddreg [dreg:$0x1];
	p0 =	sne.s32 s2, $0x0  }
0x55: {  	s3 =	rddreg [dreg:$0x2];
	[bflag:$0x3] =	sbarrier.arrive $0xFFFF;
	s2 =	simm.s32 @!p0 $0x1C01  }
0x56: {  	[timem:s3], [sflag:s2] =	dma.local @!p0 [hbm:s0], s1  }
0x57: {  	s0 =	simm.s32 @!p0 $0x1  }
0x58: {  	_ =	swait.ge @!p0 [sflag:s0], s1  }
0x59: {  	s1 =	ssub.s32 @!p0 $0x0, s1;
	[sflag:s0] =	ssyncset.done @!p0 $0x0  }
0x5a: {  	[sflag:s0] =	ssyncadd.s32 @!p0 s1  }
0x5b: {  	[bflag:$0x3] =	sbarrier.arrive $0xFFFF  }
0x5c: {  	_ =	shalt  }

// kernel: scatter_offload_async_start
scs
__scs_entry_jumppad:
0x0: {  	(pc) =	sbr.rel $0x88, $3  }
0x1: {  	(tag) =	ssettag $0x0;
	lr =	simm.s32 $0x1  }
0x2: {  	[smem:$0x3F7A] =	sst lr;
	_ =	strace $0xD0000000  }
0x3: {  	_ = 	snop  }
0x4: {  	_ = 	snop  }
0x5: {  	_ = 	snop  }
0x6: {  	_ = 	snop  }
0x7: {  	_ = 	snop  }
__scs_overlays_trampoline_lowered:
0x8: {  	[smem:$0x3F89] =	sst s0  }
0x9: {  	[smem:$0x3F8A] =	sst s1  }
0xa: {  	[smem:$0x3F8B] =	sst s2  }
0xb: {  	[smem:$0x3F8C] =	sst s3  }
0xc: {  	[smem:$0x3F8D] =	sst s4  }
0xd: {  	[smem:$0x3F8E] =	sst s5  }
0xe: {  	[smem:$0x3F8F] =	sst s6  }
0xf: {  	[smem:$0x3F90] =	sst s7  }
0x10: {  	[smem:$0x3F91] =	sst s8  }
0x11: {  	[smem:$0x3F92] =	sst s9;
	s0 =	simm.s32 @!p0 $0x0  }
0x12: {  	s1 =	sld [smem:$0x3F78];
	s0 =	simm.s32 @p0 $0x1  }
0x13: {  	[smem:$0x3F93] =	sst s0;
	s0 =	simm.s32 @!p1 $0x0  }
0x14: {  	s2 =	sld [smem:$0x3F77];
	s0 =	simm.s32 @p1 $0x1  }
0x15: {  	[smem:$0x3F94] =	sst s0;
	s0 =	simm.s32 @!p2 $0x0  }
0x16: {  	s3 =	sld [smem:$0x3FDB];
	s0 =	simm.s32 @p2 $0x1  }
0x17: {  	s4 =	simm.s32 $0x1BF5;
	[smem:$0x3F96] =	sst s0  }
0x18: {  	s0 =	sld [smem:$0x3F79];
	_ =	swait.ge [sflag:s4], $0x0  }
0x19: {  	s7 =	sld [smem:$0x3F7A]  }
0x1a: {  	s8 =	sadd.s32 $0xFFFFE003, lr  }
0x1b: {  	s9 =	sadd.s32 $0xFFFFFEF7, lr;
	s5 =	simm.s32 $0xFFFFFFFF;
	p2 =	slt.u32 s8, $0xFFFFF086  }
0x1c: {  	p1 =	slt.u32 s9, $0xF7A;
	s5 =	simm.s32 @!p2 $0x0  }
0x1d: {  	s5 =	simm.s32 @p1 $0x1;
	p0 =	seq.s32 s7, s2  }
0x1e: {  	s7 =	smul.u32 @!p0 $0xF7A, s2;
	p2 =	seq.s32 @!p0 s5, $0x0  }
0x1f: {  	s9 =	smul.u32 $0xF7A, s1;
	s8 =	simm.s32 @!p0 $0x1BF5;
	p2 =	por !p2, p0  }
0x20: {  	[sflag:s8] =	ssyncset.s32 @!p0 $0xFFFFF086;
	s6 =	sadd.s32 @!p0 s3, s7;
	s7 =	simm.s32 @!p0 $0x108  }
0x21: {  	s3 =	sadd.s32 s3, s9;
	s6 =	sadd.s32 @!p0 $0x88, s6;
	s7 =	simm.s32 @p2 $0x1082  }
0x22: {  	[simem:s7], [sflag:s8] =	dma.local @!p0 [hbm:s6], $0xF7A  }
0x23: {  	s9 =	sor.u32 $0xD0000000, s2;
	s6 =	simm.s32 $0x108;
	_ =	swait.ge @!p0 [sflag:s8], $0x0  }
0x24: {  	s3 =	sadd.s32 $0x88, s3;
	s6 =	simm.s32 @!p1 $0x1082;
	[sflag:s4] =	ssyncset.s32 $0xFFFFF086  }
0x25: {  	[simem:s6], [sflag:s4] =	dma.local [hbm:s3], $0xF7A  }
0x26: {  	[smem:$0x3F7A] =	sst s1;
	(tag) =	ssettag s2;
	_ =	strace s9  }
0x27: {  	s1 =	sld [smem:$0x3F8A]  }
0x28: {  	s2 =	sld [smem:$0x3F8B]  }
0x29: {  	s4 =	sld [smem:$0x3F8D]  }
0x2a: {  	p0 =	seq.s32 s5, $0x0;
	s5 =	sld [smem:$0x3F8E]  }
0x2b: {  	s6 =	sld [smem:$0x3F8F]  }
0x2c: {  	s7 =	sld [smem:$0x3F90]  }
0x2d: {  	s3 =	simm.s32 $0x108;
	s8 =	sld [smem:$0x3F91]  }
0x2e: {  	s3 =	simm.s32 @!p0 $0x1082;
	s9 =	sld [smem:$0x3F92]  }
0x2f: {  	lr =	sadd.s32 s0, s3;
	s0 =	sld [smem:$0x3F89]  }
0x30: {  	s3 =	sld [smem:$0x3F8C]  }
0x31: {  	[smem:$0x3F95] =	sst s10  }
0x32: {  	s10 =	sld [smem:$0x3F93];
	_ =	sdelay $0x3  }
0x33: {  	p0 =	seq.s32 s10, $0x1;
	s10 =	sld [smem:$0x3F95];
	_ =	sdelay $0x3  }
0x34: {  	[smem:$0x3F95] =	sst s10  }
0x35: {  	s10 =	sld [smem:$0x3F94];
	_ =	sdelay $0x3  }
0x36: {  	p1 =	seq.s32 s10, $0x1;
	s10 =	sld [smem:$0x3F95];
	_ =	sdelay $0x3  }
0x37: {  	[smem:$0x3F95] =	sst s10  }
0x38: {  	s10 =	sld [smem:$0x3F96]  }
0x39: {  	_ = 	snop;
	(pc) =	sbr.ind lr, $3  }
0x3a: {  	_ = 	snop  }
0x3b: {  	_ = 	snop  }
0x3c: {  	p2 =	seq.s32 s10, $0x1;
	s10 =	sld [smem:$0x3F95]  }
0x3d: {  	_ =	shalt  }
0x3e: {  	_ =	shalt  }
0x3f: {  	_ =	shalt  }
0x40: {  	_ =	shalt  }
0x41: {  	_ =	shalt  }
0x42: {  	_ =	shalt  }
0x43: {  	_ =	shalt  }
0x44: {  	_ =	shalt  }
0x45: {  	_ =	shalt  }
0x46: {  	_ =	shalt  }
0x47: {  	_ =	shalt  }
0x48: {  	_ =	shalt  }
0x49: {  	_ =	shalt  }
0x4a: {  	_ =	shalt  }
0x4b: {  	_ =	shalt  }
0x4c: {  	_ =	shalt  }
0x4d: {  	_ =	shalt  }
0x4e: {  	_ =	shalt  }
0x4f: {  	_ =	shalt  }
0x50: {  	_ =	shalt  }
0x51: {  	_ =	shalt  }
0x52: {  	_ =	shalt  }
0x53: {  	_ =	shalt  }
0x54: {  	_ =	shalt  }
0x55: {  	_ =	shalt  }
0x56: {  	_ =	shalt  }
0x57: {  	_ =	shalt  }
0x58: {  	_ =	shalt  }
0x59: {  	_ =	shalt  }
0x5a: {  	_ =	shalt  }
0x5b: {  	_ =	shalt  }
0x5c: {  	_ =	shalt  }
0x5d: {  	_ =	shalt  }
0x5e: {  	_ =	shalt  }
0x5f: {  	_ =	shalt  }
0x60: {  	_ =	shalt  }
0x61: {  	_ =	shalt  }
0x62: {  	_ =	shalt  }
0x63: {  	_ =	shalt  }
0x64: {  	_ =	shalt  }
0x65: {  	_ =	shalt  }
0x66: {  	_ =	shalt  }
0x67: {  	_ =	shalt  }
0x68: {  	_ =	shalt  }
0x69: {  	_ =	shalt  }
0x6a: {  	_ =	shalt  }
0x6b: {  	_ =	shalt  }
0x6c: {  	_ =	shalt  }
0x6d: {  	_ =	shalt  }
0x6e: {  	_ =	shalt  }
0x6f: {  	_ =	shalt  }
0x70: {  	_ =	shalt  }
0x71: {  	_ =	shalt  }
0x72: {  	_ =	shalt  }
0x73: {  	_ =	shalt  }
0x74: {  	_ =	shalt  }
0x75: {  	_ =	shalt  }
0x76: {  	_ =	shalt  }
0x77: {  	_ =	shalt  }
0x78: {  	_ =	shalt  }
0x79: {  	_ =	shalt  }
0x7a: {  	_ =	shalt  }
0x7b: {  	_ =	shalt  }
0x7c: {  	_ =	shalt  }
0x7d: {  	_ =	shalt  }
0x7e: {  	_ =	shalt  }
0x7f: {  	_ =	shalt  }
0x80: {  	_ =	shalt  }
0x81: {  	_ =	shalt  }
0x82: {  	_ =	shalt  }
0x83: {  	_ =	shalt  }
0x84: {  	_ =	shalt  }
0x85: {  	_ =	shalt  }
0x86: {  	_ =	shalt  }
0x87: {  	_ =	shalt  }
.Lfunc_end0:
.L_simem_size_0:
called_computation_lowered:
.L_overlay_start_0:
0x88: {  	s0 =	sld [smem:$0x3FD9]  }
0x89: {  	s1 =	sld [smem:$0x3FFE];
	_ =	sdelay $0x3  }
0x8a: {  	s0 =	sadd.s32 s1, s0  }
0x8b: {  	[smem:$0x3FA1] =	sst s0  }
0x8c: {  	_ = 	snop  }
0x8d: {  	(tm) =	ssettm $0x1  }
0x8e: {  	s15 =	sld [smem:$0x3FFB];
	_ =	sdelay $0x3  }
0x8f: {  	_ =	strace s15  }
0x90: {  	s0 =	sld [smem:$0x3FFC];
	_ =	sdelay $0x3  }
0x91: {  	_ =	strace s0  }
0x92: {  	s0 =	sld [smem:$0x3FFD];
	_ =	sdelay $0x3  }
0x93: {  	_ =	strace s0  }
0x94: {  	_ =	strace $0x8FFFFFFF  }
0x95: {  	s16 =	sld [smem:$0x3FDB];
	_ =	sdelay $0x1  }
0x96: {  	s17 =	simm.s32 $_scs_section_size  }
0x97: {  	s2 =	simm.s32 $_size__tile_overlayer_lowered;
	s3 =	simm.s32 $_tile_overlayer_lowered  }
0x98: {  	s20 =	simm.s32 $0x1BFF;
	s19 =	sshll.u32 s3, $0x1;
	s0 =	sadd.s32 s17, s16  }
0x99: {  	s4 =	simm.s32 $0x0;
	s18 =	sshll.u32 s2, $0x1;
	s2 =	sadd.s32 s19, s0  }
0x9a: {  	[timem:s4], [sflag:s20] =	dma.local [hbm:s2], s18  }
0x9b: {  	_ =	swait.ge [sflag:s20], s18  }
0x9c: {  	s1 =	ssub.s32 $0x0, s18;
	[sflag:s20] =	ssyncset.done $0x0  }
0x9d: {  	[sflag:s20] =	ssyncadd.s32 s1;
	_ =	sdelay $0x1  }
0x9e: {  	s21 =	simm.s32 $0x1B8B  }
0x9f: {  	_ =	swait.ge [sflag:s21], $0x1  }
0xa0: {  	[sflag:s21] =	ssyncset.done $0x0  }
0xa1: {  	s23 =	simm.s32 $0x1B8E;
	s22 =	sld [smem:$0x3FFE];
	[sflag:s21] =	ssyncadd.s32 $0xFFFFFFFF  }
0xa2: {  	s24 =	simm.s32 $execute0_lowered;
	[smem:$0x3FD2] =	sst s23  }
0xa3: {  	s2 =	sshll.u32 s24, $0x1;
	_ =	strace $0x80000046;
	[dreg:$0x1] =	wrdreg $0xFFFFFFFF  }
0xa4: {  	s25 =	simm.s32 $_size_execute0_lowered;
	s0 =	sadd.s32 s0, s2;
	[dreg:$0x0] =	wrdreg $0x0  }
0xa5: {  	s2 =	sshll.u32 s25, $0x1;
	[dreg:$0x2] =	wrdreg s0  }
0xa6: {  	[dreg:$0x3] =	wrdreg s2  }
0xa7: {  	[dreg:$0x4] =	wrdreg $0xC0  }
0xa8: {  	_ =	task [dreg:s4], $0x5FFFF  }
0xa9: {  	[dreg:$0x1] =	wrdreg $0xFFFFFFFF  }
0xaa: {  	[dreg:$0x0] =	wrdreg $0x60  }
0xab: {  	[dreg:$0x2] =	wrdreg s22  }
0xac: {  	[dreg:$0x3] =	wrdreg $0x9  }
0xad: {  	_ =	task.clear_ibuf [dreg:s4], $0x4FFFF;
	_ =	strace $0x90000046  }
0xae: {  	s26 =	simm.s32 $0x9;
	_ =	strace $0x80000048  }
0xaf: {  	_ =	swait.ge [sflag:s26], $0x1  }
0xb0: {  	[sflag:s26] =	ssyncadd.s32 $0xFFFFFFFF  }
0xb1: {  	_ =	strace $0x90000048  }
0xb2: {  	_ =	sfence  }
0xb3: {  	s28 =	sld [smem:$0x0];
	_ =	sdelay $0x1  }
0xb4: {  	s29 =	srdreg.scid  }
0xb5: {  	s30 =	sshll.u32 s29, $0xD;
	s31 =	sshrl.u32 s29, $0x2  }
0xb6: {  	s1 =	sand.u32 $0x1, s29;
	s2 =	sand.u32 $0x4000, s30;
	s0 =	sadd.s32 s31, s28  }
0xb7: {  	s1 =	sor.u32 s2, s1;
	s0 =	sshll.u32 s0, $0x11  }
0xb8: {  	s0 =	sor.u32 s0, s1  }
0xb9: {  	s0 =	sadd.s32 $0x8F2B, s0  }
0xba: {  	[sflag:s0] =	ssyncadd.remote.s32 $0x1  }
0xbb: {  	_ =	sfence.sel $0xFFFF  }
0xbc: {  	[dreg:$0x0] =	wrdreg $0xFFFFFFFF;
	(pc) =	sbr.abs _section_cstart, $3  }
0xbd: {  	[dreg:$0x1] =	wrdreg $0xFFFFFFFF  }
0xbe: {  	_ =	task.clear_ibuf [dreg:s4], $0x2FFFF;
	_ =	strace $0x9FFFFFFF  }
0xbf: {  	(tm) =	ssettm $0x7FFFFFFF  }
tec
execute0_lowered:
.L_overlay_start_1:
0x0: {  	(tag) =	ssettag $0x1  }
0x1: {  	s0 =	rddreg [dreg:$0x0];
	_ =	strace $0x80000047;
	s15 =	stileid.u32  }
0x2: {  	s2 =	simm.s32 $0x1;
	s1 =	smin.u32 s15, $0x8;
	s3 =	sshll.u32 s15, $0x1  }
0x3: {  	v1 =	vimm.s32 $0xFFFFFFFF;
	[sflag:s2] =	ssyncpa.u1 $0x0;
	s1 =	sadd.s32 s1, s3  }
0x4: {  	p0 =	slt.u32 s15, $0x8;
	[tilespmem:$0x10] =	vst v1;
	s4 =	smul.u32 $0x1F40, s1;
	s1 =	simm.s32 $0x5DC0  }
0x5: {  	v0 =	vimm.f32 $0.0e+00;
	[tilespmem:$0x20] =	vst v1;
	s1 =	simm.s32 @!p0 $0x3E80  }
0x6: {  	[tilespmem:$0x30] =	vst v0;
	s1 =	sadd.s32 s1, s4  }
0x7: {  	[tilespmem:$0x40] =	vst v0;
	s5 =	smin.u32 s1, $0x4E200  }
0x8: {  	s7 =	simm.s32 $0x2;
	s8 =	simm.s32 $0x8;
	[tilespmem:$0x50] =	vst v0;
	s9 =	ssub.s32 s5, s4  }
0x9: {  	s31 =	simm.s32 $0x9;
	s16 =	simm.s32 $0x0;
	[tilespmem:$0x60] =	vst v1;
	p0 =	sgt.s32 s9, $0x0  }
0xa: {  	s17 =	simm.s32 $0xF0;
	s18 =	simm.s32 $0xFFFFFFFF;
	[tilespmem:$0x70] =	vst v1;
	s9 =	simm.s32 @!p0 $0x0  }
0xb: {  	s19 =	simm.s32 $0xFFFFC280;
	s20 =	simm.s32 $0xFFFFFFFE;
	[tilespmem:$0x80] =	vst v1;
	s30 =	smulhi.u32 $0x10624DD3, s9  }
0xc: {  	s21 =	simm.s32 $0xF;
	s25 =	simm.s32 $0x0;
	s24 =	simm.s32 $0x0;
	v1 =	vimm.s32 $0x0;
	[tilespmem:$0xB0] =	vst v0  }
0xd: {  	s6 =	sadd.s32 $0x1AC00, s0;
	s15 =	sshllo.u32 s15, $0x1;
	[tilespmem:$0x90] =	vst v1;
	s10 =	sshrl.u32 s30, $0x9  }
0xe: {  	[tilespmem:$0xA0] =	vst v1;
	[sflag:s7] =	ssyncpa.u1 $0x0;
	s7 =	simm.s32 $0x7;
	s11 =	smul.u32 $0x1F40, s10  }
.Ltmp0:
0xf: {  	s13 =	sor.u32 $0x80, s3;
	[sflag:s7] =	ssyncpa.u1 $0x0;
	(pc) =	sbr.rel .LBB2_1-.Ltmp0, $4  }
0x10: {  	s14 =	sor.u32 $0x81, s3;
	[sflag:s8] =	ssyncpa.u1 $0x0;
	p0 =	sne.s32 s9, s11  }
0x11: {  	s23 =	smov.u32 s4;
	s1 =	sadd.s32 $0x2E800, s0;
	s2 =	simm.s32 @!p0 $0x0  }
0x12: {  	vm0 =	vmmov $0xffff;
	v2 =	vlaneseq.u32;
	[sflag:s31] =	ssyncpa.u1 $0x0;
	s9 =	sadd.s32 $0x24A00, s0;
	s10 =	sadd.s32 s2, s10  }
0x13: {  	vm1 =	vmxor vm1, vm1;
	vm2 =	vmmov $0x1;
	vm3 =	vcmask $0x3F3C;
	p0 =	por $0x0, $0x0;
	s11 =	sadd.s32 $0x1, s10;
	s12 =	sadd.s32 $0x2, s10  }
.LBB2_9:
0x14: {  	p1 =	slt.u32 s24, $0x3  }
0x15: {  	s0 =	simm.s32 @!p1 $0x2  }
0x16: {  	_ =	swait.ge @!p1 [sflag:s0], $0x1F40  }
0x17: {  	[sflag:s0] =	ssyncset.done @!p1 $0x0  }
0x18: {  	[sflag:s0] =	ssyncadd.s32 @!p1 $0xFFFFE0C0;
	s0 =	simm.s32 @!p1 $0x9  }
0x19: {  	_ =	swait.ge @!p1 [sflag:s0], $0x10  }
0x1a: {  	[sflag:s0] =	ssyncset.done @!p1 $0x0  }
0x1b: {  	[sflag:s0] =	ssyncadd.s32 @!p1 $0xFFFFFFF0;
	p1 =	sne.s32 s24, s12  }
.Ltmp1:
0x1c: {  	s2 =	sadd.s32 $0x1F40, s23;
	(pc) =	sbr.rel @!p1 .LBB2_10-.Ltmp1, $4  }
0x1d: {  	s22 =	smov.u32 s4;
	s31 =	sadd.s32 $0x1, s24;
	s17 =	sadd.s32 $0x1F40, s17  }
0x1e: {  	s18 =	sadd.s32 $0x1, s18;
	s25 =	smov.u32 s23;
	p2 =	slt.s32 s2, s5  }
0x1f: {  	p0 =	por !p0, !p0;
	s19 =	sadd.s32 $0x1F40, s19;
	s22 =	smov.u32 @p2 s2  }
0x20: {  	s20 =	sadd.s32 $0x1, s20;
	s23 =	smov.u32 s22;
	s24 =	smov.u32 s31  }
.LBB2_1:
0x21: {  	p1 =	sge.u32 s24, s10  }
0x22: {  	s0 =	smulhi.u32 @!p1 $0xAAAAAAAB, s24;
	_ =	sdelay $0x1  }
0x23: {  	s0 =	sshrl.u32 @!p1 s0, $0x1  }
0x24: {  	s0 =	smul.u32 @!p1 $0x3, s0;
	_ =	sdelay $0x1  }
0x25: {  	s0 =	ssub.s32 @!p1 s24, s0  }
0x26: {  	s0 =	smul.u32 @!p1 $0x7D00, s0;
	_ =	sdelay $0x1  }
0x27: {  	s2 =	sshrl.u32 @!p1 s23, $0x3;
	s0 =	sshrl.u32 @!p1 s0, $0x2  }
0x28: {  	s22 =	sand.u32 @!p1 $0x7, s23;
	s2 =	sadd.s32 @!p1 s6, s2;
	s0 =	sadd.s32 @!p1 $0x100, s0  }
0x29: {  	[tilespmem:s0], [sflag:$0x7] =	stream.linear.gather @!p1 [hbm4b:s2+s22], $0x1F40, $0x38;
	[tilespmem:$0x11A60] =	vst v63  }
0x2a: {  	s0 =	sadd.s32 $0xFFFFFFFF, s24  }
0x2b: {  	p1 =	sge.u32 s0, s10  }
.Ltmp2:
0x2c: {  	_ = 	snop;
	(pc) =	sbr.rel @p1 .LBB2_5-.Ltmp2, $1  }
0x2d: {  	_ =	sdelay $0x3  }
0x2e: {  	s2 =	smulhi.u32 $0xAAAAAAAB, s0;
	_ =	sdelay $0x1  }
0x2f: {  	s2 =	sshrl.u32 s2, $0x1  }
0x30: {  	s2 =	smul.u32 $0x3, s2;
	_ =	sdelay $0x1  }
0x31: {  	s2 =	ssub.s32 s0, s2  }
0x32: {  	s2 =	smul.u32 $0x7D00, s2  }
0x33: {  	_ =	swait.ge [sflag:s7], $0x1F40  }
0x34: {  	[sflag:s7] =	ssyncset.done $0x0;
	s2 =	sshrl.u32 s2, $0x2  }
0x35: {  	[sflag:s7] =	ssyncadd.s32 $0xFFFFE0C0;
	(ifvalue) =	ssetifvalue $0xFFFFFFFF;
	v3 =	vld.msk [tilespmem:s2+$0x100 ss:$0x1], $0xffff;
	_ =	sdelay $0x2  }
0x36: {  	s30 =	smulhi.u32 $0xAAAAAAAB, s18;
	p1 =	sne.s32 s24, $0x1  }
0x37: {  	v4 =	vimm.s32 @!p1 $0x0  }
0x38: {  	s2 =	sshrl.u32 s30, $0x1;
	v4 =	vperm.xlane @!p1 v3, v4  }
0x39: {  	s22 =	sshll.u32 s24, $0x4;
	s2 =	smul.u32 $0xFFFE8900, s2;
	vm4 =	vlt.u32 v3, $0x2800  }
0x3a: {  	s22 =	sand.u32 $0x10, s22;
	v3 =	vnsel vm4, $0xFFFFFFFE, v3;
	vm4 =	vlt.u32 @!p1 v4, $0x2800  }
0x3b: {  	s2 =	sshra.s32 s2, $0x2;
	[tilespmem:s22+$0x60] =	vst v3;
	v3 =	vnsel @!p1 vm4, $0xFFFFFFFE, v4  }
0x3c: {  	s28 =	sadd.s32 s2, s17;
	[tilespmem:$0x80] =	vst @!p1 v3  }
0x3d: {  	v3 =	vld.msk [tilespmem:s28+$0x0 ss:$0x1], $0xffff;
	_ =	sdelay $0x4  }
0x3e: {  	(xrf1) =	vunique.msk.u32 $0xffff, v3;
	_ =	sdelay $0xd  }
0x3f: {  	v4 =	vimm.s32 $0xFFFFFFFF;
	v5, _, _ =	vpop (xrf1)  }
0x40: {  	vm5 =	vne.s32 v3, v4;
	vm4 =	veq.s32 v5, v2  }
0x41: {  	vm6 =	vlt.u32 v3, $0x2800;
	vm4 =	vmand vm5, vm4  }
0x42: {  	vm4 =	vmand vm6, vm4  }
0x43: {  	v4 =	vnsel vm4, $0xFFFFFFFF, v3  }
0x44: {  	s31 =	sand.u32 $0x1, s0  }
0x45: {  	s0 =	simm.s32 $0x1F40;
	p1 =	seq.s32 s31, $0x1  }
0x46: {  	s0 =	simm.s32 @!p1 $0x0  }
0x47: {  	s26 =	sadd.s32 $0x7DF0, s0;
	(ifvalue) =	ssetifvalue $0xFFFFFFFF  }
0x48: {  	v3 =	vperm.xlane v3, v1;
	[tilespmem:s26], [sflag:$0x8] =	stream.indirect_vreg.gather [hbm4b:s1+s16], $0x1, v4, vm0, $0x4038;
	v4 =	vnsel vm6, $0xFFFFFFFE, v4;
	[tilespmem:$0x11A60] =	vst v63  }
0x49: {  	s2 =	simm.s32 $0x0;
	s22 =	sadd.s32 $0xFFFFFFF0, s28;
	[tilespmem:s28+$0x0] =	vst v4  }
.LBB2_3:
0x4a: {  	v4 =	vld.msk [tilespmem:s22+$0x0 ss:$0x1], $0xffff;
	s2 =	sadd.s32 $0x10, s2;
	v5 =	vmov v3;
	s28 =	smov.u32 s22  }
0x4b: {  	p1 =	slt.u32 s2, $0x1F30;
	_ =	sdelay $0x4  }
0x4c: {  	v3 =	vperm.xlane v4, v1;
	(xrf1) =	vunique.msk.u32 $0xffff, v4;
	_ =	sdelay $0xd  }
0x4d: {  	v6, _, _ =	vpop (xrf1)  }
0x4e: {  	vm5 =	vne.s32 v4, v5;
	vm4 =	veq.s32 v6, v2  }
0x4f: {  	vm6 =	vlt.u32 v4, $0x2800;
	vm4 =	vmand vm5, vm4  }
0x50: {  	vm4 =	vmand vm6, vm4  }
0x51: {  	v4 =	vnsel vm4, $0xFFFFFFFF, v4  }
.Ltmp3:
0x52: {  	v5 =	vnsel vm6, $0xFFFFFFFE, v4;
	(pc) =	sbr.rel @p1 .LBB2_3-.Ltmp3, $3  }
0x53: {  	_ =	sdelay $0x1  }
0x54: {  	s22 =	sadd.s32 $0xFFFFFFF0, s22;
	s26 =	sadd.s32 $0xFFFFFFF0, s26;
	(ifvalue) =	ssetifvalue $0xFFFFFFFF  }
0x55: {  	[tilespmem:s26], [sflag:$0x8] =	stream.indirect_vreg.gather [hbm4b:s1+s16], $0x1, v4, vm0, $0x4038;
	[tilespmem:s28+$0x0] =	vst v5  }
0x56: {  	s2 =	sshrl.u32 s25, $0x3  }
0x57: {  	s0 =	sadd.s32 $0x9D40, s0;
	s2 =	sadd.s32 s9, s2  }
0x58: {  	[tilespmem:s0], [sflag:$0x8] =	stream.linear.gather [hbm:s2], $0x1F40, $0x38;
	[tilespmem:$0x11A60] =	vst v63  }
.LBB2_5:
0x59: {  	p1 =	slt.u32 s24, $0x2  }
0x5a: {  	p2 =	sge.u32 @!p1 s24, s12  }
0x5b: {  	p1 =	por p1, p2  }
.Ltmp4:
0x5c: {  	_ = 	snop;
	(pc) =	sbr.rel @p1 .LBB2_9-.Ltmp4, $1  }
0x5d: {  	_ =	sdelay $0x3  }
0x5e: {  	s0 =	sadd.s32 $0xFFFFFFFE, s24  }
0x5f: {  	s2 =	smulhi.u32 $0xAAAAAAAB, s0;
	_ =	sdelay $0x1  }
0x60: {  	s2 =	sshrl.u32 s2, $0x1  }
0x61: {  	s2 =	smul.u32 $0x3, s2;
	_ =	sdelay $0x1  }
0x62: {  	s0 =	ssub.s32 s0, s2  }
0x63: {  	_ =	swait.ge [sflag:s8], $0x3E80;
	s0 =	smul.u32 $0x1F40, s0  }
0x64: {  	p1 =	sne.s32 s24, s11;
	[sflag:s8] =	ssyncset.done $0x0  }
0x65: {  	[sflag:s8] =	ssyncadd.s32 $0xFFFFC180;
	s2 =	sadd.s32 @!p1 $0x203F, s0  }
0x66: {  	[spmem:s14] =	stream.linear.scatter @!p1 [tilespmem:s2], [sflag:$0x1], $0x1, $0x38;
	[tilespmem:$0x11A60] =	vst v63  }
0x67: {  	s2 =	simm.s32 @!p1 $0x1  }
0x68: {  	_ =	swait.ge @!p1 [sflag:s2], $0x1  }
0x69: {  	s22 =	sshll.u32 s24, $0x4;
	[sflag:s2] =	ssyncset.done @!p1 $0x0  }
0x6a: {  	s25 =	sand.u32 $0x10, s22;
	[sflag:s2] =	ssyncadd.s32 @!p1 $0xFFFFFFFF  }
0x6b: {  	s2 =	sxor.u32 $0x10, s25;
	v4 =	vld [tilespmem:s25+$0x10]  }
0x6c: {  	v5 =	vld [tilespmem:s2+$0x60]  }
0x6d: {  	v3 =	vld [tilespmem:$0x80];
	_ =	sdelay $0x2  }
0x6e: {  	(v2sf) =	vpush v4, $0x0  }
0x6f: {  	(v2sf) =	vpush v5, $0x0  }
0x70: {  	(v2sf) =	vpush v3, $0x0;
	_ =	sdelay $0xc  }
0x71: {  	s22 =	spop (v2sf)  }
0x72: {  	s26 =	spop (v2sf)  }
0x73: {  	s28 =	spop (v2sf)  }
0x74: {  	p2 =	seq.s32 s22, s26;
	p3 =	seq.s32 s28, s22  }
0x75: {  	p3 =	por p2, p3  }
0x76: {  	s26 =	sand.u32 $0x1, s24;
	v4 =	vpsel p3, $0xFFFFFFFF, v4  }
0x77: {  	s29 =	smul.u32 $0x1F40, s26;
	[tilespmem:s25+$0x10] =	vst.msk $0x1, v4  }
0x78: {  	v4 =	vld [tilespmem:$0x30]  }
0x79: {  	v5 =	vld [tilespmem:s29+$0x9D40]  }
0x7a: {  	v6 =	vld [tilespmem:s25+$0x40];
	_ =	sdelay $0x3  }
0x7b: {  	vm4 =	vmmov vm1;
	v5 =	vadd.f32 v5, v4  }
0x7c: {  	vm5 =	vmmov vm2;
	vm4 =	vmmov @p2 vm2;
	s22 =	sshll.u32 s26, $0x4;
	v4 =	vadd.f32 v6, v4  }
0x7d: {  	s26 =	sor.u32 $0x11A40, s22;
	vm5 =	vmmov @p3 vm1;
	[tilespmem:s29+$0x9D40] =	vst.msk vm4, v5  }
0x7e: {  	[tilespmem:s26+$0x0] =	vst.msk vm5, v4  }
0x7f: {  	v4 =	vld [tilespmem:s29+$0x7DF0];
	_ =	sdelay $0x3  }
0x80: {  	v5 =	vimm.f32 $0.0e+00  }
0x81: {  	v4 =	vshift.insert v4, v5, s21  }
0x82: {  	s22 =	sor.u32 $0x40, s2  }
0x83: {  	[tilespmem:s22+$0x0] =	vst.msk $0x1, v4  }
0x84: {  	[tilespmem:s29+$0x7DFF] =	vst.msk $0x1, v5  }
0x85: {  	v4 =	vld [tilespmem:s0+$0x2030];
	_ =	sdelay $0x1  }
0x86: {  	s22 =	smulhi.u32 $0xAAAAAAAB, s20;
	s0 =	simm.s32 $0x1  }
0x87: {  	s0 =	simm.s32 @!p0 $0x0  }
0x88: {  	s22 =	sshrl.u32 s22, $0x1;
	s0 =	smul.u32 $0x7D00, s0  }
0x89: {  	s22 =	smul.u32 $0xFFFE8900, s22;
	v4 =	vshift.insert v4, v1, s21  }
0x8a: {  	s0 =	sshrl.u32 s0, $0x2  }
0x8b: {  	s22 =	sshra.s32 s22, $0x2;
	s30 =	sadd.s32 $0x9D40, s0;
	[tilespmem:s2+$0x10] =	vst.msk $0x1, v4  }
0x8c: {  	s22 =	sadd.s32 s22, s19;
	v6 =	vld [tilespmem:s30+$0x0]  }
0x8d: {  	v7 =	vld [tilespmem:s22+$0x0];
	_ =	sdelay $0x3  }
0x8e: {  	v5 =	vadd.f32 v6, v5  }
0x8f: {  	vm4 =	vne.s32 v7, $0xFFFFFFFF  }
0x90: {  	(xrf2) =	vadd.seg.scan.f32 vm4, v5;
	_ =	sdelay $0x3  }
0x91: {  	s31 =	sadd.s32 $0x5EC0, s0;
	v5 =	vperm.xlane v4, v1  }
0x92: {  	v6 =	vld [tilespmem:s31+$0x0]  }
0x93: {  	vm5 =	veq.s32 v7, v3;
	vm6 =	veq.s32 v7, v5  }
0x94: {  	vm7 =	vgt.u32 v7, $0xFFFFFFFD;
	vm6 =	vmor vm6, vm5  }
0x95: {  	vm6 =	vmor vm6, vm7  }
0x96: {  	v9 =	vld [tilespmem:$0xA0];
	v7 =	vsel vm6, $0xFFFFFFFF, v7  }
0x97: {  	v10 =	vld [tilespmem:$0x90];
	v6 =	vsel vm5, $0x0, v6;
	v8, _, _ =	vpop (xrf2)  }
0x98: {  	v6 =	vadd.f32 v8, v6  }
0x99: {  	s0 =	sadd.s32 $0xDBC0, s0  }
0x9a: {  	vm4 =	vmand vm4, vm3;
	[tilespmem:s0+$0x0] =	vst v6;
	(ifvalue) =	ssetifvalue $0xFFFFFFFF  }
0x9b: {  	vm6 =	veq.s32 v9, $0x1;
	[hbm4b:s1+s16] =	stream.indirect_vreg.scatter [tilespmem:s0], [sflag:$0x2], $0x1, v7, vm0, $0x4038;
	v7 =	vsel vm4, $0x0, v8;
	[tilespmem:$0x11A60] =	vst v63  }
0x9c: {  	s2 =	simm.s32 $0x0;
	s22 =	sadd.s32 $0x10, s22;
	vm4 =	vmor vm6, vm5;
	v6 =	vsel vm5, v8, v10;
	v7 =	vshift.insert v7, v0, s21  }
.LBB2_7:
0x9d: {  	v8 =	vld [tilespmem:s22+$0x0];
	s30 =	sadd.s32 $0x10, s30  }
0x9e: {  	s31 =	sadd.s32 $0x10, s31;
	v9 =	vld [tilespmem:s30+$0x0]  }
0x9f: {  	s2 =	sadd.s32 $0x10, s2;
	v10 =	vld [tilespmem:s31+$0x0]  }
0xa0: {  	p2 =	slt.u32 s2, $0x1F30;
	_ =	sdelay $0x2  }
0xa1: {  	v7 =	vadd.f32 v9, v7  }
0xa2: {  	vm5 =	vne.s32 v8, $0xFFFFFFFF  }
0xa3: {  	vm6 =	vmand vm5, vm3;
	(xrf2) =	vadd.seg.scan.f32 vm5, v7;
	_ =	sdelay $0x5  }
0xa4: {  	vm7 =	veq.s32 v8, v5;
	vm5 =	veq.s32 v8, v3  }
0xa5: {  	vm8 =	vgt.u32 v8, $0xFFFFFFFD;
	vm4 =	vmor vm4, vm5;
	vm7 =	vmor vm7, vm5  }
0xa6: {  	vm7 =	vmor vm7, vm8  }
0xa7: {  	v8 =	vsel vm7, $0xFFFFFFFF, v8  }
.Ltmp5:
0xa8: {  	v7 =	vsel vm5, $0x0, v10;
	v9, _, _ =	vpop (xrf2);
	(pc) =	sbr.rel @p2 .LBB2_7-.Ltmp5, $4  }
0xa9: {  	v6 =	vsel vm5, v9, v6;
	v10 =	vadd.f32 v9, v7;
	v7 =	vsel vm6, $0x0, v9  }
0xaa: {  	s0 =	sadd.s32 $0x10, s0;
	v7 =	vshift.insert v7, v0, s21  }
0xab: {  	s22 =	sadd.s32 $0x10, s22;
	[tilespmem:s0+$0x0] =	vst v10;
	(ifvalue) =	ssetifvalue $0xFFFFFFFF  }
0xac: {  	[hbm4b:s1+s16] =	stream.indirect_vreg.scatter [tilespmem:s0], [sflag:$0x2], $0x1, v8, vm0, $0x4038;
	[tilespmem:$0x11A60] =	vst v63  }
0xad: {  	v3 =	vld [tilespmem:s29+$0xFAF0];
	_ =	sdelay $0x4  }
0xae: {  	v3 =	vshift.insert v3, v0, s21  }
0xaf: {  	s0 =	simm.s32 $0x30  }
0xb0: {  	[tilespmem:s0+$0x0] =	vst.msk $0x1, v3  }
0xb1: {  	v3 =	vsel vm4, $0x1, v1;
	[tilespmem:$0x90] =	vst v6  }
0xb2: {  	s0 =	sadd.s32 @!p1 $0xFAFF, s29;
	[tilespmem:$0xA0] =	vst v3  }
0xb3: {  	[spmem:s15] =	stream.linear.scatter @!p1 [tilespmem:s0], [sflag:$0x1], $0x1, $0x38;
	[tilespmem:$0x11A60] =	vst v63  }
0xb4: {  	s0 =	simm.s32 @!p1 $0x1  }
0xb5: {  	v3 =	vmctz.xlane @!p1 vm4;
	_ =	swait.ge @!p1 [sflag:s0], $0x1  }
0xb6: {  	(v2sf) =	vpush @!p1 v4, $0x0  }
0xb7: {  	(v2sf) =	vpush @!p1 v3, $0x0;
	_ =	sdelay $0xd  }
0xb8: {  	s2 =	spop @!p1 (v2sf)  }
0xb9: {  	s22 =	spop @!p1 (v2sf)  }
0xba: {  	p2 =	sne.s32 @!p1 s28, s2;
	p3 =	slt.s32 @!p1 s22, $0xF  }
0xbb: {  	[sflag:s0] =	ssyncset.done @!p1 $0x0;
	p2 =	por p2, p1;
	p3 =	por !p3, p1  }
0xbc: {  	[sflag:s0] =	ssyncadd.s32 @!p1 $0xFFFFFFFF;
	v3 =	vimm.s32 @!p2 $0xFFFFFFFF;
	s22 =	simm.s32 @p3 $0xF  }
0xbd: {  	[tilespmem:$0x80] =	vst @!p2 v3;
	s2 =	sadd.s32 @!p1 $0x90, s22  }
0xbe: {  	[spmem:s3] =	stream.linear.scatter @!p1 [tilespmem:s2], [sflag:$0x1], $0x1, $0x38;
	[tilespmem:$0x11A60] =	vst v63  }
0xbf: {  	_ =	swait.ge @!p1 [sflag:s0], $0x1  }
0xc0: {  	[sflag:s0] =	ssyncset.done @!p1 $0x0  }
0xc1: {  	s2 =	simm.s32 @!p1 $0x80;
	[sflag:s0] =	ssyncadd.s32 @!p1 $0xFFFFFFFF  }
0xc2: {  	[spmem:s13] =	stream.linear.scatter @!p1 [tilespmem:s2], [sflag:$0x1], $0x1, $0x38;
	[tilespmem:$0x11A60] =	vst v63  }
0xc3: {  	_ =	swait.ge @!p1 [sflag:s0], $0x1  }
0xc4: {  	[sflag:s0] =	ssyncset.done @!p1 $0x0  }
0xc5: {  	[sflag:s0] =	ssyncadd.s32 @!p1 $0xFFFFFFFF;
	(ifvalue) =	ssetifvalue $0xFFFFFFFF;
	v3 =	vld [tilespmem:s25+$0x10];
	_ =	sdelay $0x3  }
.Ltmp6:
0xc6: {  	_ = 	snop;
	(pc) =	sbr.rel .LBB2_9-.Ltmp6, $3  }
0xc7: {  	_ =	sdelay $0x1  }
0xc8: {  	(ifvalue) =	ssetifvalue $0xFFFFFFFF  }
0xc9: {  	[hbm4b:s1+s16] =	stream.indirect_vreg.scatter [tilespmem:s26], [sflag:$0x9], $0x1, v3, vm0, $0x4038;
	[tilespmem:$0x11A60] =	vst v63  }
.LBB2_10:
0xca: {  	_ =	sfence.sel $0x180000  }
0xcb: {  	s0 =	simm.s32 $0x7;
	[bflag:$0x0] =	sbarrier.arrive $0xFFFF  }
0xcc: {  	s26 =	simm.s32 $0x8;
	[sflag:s0] =	ssyncpa.u1 $0x1  }
0xcd: {  	s28 =	simm.s32 $0x9;
	[sflag:s26] =	ssyncpa.u1 $0x1  }
0xce: {  	[sflag:s28] =	ssyncpa.u1 $0x1  }
0xcf: {  	_ =	sfence.stream.spmem  }
0xd0: {  	s29 =	simm.s32 $0x3;
	[bflag:$0x0] =	sbarrier.arrive $0xFFFF  }
0xd1: {  	s30 =	simm.s32 $0x4;
	[sflag:s29] =	ssyncpa.u1 $0x1  }
0xd2: {  	s31 =	simm.s32 $0x3C;
	s2 =	stileid.u32;
	[sflag:s30] =	ssyncpa.u1 $0x1  }
0xd3: {  	p0 =	sne.s32 s2, $0x0;
	[sflag:s31] =	ssyncpa.u1 $0x1  }
0xd4: {  	s0 =	simm.s32 @p0 $0x1;
	_ =	sfence @p0  }
0xd5: {  	[sflag:s0] =	ssyncpa.u1 @p0 $0x1;
	s0 =	simm.s32 @p0 $0x2  }
0xd6: {  	[sflag:s0] =	ssyncpa.u1 @p0 $0x1  }
0xd7: {  	_ =	strace @p0 $0x90000047  }
0xd8: {  	[bflag:$0x2] =	sbarrier.arrive @p0 $0xFFFF  }
0xd9: {  	_ =	shalt @p0  }
.LBB2_11:
0xda: {  	_ =	sfence.stream.spmem;
	s0 =	simm.s32 $0x5  }
0xdb: {  	s2 =	simm.s32 $0x80;
	s3 =	simm.s32 $0xC0;
	[sflag:s0] =	ssyncpa.u1 $0x0  }
0xdc: {  	[tilespmem:s3], [sflag:$0x5] =	stream.linear.gather [spmem:s2], $0x20, $0x38;
	[tilespmem:$0x11A60] =	vst v63  }
0xdd: {  	s2 =	simm.s32 $0x0;
	s3 =	simm.s32 $0xE0  }
0xde: {  	[tilespmem:s3], [sflag:$0x5] =	stream.linear.gather [spmem:s2], $0x20, $0x38;
	[tilespmem:$0x11A60] =	vst v63  }
.Ltmp7:
0xdf: {  	_ = 	snop;
	(pc) =	sbr.rel .LBB2_12-.Ltmp7, $4  }
0xe0: {  	_ =	swait.ge [sflag:s0], $0x40  }
0xe1: {  	[sflag:s0] =	ssyncset.done $0x0  }
0xe2: {  	s31 =	simm.s32 $0x6;
	[sflag:s0] =	ssyncadd.s32 $0xFFFFFFC0  }
0xe3: {  	s4 =	simm.s32 $0x0;
	[sflag:s31] =	ssyncpa.u1 $0x0  }
.LBB2_17:
0xe4: {  	p0 =	sgt.u32 s5, $0x27FF  }
0xe5: {  	s0 =	sshrl.u32 @!p0 s5, $0x3  }
0xe6: {  	s5 =	sand.u32 @!p0 $0x7, s5;
	s6 =	simm.s32 @!p0 $0xB0;
	s0 =	sadd.s32 @!p0 s1, s0  }
0xe7: {  	[tilespmem:s6], [sflag:$0x6] =	stream.linear.gather @!p0 [hbm4b:s0+s5], $0x1, $0x38;
	[tilespmem:$0x11A60] =	vst v63  }
0xe8: {  	s0 =	simm.s32 @!p0 $0x6  }
0xe9: {  	_ =	swait.ge @!p0 [sflag:s0], $0x1  }
0xea: {  	[sflag:s0] =	ssyncset.done @!p0 $0x0  }
0xeb: {  	[sflag:s0] =	ssyncadd.s32 @!p0 $0xFFFFFFFF  }
0xec: {  	v2 =	vmov @!p0 s4;
	v1 =	vld.msk @!p0 [tilespmem:$0xB0], $0x1;
	_ =	sdelay $0x3  }
0xed: {  	s0 =	simm.s32 @!p0 $0xE0  }
0xee: {  	[tilespmem:v2+s0+$0x0], v1 =	vst.idx.ret.add.f32.msk @!p0 $0x1, v1  }
0xef: {  	[tilespmem:s2+$0xC0] =	vst.msk $0x1, v0  }
0xf0: {  	v0 =	vld.msk [tilespmem:s4+$0xE0], $0x1;
	_ =	sdelay $0x4  }
0xf1: {  	[tilespmem:s2+$0xE0] =	vst.msk $0x1, v0;
	s2 =	sadd.s32 $0x1, s2  }
.LBB2_19:
0xf2: {  	s4 =	sadd.s32 $0x1, s4  }
0xf3: {  	p0 =	sne.s32 s4, $0x20  }
.Ltmp8:
0xf4: {  	_ = 	snop;
	(pc) =	sbr.rel @!p0 .LBB2_20-.Ltmp8, $1  }
0xf5: {  	_ =	sdelay $0x3  }
.LBB2_12:
0xf6: {  	v0 =	vld.msk [tilespmem:s4+$0xC0], $0x1;
	_ =	sdelay $0x4  }
0xf7: {  	(v2sf) =	vpush v0, $0x0;
	_ =	sdelay $0xe  }
0xf8: {  	s5 =	spop (v2sf)  }
0xf9: {  	p0 =	seq.s32 s5, $0xFFFFFFFF  }
.Ltmp9:
0xfa: {  	_ = 	snop;
	(pc) =	sbr.rel @p0 .LBB2_19-.Ltmp9, $1  }
0xfb: {  	_ =	sdelay $0x3  }
0xfc: {  	p0 =	slt.s32 s2, $0x1  }
.Ltmp10:
0xfd: {  	_ = 	snop;
	(pc) =	sbr.rel @p0 .LBB2_17-.Ltmp10, $1  }
0xfe: {  	_ =	sdelay $0x3  }
0xff: {  	s0 =	simm.s32 $0xC0;
	p0 =	por $0x0, $0x0  }
0x100: {  	v1 =	vld.msk @!p0 [tilespmem:s0+$0x0], $0x1;
	_ =	sdelay $0x4  }
0x101: {  	(v2sf) =	vpush @!p0 v1, $0x0;
	_ =	sdelay $0xd  }
0x102: {  	p2 =	sne.s32 s2, $0x1  }
.Ltmp11:
0x103: {  	s6 =	spop @!p0 (v2sf);
	(pc) =	sbr.rel @!p2 .LBB2_16-.Ltmp11, $4  }
0x104: {  	p1 =	seq.s32 @!p0 s5, s6  }
0x105: {  	s6 =	simm.s32 $0x0;
	p1 =	por !p1, p0  }
0x106: {  	s8 =	simm.s32 $0xFFFFFFFF;
	s6 =	simm.s32 @p1 $0xFFFFFFFF  }
0x107: {  	s7 =	simm.s32 $0x1;
	s6 =	smov.u32 @p0 s8  }
.LBB2_15:
0x108: {  	s8 =	smov.u32 s6;
	p0 =	sne.s32 s6, $0xFFFFFFFF  }
0x109: {  	s0 =	sadd.s32 $0x1, s0;
	s6 =	smov.u32 s7;
	s7 =	sadd.s32 $0x1, s7  }
0x10a: {  	p1 =	sne.s32 s2, s7;
	v1 =	vld.msk @!p0 [tilespmem:s0+$0x0], $0x1;
	_ =	sdelay $0x4  }
0x10b: {  	(v2sf) =	vpush @!p0 v1, $0x0;
	_ =	sdelay $0xe  }
.Ltmp12:
0x10c: {  	s9 =	spop @!p0 (v2sf);
	(pc) =	sbr.rel @p1 .LBB2_15-.Ltmp12, $4  }
0x10d: {  	p2 =	seq.s32 @!p0 s5, s9  }
0x10e: {  	p2 =	por !p2, p0  }
0x10f: {  	s6 =	simm.s32 @p2 $0xFFFFFFFF  }
0x110: {  	s6 =	smov.u32 @p0 s8  }
.LBB2_16:
0x111: {  	p0 =	sne.s32 s6, $0xFFFFFFFF  }
.Ltmp13:
0x112: {  	_ = 	snop;
	(pc) =	sbr.rel @!p0 .LBB2_17-.Ltmp13, $1  }
0x113: {  	_ =	sdelay $0x3  }
0x114: {  	v0 =	vld.msk [tilespmem:s4+$0xE0], $0x1;
	v1 =	vmov s6  }
.Ltmp14:
0x115: {  	_ = 	snop;
	(pc) =	sbr.rel .LBB2_19-.Ltmp14, $2  }
0x116: {  	_ =	sdelay $0x2  }
0x117: {  	[tilespmem:v1+s3+$0x0], v0 =	vst.idx.ret.add.f32.msk $0x1, v0  }
.LBB2_20:
0x118: {  	p0 =	slt.s32 s2, $0x1  }
.Ltmp15:
0x119: {  	_ = 	snop;
	(pc) =	sbr.rel @p0 .LBB2_24-.Ltmp15, $3  }
0x11a: {  	_ =	sdelay $0x1  }
0x11b: {  	s0 =	simm.s32 $0x6  }
0x11c: {  	s3 =	simm.s32 $0x0;
	[sflag:s0] =	ssyncpa.u1 $0x1  }
0x11d: {  	s0 =	simm.s32 $0xC0  }
0x11e: {  	v0 =	vld.msk [tilespmem:s0+$0x0], $0x1;
	_ =	sdelay $0x4  }
0x11f: {  	(v2sf) =	vpush v0, $0x0;
	_ =	sdelay $0xe  }
0x120: {  	s2 =	sadd.s32 $0xFFFFFFFF, s2;
	s4 =	spop (v2sf)  }
0x121: {  	p1 =	sne.s32 s2, $0x0;
	p0 =	sgt.u32 s4, $0x27FF  }
.Ltmp16:
0x122: {  	s5 =	sshrl.u32 @!p0 s4, $0x3;
	(pc) =	sbr.rel @!p1 .LBB2_23-.Ltmp16, $4  }
0x123: {  	s0 =	simm.s32 $0xE0;
	s4 =	sand.u32 @!p0 $0x7, s4;
	s5 =	sadd.s32 @!p0 s1, s5  }
0x124: {  	[hbm4b:s5+s4] =	stream.linear.scatter @!p0 [tilespmem:s0], [sflag:$0x5], $0x1, $0x38;
	[tilespmem:$0x11A60] =	vst v63  }
0x125: {  	s5 =	simm.s32 $0x0  }
0x126: {  	s4 =	simm.s32 $0xC1;
	s5 =	simm.s32 @!p0 $0x4  }
.LBB2_22:
0x127: {  	v0 =	vld.msk [tilespmem:s4+$0x0], $0x1;
	s2 =	sadd.s32 $0xFFFFFFFF, s2;
	s3 =	sadd.s32 s3, s5  }
0x128: {  	p0 =	sne.s32 s2, $0x0;
	_ =	sdelay $0x3  }
0x129: {  	(v2sf) =	vpush v0, $0x0;
	_ =	sdelay $0xe  }
.Ltmp17:
0x12a: {  	s6 =	spop (v2sf);
	(pc) =	sbr.rel @p0 .LBB2_22-.Ltmp17, $4  }
0x12b: {  	s5 =	simm.s32 $0x0;
	p1 =	sgt.u32 s6, $0x27FF  }
0x12c: {  	s0 =	sadd.s32 $0x1, s0;
	s5 =	simm.s32 @!p1 $0x4;
	s7 =	sshrl.u32 @!p1 s6, $0x3  }
0x12d: {  	s4 =	sadd.s32 $0x1, s4;
	s6 =	sand.u32 @!p1 $0x7, s6;
	s7 =	sadd.s32 @!p1 s1, s7  }
0x12e: {  	[hbm4b:s7+s6] =	stream.linear.scatter @!p1 [tilespmem:s0], [sflag:$0x5], $0x1, $0x38;
	[tilespmem:$0x11A60] =	vst v63  }
.LBB2_23:
0x12f: {  	s0 =	sadd.s32 s3, s5  }
0x130: {  	s3 =	sshrl.u32 s0, $0x2  }
.LBB2_24:
0x131: {  	s0 =	simm.s32 $0x5  }
0x132: {  	_ =	swait.ge [sflag:s0], s3  }
0x133: {  	s1 =	ssub.s32 $0x0, s3;
	[sflag:s0] =	ssyncset.done $0x0  }
0x134: {  	[sflag:s0] =	ssyncadd.s32 s1  }
0x135: {  	[sflag:s0] =	ssyncpa.u1 $0x1  }
0x136: {  	s29 =	simm.s32 $0x1;
	_ =	sfence  }
0x137: {  	s30 =	simm.s32 $0x2;
	[sflag:s29] =	ssyncpa.u1 $0x1  }
0x138: {  	[sflag:s30] =	ssyncpa.u1 $0x1  }
0x139: {  	_ =	strace $0x90000047  }
0x13a: {  	[bflag:$0x2] =	sbarrier.arrive $0xFFFF  }
0x13b: {  	s31 =	rddreg [dreg:$0x1]  }
0x13c: {  	s0 =	sadd.s32 $0x100000, s31  }
0x13d: {  	[sflag:s0] =	ssyncadd.tile.s32 $0x1;
	_ =	shalt  }
.Lfunc_end2:
_tile_overlayer_lowered:
.L_overlay_start_2:
0x13e: {  	(tag) =	ssettag $0x2  }
0x13f: {  	s0 =	rddreg [dreg:$0x0];
	s2 =	stileid.u32  }
0x140: {  	s1 =	rddreg [dreg:$0x1];
	p0 =	sne.s32 s2, $0x0  }
0x141: {  	s3 =	rddreg [dreg:$0x2];
	[bflag:$0x3] =	sbarrier.arrive $0xFFFF;
	s2 =	simm.s32 @!p0 $0x1C01  }
0x142: {  	[timem:s3], [sflag:s2] =	dma.local @!p0 [hbm:s0], s1  }
0x143: {  	s0 =	simm.s32 @!p0 $0x1  }
0x144: {  	_ =	swait.ge @!p0 [sflag:s0], s1  }
0x145: {  	s1 =	ssub.s32 @!p0 $0x0, s1;
	[sflag:s0] =	ssyncset.done @!p0 $0x0  }
0x146: {  	[sflag:s0] =	ssyncadd.s32 @!p0 s1  }
0x147: {  	[bflag:$0x3] =	sbarrier.arrive $0xFFFF  }
0x148: {  	_ =	shalt  }

</sc_bundles>
